<compile_context>
chip_gen: v7x
topology: tpu7x:2x2x1
jax: 0.10.2.dev20260603
libtpu: 0.0.44.dev20260713+nightly
codegen_flags: <defaults>
</compile_context>

<pallas_src>
import functools

import jax
import jax.numpy as jnp
from jax import lax
from jax.experimental import pallas as pl
from jax.experimental.pallas import tpu as pltpu
import jax.experimental.pallas.tpu_sc as plsc

NC = 2
NS = 16
NW = NC * NS
LANES = 16
CHUNK = 128


def _pick_block(total, target):
    if total % target == 0:
        return target
    return total


def _project_nodes(node_attr, We1, u, be1):
    n, d = node_attr.shape
    bn = _pick_block(n, 2000)

    def body(na_ref, we1_ref, u_ref, be1_ref, psrc_ref, pdst_ref):
        na = na_ref[...]
        psrc_ref[...] = jnp.dot(na, we1_ref[0:d, :],
                                preferred_element_type=jnp.float32)
        cu = jnp.dot(u_ref[...], we1_ref[2 * d + 16:, :],
                     preferred_element_type=jnp.float32) + be1_ref[...]
        pdst_ref[...] = jnp.dot(na, we1_ref[d:2 * d, :],
                                preferred_element_type=jnp.float32) + cu

    return pl.pallas_call(
        body,
        grid=(n // bn,),
        in_specs=[
            pl.BlockSpec((bn, d), lambda i: (i, 0)),
            pl.BlockSpec(We1.shape, lambda i: (0, 0)),
            pl.BlockSpec(u.shape, lambda i: (0, 0)),
            pl.BlockSpec((1, d), lambda i: (0, 0)),
        ],
        out_specs=[
            pl.BlockSpec((bn, d), lambda i: (i, 0)),
            pl.BlockSpec((bn, d), lambda i: (i, 0)),
        ],
        out_shape=[
            jax.ShapeDtypeStruct((n, d), jnp.float32),
            jax.ShapeDtypeStruct((n, d), jnp.float32),
        ],
    )(node_attr, We1, u, be1.reshape(1, d))


def _gather_add(row, col, psrc, pdst):
    e = row.shape[0]
    d = psrc.shape[1]
    n = psrc.shape[0]
    n_chunks = e // CHUNK
    cpt = -(-n_chunks // NW)
    cpt += cpt % 2
    pad = NW * cpt * CHUNK - e
    if pad:
        fill = (jnp.arange(pad, dtype=jnp.int32) * 7) % n
        row = jnp.concatenate([row, fill])
        col = jnp.concatenate([col, fill])
    mesh = plsc.VectorSubcoreMesh(core_axis_name="c", subcore_axis_name="s",
                                  num_cores=NC, num_subcores=NS)
    row2d = row.reshape(NW * cpt, CHUNK)
    col2d = col.reshape(NW * cpt, CHUNK)

    @functools.partial(
        pl.kernel,
        out_type=jax.ShapeDtypeStruct((e, d), jnp.float32),
        mesh=mesh,
        scratch_types=[
            pltpu.VMEM((cpt, CHUNK), jnp.int32),
            pltpu.VMEM((cpt, CHUNK), jnp.int32),
            pltpu.VMEM((CHUNK,), jnp.int32),
            pltpu.VMEM((CHUNK,), jnp.int32),
            pltpu.VMEM((CHUNK,), jnp.int32),
            pltpu.VMEM((CHUNK,), jnp.int32),
            pltpu.VMEM((CHUNK, d), jnp.float32),
            pltpu.VMEM((CHUNK, d), jnp.float32),
            pltpu.VMEM((CHUNK, d), jnp.float32),
            pltpu.VMEM((CHUNK, d), jnp.float32),
            pltpu.VMEM((CHUNK, d), jnp.float32),
            pltpu.VMEM((CHUNK, d), jnp.float32),
            pltpu.SemaphoreType.DMA,
            pltpu.SemaphoreType.DMA,
            pltpu.SemaphoreType.DMA,
            pltpu.SemaphoreType.DMA,
            pltpu.SemaphoreType.DMA,
            pltpu.SemaphoreType.DMA,
        ],
    )
    def run(row_hbm, col_hbm, psrc_hbm, pdst_hbm, out_hbm,
            idx_a, idx_b, ia0, ib0, ia1, ib1, ba0, bb0, bo0, ba1, bb1, bo1,
            sa0, sb0, sa1, sb1, so0, so1):
        wid = lax.axis_index("s") * NC + lax.axis_index("c")
        start = cpt * wid
        pltpu.sync_copy(row_hbm.at[pl.ds(start, cpt)], idx_a)
        pltpu.sync_copy(col_hbm.at[pl.ds(start, cpt)], idx_b)
        bas = (ba0, ba1)
        bbs = (bb0, bb1)
        bos = (bo0, bo1)
        ias = (ia0, ia1)
        ibs = (ib0, ib1)
        sas = (sa0, sa1)
        sbs = (sb0, sb1)
        sos = (so0, so1)

        def issue(j, s):
            @pl.when((j < cpt) & (start + j < n_chunks))
            def _():
                jc = jnp.minimum(j, cpt - 1)
                for q in range(CHUNK // LANES):
                    sl = pl.ds(q * LANES, LANES)
                    ias[s][sl] = idx_a[jc, sl]
                    ibs[s][sl] = idx_b[jc, sl]
                pltpu.async_copy(psrc_hbm.at[ias[s]], bas[s], sas[s])
                pltpu.async_copy(pdst_hbm.at[ibs[s]], bbs[s], sbs[s])

        issue(0, 0)
        issue(1, 1)

        def pair(k, carry):
            for s in (0, 1):
                j = 2 * k + s

                @pl.when(start + j < n_chunks)
                def _():
                    pltpu.make_async_copy(psrc_hbm.at[ias[s]],
                                          bas[s], sas[s]).wait()
                    pltpu.make_async_copy(pdst_hbm.at[ibs[s]],
                                          bbs[s], sbs[s]).wait()

                    @pl.when(j >= 2)
                    def _():
                        pltpu.make_async_copy(bos[s],
                                              out_hbm.at[pl.ds(0, CHUNK)],
                                              sos[s]).wait()

                    ba, bb, bo = bas[s], bbs[s], bos[s]

                    def add_row(r0, rc):
                        for rr in range(4):
                            r = 4 * r0 + rr
                            for q in range(d // LANES):
                                sl = pl.ds(q * LANES, LANES)
                                bo[r, sl] = ba[r, sl] + bb[r, sl]
                        return rc

                    lax.fori_loop(0, CHUNK // 4, add_row, 0)

                issue(j + 2, s)

                @pl.when(start + j < n_chunks)
                def _():
                    pltpu.async_copy(bos[s],
                                     out_hbm.at[pl.ds((start + j) * CHUNK,
                                                      CHUNK)], sos[s])
            return carry

        lax.fori_loop(0, cpt // 2, pair, 0)
        for s in (0, 1):
            @pl.when(start + s < n_chunks)
            def _():
                pltpu.make_async_copy(bos[s], out_hbm.at[pl.ds(0, CHUNK)],
                                      sos[s]).wait()

    return run(row2d, col2d, psrc, pdst)


def _edge_mlp(h_pre, edge_attr, We1e, We2, be2):
    e, d = h_pre.shape
    de = edge_attr.shape[1]
    be = _pick_block(e, 2560)

    def body(h_ref, ea_ref, we1e_ref, we2_ref, be2_ref, out_ref):
        x = h_ref[...] + jnp.dot(ea_ref[...], we1e_ref[...],
                                 preferred_element_type=jnp.float32)
        x = jnp.maximum(x, 0.0).astype(jnp.bfloat16)
        out_ref[...] = jnp.dot(x, we2_ref[...],
                               preferred_element_type=jnp.float32) + be2_ref[...]

    return pl.pallas_call(
        body,
        grid=(e // be,),
        in_specs=[
            pl.BlockSpec((be, d), lambda i: (i, 0)),
            pl.BlockSpec((be, de), lambda i: (i, 0)),
            pl.BlockSpec((de, d), lambda i: (0, 0)),
            pl.BlockSpec((d, d), lambda i: (0, 0)),
            pl.BlockSpec((1, d), lambda i: (0, 0)),
        ],
        out_specs=pl.BlockSpec((be, d), lambda i: (i, 0)),
        out_shape=jax.ShapeDtypeStruct((e, d), jnp.float32),
    )(h_pre, edge_attr, We1e, We2.astype(jnp.bfloat16), be2.reshape(1, d))


def _scatter_add(col, e_out, zeros_nd):
    e, d = e_out.shape
    n = zeros_nd.shape[0]
    n_chunks = e // CHUNK
    half = n_chunks // NC
    iters = (half + NS - 1) // NS
    rows_per_tile = n // NS
    mesh = plsc.VectorSubcoreMesh(core_axis_name="c", subcore_axis_name="s", num_cores=NC, num_subcores=NS)

    @functools.partial(
        pl.kernel,
        out_type=jax.ShapeDtypeStruct((NC, n, d), jnp.float32),
        mesh=mesh,
        scratch_types=[
            pltpu.VMEM((CHUNK,), jnp.int32),
            pltpu.VMEM((CHUNK,), jnp.int32),
            pltpu.VMEM((CHUNK, d), jnp.float32),
            pltpu.VMEM((CHUNK, d), jnp.float32),
            pltpu.VMEM_SHARED((n, d), jnp.float32),
            pltpu.SemaphoreType.DMA,
            pltpu.SemaphoreType.DMA,
            pltpu.SemaphoreType.DMA,
            pltpu.SemaphoreType.DMA,
        ],
    )
    def run(col_hbm, eout_hbm, zeros_hbm, out_hbm,
            idx0, idx1, buf0, buf1, acc, si0, si1, se0, se1):
        cid = lax.axis_index("c")
        sid = lax.axis_index("s")
        r0 = sid * rows_per_tile
        pltpu.sync_copy(zeros_hbm.at[pl.ds(r0, rows_per_tile)],
                        acc.at[pl.ds(r0, rows_per_tile)])
        plsc.subcore_barrier()
        idxs = (idx0, idx1)
        bufs = (buf0, buf1)
        sis = (si0, si1)
        ses = (se0, se1)

        def issue(i, s):
            lc = sid + NS * i

            @pl.when(lc < half)
            def _():
                base = (cid * half + lc) * CHUNK
                pltpu.async_copy(col_hbm.at[pl.ds(base, CHUNK)],
                                 idxs[s], sis[s])
                pltpu.async_copy(eout_hbm.at[pl.ds(base, CHUNK)],
                                 bufs[s], ses[s])

        issue(0, 0)
        issue(1, 1)

        def pair(k, carry):
            for s in (0, 1):
                i = 2 * k + s
                lc = sid + NS * i

                @pl.when(lc < half)
                def _():
                    base = (cid * half + lc) * CHUNK
                    pltpu.make_async_copy(col_hbm.at[pl.ds(base, CHUNK)],
                                          idxs[s], sis[s]).wait()
                    pltpu.make_async_copy(eout_hbm.at[pl.ds(base, CHUNK)],
                                          bufs[s], ses[s]).wait()
                    pltpu.sync_copy(bufs[s], acc.at[idxs[s]], add=True)

                issue(i + 2, s)
            return carry

        lax.fori_loop(0, (iters + 1) // 2, pair, 0)
        plsc.subcore_barrier()
        pltpu.sync_copy(acc.at[pl.ds(r0, rows_per_tile)],
                        out_hbm.at[cid, pl.ds(r0, rows_per_tile)])

    return run(col, e_out, zeros_nd)


def _node_global_mlp(node_attr, agg2, u, Wn1, bn1, Wn2, bn2,
                     Wg1, bg1, Wg2, bg2, e):
    n, d = node_attr.shape
    du = u.shape[1]
    bn = _pick_block(n, 2000)
    ng = n // bn
    inv_n = 1.0 / n
    inv_e = 1.0 / e

    def body(na_ref, agg_ref, u_ref, wn1_ref, bn1_ref, wn2_ref, bn2_ref,
             wg1_ref, bg1_ref, wg2_ref, bg2_ref,
             nout_ref, gout_ref, nsum_ref, asum_ref):
        i = pl.program_id(0)
        agg = agg_ref[0] + agg_ref[1]
        cn = jnp.dot(u_ref[...], wn1_ref[2 * d:, :],
                     preferred_element_type=jnp.float32) + bn1_ref[...]
        x = (jnp.dot(na_ref[...], wn1_ref[0:d, :],
                     preferred_element_type=jnp.float32)
             + jnp.dot(agg, wn1_ref[d:2 * d, :],
                       preferred_element_type=jnp.float32) + cn)
        x = jnp.maximum(x, 0.0)
        n_out = jnp.dot(x, wn2_ref[...],
                        preferred_element_type=jnp.float32) + bn2_ref[...]
        nout_ref[...] = n_out

        @pl.when(i == 0)
        def _():
            nsum_ref[...] = jnp.zeros_like(nsum_ref)
            asum_ref[...] = jnp.zeros_like(asum_ref)

        nsum_ref[...] += jnp.sum(n_out, axis=0, keepdims=True)
        asum_ref[...] += jnp.sum(agg, axis=0, keepdims=True)

        @pl.when(i == ng - 1)
        def _():
            g = (jnp.dot(nsum_ref[...] * inv_n, wg1_ref[0:d, :],
                         preferred_element_type=jnp.float32)
                 + jnp.dot(asum_ref[...] * inv_e, wg1_ref[d:2 * d, :],
                           preferred_element_type=jnp.float32)
                 + jnp.dot(u_ref[...], wg1_ref[2 * d:, :],
                           preferred_element_type=jnp.float32)
                 + bg1_ref[...])
            g = jnp.maximum(g, 0.0)
            gout_ref[...] = jnp.dot(g, wg2_ref[...],
                                    preferred_element_type=jnp.float32
                                    ) + bg2_ref[...]

    return pl.pallas_call(
        body,
        grid=(ng,),
        in_specs=[
            pl.BlockSpec((bn, d), lambda i: (i, 0)),
            pl.BlockSpec((2, bn, d), lambda i: (0, i, 0)),
            pl.BlockSpec(u.shape, lambda i: (0, 0)),
            pl.BlockSpec(Wn1.shape, lambda i: (0, 0)),
            pl.BlockSpec((1, d), lambda i: (0, 0)),
            pl.BlockSpec(Wn2.shape, lambda i: (0, 0)),
            pl.BlockSpec((1, d), lambda i: (0, 0)),
            pl.BlockSpec(Wg1.shape, lambda i: (0, 0)),
            pl.BlockSpec((1, d), lambda i: (0, 0)),
            pl.BlockSpec(Wg2.shape, lambda i: (0, 0)),
            pl.BlockSpec((1, du), lambda i: (0, 0)),
        ],
        out_specs=[
            pl.BlockSpec((bn, d), lambda i: (i, 0)),
            pl.BlockSpec((1, du), lambda i: (0, 0)),
            pl.BlockSpec((1, d), lambda i: (0, 0)),
            pl.BlockSpec((1, d), lambda i: (0, 0)),
        ],
        out_shape=[
            jax.ShapeDtypeStruct((n, d), jnp.float32),
            jax.ShapeDtypeStruct((1, du), jnp.float32),
            jax.ShapeDtypeStruct((1, d), jnp.float32),
            jax.ShapeDtypeStruct((1, d), jnp.float32),
        ],
    )(node_attr, agg2, u, Wn1, bn1.reshape(1, d), Wn2, bn2.reshape(1, d),
      Wg1, bg1.reshape(1, d), Wg2, bg2.reshape(1, du))


def kernel(node_attr, edge_index, edge_attr, u,
           We1, be1, We2, be2,
           Wn1, bn1, Wn2, bn2,
           Wg1, bg1, Wg2, bg2):
    n, d = node_attr.shape
    e = edge_attr.shape[0]
    row = edge_index[0]
    col = edge_index[1]

    psrc, pdst = _project_nodes(node_attr, We1, u, be1)
    h_pre = _gather_add(row, col, psrc, pdst)
    e_out = _edge_mlp(h_pre, edge_attr, We1[2 * d:2 * d + edge_attr.shape[1]],
                      We2, be2)
    npad = -(-n // (NS * 8)) * (NS * 8)
    agg2 = _scatter_add(col, e_out, jnp.zeros((npad, d), jnp.float32))
    agg2 = agg2[:, :n]
    n_out, g_out, _, _ = _node_global_mlp(node_attr, agg2, u, Wn1, bn1,
                                          Wn2, bn2, Wg1, bg1, Wg2, bg2, e)
    return n_out, e_out, g_out

# --- scband reference (transcript-rebuilt; emitter-appended) ---
"""Pipeline reference for scband-graph-network-51891794871089 (READ-ONLY COPY).

The authoritative reference and input builder live on the scoring server;
editing this copy changes nothing except your own understanding.
"""

import jax, jax.numpy as jnp
import numpy as np

N, E, D, DE, DU, H = 10000, 320000, 128, 16, 32, 128

def _mlp_params(key, din, dh, dout):
    k1, k2 = jax.random.split(key)
    W1 = jax.random.normal(k1, (din, dh), jnp.float32) * (1.0 / np.sqrt(din))
    b1 = jnp.zeros((dh,), jnp.float32)
    W2 = jax.random.normal(k2, (dh, dout), jnp.float32) * (1.0 / np.sqrt(dh))
    b2 = jnp.zeros((dout,), jnp.float32)
    return W1, b1, W2, b2

def setup_inputs(seed: int = 0):
    key = jax.random.key(seed)
    ks = jax.random.split(key, 8)
    node_attr = jax.random.normal(ks[0], (N, D), jnp.float32)
    edge_index = jax.random.randint(ks[1], (2, E), 0, N, dtype=jnp.int32)
    edge_attr = jax.random.normal(ks[2], (E, DE), jnp.float32)
    u = jax.random.normal(ks[3], (1, DU), jnp.float32)
    We1, be1, We2, be2 = _mlp_params(ks[4], 2 * D + DE + DU, H, D)
    Wn1, bn1, Wn2, bn2 = _mlp_params(ks[5], 2 * D + DU, H, D)
    Wg1, bg1, Wg2, bg2 = _mlp_params(ks[6], 2 * D + DU, H, DU)
    return {"node_attr": node_attr, "edge_index": edge_index, "edge_attr": edge_attr, "u": u,
            "We1": We1, "be1": be1, "We2": We2, "be2": be2,
            "Wn1": Wn1, "bn1": bn1, "Wn2": Wn2, "bn2": bn2,
            "Wg1": Wg1, "bg1": bg1, "Wg2": Wg2, "bg2": bg2}

def reference(node_attr, edge_index, edge_attr, u,
              We1, be1, We2, be2,
              Wn1, bn1, Wn2, bn2,
              Wg1, bg1, Wg2, bg2):
    row = edge_index[0]
    col = edge_index[1]
    n = node_attr.shape[0]
    e = edge_attr.shape[0]
    # edge model: MLP on [src, dst, edge_attr, u]
    u_e = jnp.broadcast_to(u, (e, u.shape[1]))
    e_in = jnp.concatenate([node_attr[row], node_attr[col], edge_attr, u_e], axis=1)
    e_out = jax.nn.relu(e_in @ We1 + be1) @ We2 + be2
    # node model: scatter-add aggregation of updated edges to dst nodes, then MLP
    agg = jax.ops.segment_sum(e_out, col, num_segments=n)
    u_n = jnp.broadcast_to(u, (n, u.shape[1]))
    n_in = jnp.concatenate([node_attr, agg, u_n], axis=1)
    n_out = jax.nn.relu(n_in @ Wn1 + bn1) @ Wn2 + bn2
    # global model: mean-pooled nodes/edges + u, then MLP
    g_in = jnp.concatenate([jnp.mean(n_out, axis=0, keepdims=True),
                            jnp.mean(e_out, axis=0, keepdims=True), u], axis=1)
    g_out = jax.nn.relu(g_in @ Wg1 + bg1) @ Wg2 + bg2
    return (n_out, e_out, g_out)

if __name__ == "__main__":
    import jax
    _d = setup_inputs()
    print(jax.jit(kernel)(*tuple(_d.values())))

</pallas_src>

<mosaic_0001>
#map = affine_map<(d0, d1) -> (0, 0)>
module attributes {stable_mosaic.version = 14 : i64} {
  func.func @run(%arg0: i32, %arg1: i32, %arg2: memref<2560x128xi32, #tpu.memory_space<hbm>>, %arg3: memref<2560x128xi32, #tpu.memory_space<hbm>>, %arg4: memref<10000x128xf32, #tpu.memory_space<hbm>>, %arg5: memref<10000x128xf32, #tpu.memory_space<hbm>>, %arg6: memref<320000x128xf32, #tpu.memory_space<hbm>>, %arg7: memref<80x128xi32, #tpu.memory_space<vmem>>, %arg8: memref<80x128xi32, #tpu.memory_space<vmem>>, %arg9: memref<128xi32, #tpu.memory_space<vmem>>, %arg10: memref<128xi32, #tpu.memory_space<vmem>>, %arg11: memref<128xi32, #tpu.memory_space<vmem>>, %arg12: memref<128xi32, #tpu.memory_space<vmem>>, %arg13: memref<128x128xf32, #tpu.memory_space<vmem>>, %arg14: memref<128x128xf32, #tpu.memory_space<vmem>>, %arg15: memref<128x128xf32, #tpu.memory_space<vmem>>, %arg16: memref<128x128xf32, #tpu.memory_space<vmem>>, %arg17: memref<128x128xf32, #tpu.memory_space<vmem>>, %arg18: memref<128x128xf32, #tpu.memory_space<vmem>>, %arg19: memref<!tpu.dma_semaphore, #tpu.memory_space<semaphore_mem>>, %arg20: memref<!tpu.dma_semaphore, #tpu.memory_space<semaphore_mem>>, %arg21: memref<!tpu.dma_semaphore, #tpu.memory_space<semaphore_mem>>, %arg22: memref<!tpu.dma_semaphore, #tpu.memory_space<semaphore_mem>>, %arg23: memref<!tpu.dma_semaphore, #tpu.memory_space<semaphore_mem>>, %arg24: memref<!tpu.dma_semaphore, #tpu.memory_space<semaphore_mem>>) attributes {dimension_semantics = [#tpu.dimension_semantics<core_parallel>, #tpu.dimension_semantics<subcore_parallel>], iteration_bounds = array<i64: 2, 16>, scalar_prefetch = 0 : i64, scratch_operands = 18 : i64, tpu.core_type = #tpu.core_type<sc_vector_subcore>, window_params = [{transform_indices = #map}, {transform_indices = #map}, {transform_indices = #map}, {transform_indices = #map}, {transform_indices = #map}]} {
    %mul3A = arith.constant 2 : i32
    %mul3A_0 = arith.muli %arg1, %mul3A : i32
    %add3A = arith.addi %mul3A_0, %arg0 : i32
    %mul3A_1 = arith.constant 80 : i32
    %mul3A_2 = arith.muli %mul3A_1, %add3A : i32
    "tpu.region"() ({
      %run_scoped3A = tpu.sem_alloc : memref<!tpu.dma_semaphore, #tpu.memory_space<semaphore_mem>>
      %dma_start3A = arith.constant 0 : i32
      %dma_start3A_36 = tpu.memref_slice %arg2[%mul3A_2, %dma_start3A] : memref<2560x128xi32, #tpu.memory_space<hbm>> -> memref<80x128xi32, #tpu.memory_space<hbm>>
      %dma_start3A_37 = arith.constant 0 : i32
      %dma_start3A_38 = tpu.memref_slice %arg2[%mul3A_2, %dma_start3A_37] : memref<2560x128xi32, #tpu.memory_space<hbm>> -> memref<80x128xi32, #tpu.memory_space<hbm>>
      tpu.enqueue_dma source(%dma_start3A_38 : memref<80x128xi32, #tpu.memory_space<hbm>>) target(%arg7 : memref<80x128xi32, #tpu.memory_space<vmem>>) target_semaphore(%run_scoped3A : memref<!tpu.dma_semaphore, #tpu.memory_space<semaphore_mem>>)
      %dma_wait3A = arith.constant 0 : i32
      %dma_wait3A_39 = tpu.memref_slice %arg2[%mul3A_2, %dma_wait3A] : memref<2560x128xi32, #tpu.memory_space<hbm>> -> memref<80x128xi32, #tpu.memory_space<hbm>>
      %dma_wait3A_40 = arith.constant 0 : i32
      %dma_wait3A_41 = tpu.memref_slice %arg2[%mul3A_2, %dma_wait3A_40] : memref<2560x128xi32, #tpu.memory_space<hbm>> -> memref<80x128xi32, #tpu.memory_space<hbm>>
      tpu.wait_dma2 semaphore(%run_scoped3A : memref<!tpu.dma_semaphore, #tpu.memory_space<semaphore_mem>>) src(%dma_wait3A_41 : memref<80x128xi32, #tpu.memory_space<hbm>>) dst(%arg7 : memref<80x128xi32, #tpu.memory_space<vmem>>)
      tpu.yield
    }) : () -> ()
    "tpu.region"() ({
      %run_scoped3A = tpu.sem_alloc : memref<!tpu.dma_semaphore, #tpu.memory_space<semaphore_mem>>
      %dma_start3A = arith.constant 0 : i32
      %dma_start3A_36 = tpu.memref_slice %arg3[%mul3A_2, %dma_start3A] : memref<2560x128xi32, #tpu.memory_space<hbm>> -> memref<80x128xi32, #tpu.memory_space<hbm>>
      %dma_start3A_37 = arith.constant 0 : i32
      %dma_start3A_38 = tpu.memref_slice %arg3[%mul3A_2, %dma_start3A_37] : memref<2560x128xi32, #tpu.memory_space<hbm>> -> memref<80x128xi32, #tpu.memory_space<hbm>>
      tpu.enqueue_dma source(%dma_start3A_38 : memref<80x128xi32, #tpu.memory_space<hbm>>) target(%arg8 : memref<80x128xi32, #tpu.memory_space<vmem>>) target_semaphore(%run_scoped3A : memref<!tpu.dma_semaphore, #tpu.memory_space<semaphore_mem>>)
      %dma_wait3A = arith.constant 0 : i32
      %dma_wait3A_39 = tpu.memref_slice %arg3[%mul3A_2, %dma_wait3A] : memref<2560x128xi32, #tpu.memory_space<hbm>> -> memref<80x128xi32, #tpu.memory_space<hbm>>
      %dma_wait3A_40 = arith.constant 0 : i32
      %dma_wait3A_41 = tpu.memref_slice %arg3[%mul3A_2, %dma_wait3A_40] : memref<2560x128xi32, #tpu.memory_space<hbm>> -> memref<80x128xi32, #tpu.memory_space<hbm>>
      tpu.wait_dma2 semaphore(%run_scoped3A : memref<!tpu.dma_semaphore, #tpu.memory_space<semaphore_mem>>) src(%dma_wait3A_41 : memref<80x128xi32, #tpu.memory_space<hbm>>) dst(%arg8 : memref<80x128xi32, #tpu.memory_space<vmem>>)
      tpu.yield
    }) : () -> ()
    %add3A_3 = arith.constant 0 : i32
    %add3A_4 = arith.addi %mul3A_2, %add3A_3 : i32
    %lt3A = arith.constant 2500 : i32
    %lt3A_5 = arith.cmpi slt, %add3A_4, %lt3A : i32
    %and3A = arith.constant true
    %and3A_6 = arith.andi %and3A, %lt3A_5 : i1
    %convert_element_type3A = arith.extui %and3A_6 : i1 to i32
    %cond3A = arith.constant 0 : i32
    %cond3A_7 = arith.cmpi ne, %convert_element_type3A, %cond3A : i32
    scf.if %cond3A_7 {
      %min3A = arith.constant 0 : i32
      %min3A_36 = arith.constant 79 : i32
      %min3A_37 = arith.minsi %min3A, %min3A_36 : i32
      %get3A = arith.index_cast %min3A_37 : i32 to index
      %get3A_38 = arith.constant 0 : index
      %get3A_39 = tpu.vector_load %arg7[%get3A, %get3A_38] {strides = array<i32>} : memref<80x128xi32, #tpu.memory_space<vmem>>, vector<1x16xi32>,
      %get3A_40 = vector.shape_cast %get3A_39 : vector<1x16xi32> to vector<16xi32>
      %swap3A = arith.constant 0 : index
      %swap3A_41 = tpu.vector_load %arg9[%swap3A] {strides = array<i32>} : memref<128xi32, #tpu.memory_space<vmem>>, vector<16xi32>,
      %swap3A_42 = vector.shape_cast %swap3A_41 : vector<16xi32> to vector<16xi32>
      %swap3A_43 = vector.shape_cast %get3A_40 : vector<16xi32> to vector<16xi32>
      tpu.vector_store %arg9[%swap3A], %swap3A_43 {strides = array<i32>} : memref<128xi32, #tpu.memory_space<vmem>>, vector<16xi32>,
      %get3A_44 = arith.index_cast %min3A_37 : i32 to index
      %get3A_45 = arith.constant 0 : index
      %get3A_46 = tpu.vector_load %arg8[%get3A_44, %get3A_45] {strides = array<i32>} : memref<80x128xi32, #tpu.memory_space<vmem>>, vector<1x16xi32>,
      %get3A_47 = vector.shape_cast %get3A_46 : vector<1x16xi32> to vector<16xi32>
      %swap3A_48 = arith.constant 0 : index
      %swap3A_49 = tpu.vector_load %arg10[%swap3A_48] {strides = array<i32>} : memref<128xi32, #tpu.memory_space<vmem>>, vector<16xi32>,
      %swap3A_50 = vector.shape_cast %swap3A_49 : vector<16xi32> to vector<16xi32>
      %swap3A_51 = vector.shape_cast %get3A_47 : vector<16xi32> to vector<16xi32>
      tpu.vector_store %arg10[%swap3A_48], %swap3A_51 {strides = array<i32>} : memref<128xi32, #tpu.memory_space<vmem>>, vector<16xi32>,
      %get3A_52 = arith.index_cast %min3A_37 : i32 to index
      %get3A_53 = arith.constant 16 : index
      %get3A_54 = tpu.vector_load %arg7[%get3A_52, %get3A_53] {strides = array<i32>} : memref<80x128xi32, #tpu.memory_space<vmem>>, vector<1x16xi32>,
      %get3A_55 = vector.shape_cast %get3A_54 : vector<1x16xi32> to vector<16xi32>
      %swap3A_56 = arith.constant 16 : index
      %swap3A_57 = tpu.vector_load %arg9[%swap3A_56] {strides = array<i32>} : memref<128xi32, #tpu.memory_space<vmem>>, vector<16xi32>,
      %swap3A_58 = vector.shape_cast %swap3A_57 : vector<16xi32> to vector<16xi32>
      %swap3A_59 = vector.shape_cast %get3A_55 : vector<16xi32> to vector<16xi32>
      tpu.vector_store %arg9[%swap3A_56], %swap3A_59 {strides = array<i32>} : memref<128xi32, #tpu.memory_space<vmem>>, vector<16xi32>,
      %get3A_60 = arith.index_cast %min3A_37 : i32 to index
      %get3A_61 = arith.constant 16 : index
      %get3A_62 = tpu.vector_load %arg8[%get3A_60, %get3A_61] {strides = array<i32>} : memref<80x128xi32, #tpu.memory_space<vmem>>, vector<1x16xi32>,
      %get3A_63 = vector.shape_cast %get3A_62 : vector<1x16xi32> to vector<16xi32>
      %swap3A_64 = arith.constant 16 : index
      %swap3A_65 = tpu.vector_load %arg10[%swap3A_64] {strides = array<i32>} : memref<128xi32, #tpu.memory_space<vmem>>, vector<16xi32>,
      %swap3A_66 = vector.shape_cast %swap3A_65 : vector<16xi32> to vector<16xi32>
      %swap3A_67 = vector.shape_cast %get3A_63 : vector<16xi32> to vector<16xi32>
      tpu.vector_store %arg10[%swap3A_64], %swap3A_67 {strides = array<i32>} : memref<128xi32, #tpu.memory_space<vmem>>, vector<16xi32>,
      %get3A_68 = arith.index_cast %min3A_37 : i32 to index
      %get3A_69 = arith.constant 32 : index
      %get3A_70 = tpu.vector_load %arg7[%get3A_68, %get3A_69] {strides = array<i32>} : memref<80x128xi32, #tpu.memory_space<vmem>>, vector<1x16xi32>,
      %get3A_71 = vector.shape_cast %get3A_70 : vector<1x16xi32> to vector<16xi32>
      %swap3A_72 = arith.constant 32 : index
      %swap3A_73 = tpu.vector_load %arg9[%swap3A_72] {strides = array<i32>} : memref<128xi32, #tpu.memory_space<vmem>>, vector<16xi32>,
      %swap3A_74 = vector.shape_cast %swap3A_73 : vector<16xi32> to vector<16xi32>
      %swap3A_75 = vector.shape_cast %get3A_71 : vector<16xi32> to vector<16xi32>
      tpu.vector_store %arg9[%swap3A_72], %swap3A_75 {strides = array<i32>} : memref<128xi32, #tpu.memory_space<vmem>>, vector<16xi32>,
      %get3A_76 = arith.index_cast %min3A_37 : i32 to index
      %get3A_77 = arith.constant 32 : index
      %get3A_78 = tpu.vector_load %arg8[%get3A_76, %get3A_77] {strides = array<i32>} : memref<80x128xi32, #tpu.memory_space<vmem>>, vector<1x16xi32>,
      %get3A_79 = vector.shape_cast %get3A_78 : vector<1x16xi32> to vector<16xi32>
      %swap3A_80 = arith.constant 32 : index
      %swap3A_81 = tpu.vector_load %arg10[%swap3A_80] {strides = array<i32>} : memref<128xi32, #tpu.memory_space<vmem>>, vector<16xi32>,
      %swap3A_82 = vector.shape_cast %swap3A_81 : vector<16xi32> to vector<16xi32>
      %swap3A_83 = vector.shape_cast %get3A_79 : vector<16xi32> to vector<16xi32>
      tpu.vector_store %arg10[%swap3A_80], %swap3A_83 {strides = array<i32>} : memref<128xi32, #tpu.memory_space<vmem>>, vector<16xi32>,
      %get3A_84 = arith.index_cast %min3A_37 : i32 to index
      %get3A_85 = arith.constant 48 : index
      %get3A_86 = tpu.vector_load %arg7[%get3A_84, %get3A_85] {strides = array<i32>} : memref<80x128xi32, #tpu.memory_space<vmem>>, vector<1x16xi32>,
      %get3A_87 = vector.shape_cast %get3A_86 : vector<1x16xi32> to vector<16xi32>
      %swap3A_88 = arith.constant 48 : index
      %swap3A_89 = tpu.vector_load %arg9[%swap3A_88] {strides = array<i32>} : memref<128xi32, #tpu.memory_space<vmem>>, vector<16xi32>,
      %swap3A_90 = vector.shape_cast %swap3A_89 : vector<16xi32> to vector<16xi32>
      %swap3A_91 = vector.shape_cast %get3A_87 : vector<16xi32> to vector<16xi32>
      tpu.vector_store %arg9[%swap3A_88], %swap3A_91 {strides = array<i32>} : memref<128xi32, #tpu.memory_space<vmem>>, vector<16xi32>,
      %get3A_92 = arith.index_cast %min3A_37 : i32 to index
      %get3A_93 = arith.constant 48 : index
      %get3A_94 = tpu.vector_load %arg8[%get3A_92, %get3A_93] {strides = array<i32>} : memref<80x128xi32, #tpu.memory_space<vmem>>, vector<1x16xi32>,
      %get3A_95 = vector.shape_cast %get3A_94 : vector<1x16xi32> to vector<16xi32>
      %swap3A_96 = arith.constant 48 : index
      %swap3A_97 = tpu.vector_load %arg10[%swap3A_96] {strides = array<i32>} : memref<128xi32, #tpu.memory_space<vmem>>, vector<16xi32>,
      %swap3A_98 = vector.shape_cast %swap3A_97 : vector<16xi32> to vector<16xi32>
      %swap3A_99 = vector.shape_cast %get3A_95 : vector<16xi32> to vector<16xi32>
      tpu.vector_store %arg10[%swap3A_96], %swap3A_99 {strides = array<i32>} : memref<128xi32, #tpu.memory_space<vmem>>, vector<16xi32>,
      %get3A_100 = arith.index_cast %min3A_37 : i32 to index
      %get3A_101 = arith.constant 64 : index
      %get3A_102 = tpu.vector_load %arg7[%get3A_100, %get3A_101] {strides = array<i32>} : memref<80x128xi32, #tpu.memory_space<vmem>>, vector<1x16xi32>,
      %get3A_103 = vector.shape_cast %get3A_102 : vector<1x16xi32> to vector<16xi32>
      %swap3A_104 = arith.constant 64 : index
      %swap3A_105 = tpu.vector_load %arg9[%swap3A_104] {strides = array<i32>} : memref<128xi32, #tpu.memory_space<vmem>>, vector<16xi32>,
      %swap3A_106 = vector.shape_cast %swap3A_105 : vector<16xi32> to vector<16xi32>
      %swap3A_107 = vector.shape_cast %get3A_103 : vector<16xi32> to vector<16xi32>
      tpu.vector_store %arg9[%swap3A_104], %swap3A_107 {strides = array<i32>} : memref<128xi32, #tpu.memory_space<vmem>>, vector<16xi32>,
      %get3A_108 = arith.index_cast %min3A_37 : i32 to index
      %get3A_109 = arith.constant 64 : index
      %get3A_110 = tpu.vector_load %arg8[%get3A_108, %get3A_109] {strides = array<i32>} : memref<80x128xi32, #tpu.memory_space<vmem>>, vector<1x16xi32>,
      %get3A_111 = vector.shape_cast %get3A_110 : vector<1x16xi32> to vector<16xi32>
      %swap3A_112 = arith.constant 64 : index
      %swap3A_113 = tpu.vector_load %arg10[%swap3A_112] {strides = array<i32>} : memref<128xi32, #tpu.memory_space<vmem>>, vector<16xi32>,
      %swap3A_114 = vector.shape_cast %swap3A_113 : vector<16xi32> to vector<16xi32>
      %swap3A_115 = vector.shape_cast %get3A_111 : vector<16xi32> to vector<16xi32>
      tpu.vector_store %arg10[%swap3A_112], %swap3A_115 {strides = array<i32>} : memref<128xi32, #tpu.memory_space<vmem>>, vector<16xi32>,
      %get3A_116 = arith.index_cast %min3A_37 : i32 to index
      %get3A_117 = arith.constant 80 : index
      %get3A_118 = tpu.vector_load %arg7[%get3A_116, %get3A_117] {strides = array<i32>} : memref<80x128xi32, #tpu.memory_space<vmem>>, vector<1x16xi32>,
      %get3A_119 = vector.shape_cast %get3A_118 : vector<1x16xi32> to vector<16xi32>
      %swap3A_120 = arith.constant 80 : index
      %swap3A_121 = tpu.vector_load %arg9[%swap3A_120] {strides = array<i32>} : memref<128xi32, #tpu.memory_space<vmem>>, vector<16xi32>,
      %swap3A_122 = vector.shape_cast %swap3A_121 : vector<16xi32> to vector<16xi32>
      %swap3A_123 = vector.shape_cast %get3A_119 : vector<16xi32> to vector<16xi32>
      tpu.vector_store %arg9[%swap3A_120], %swap3A_123 {strides = array<i32>} : memref<128xi32, #tpu.memory_space<vmem>>, vector<16xi32>,
      %get3A_124 = arith.index_cast %min3A_37 : i32 to index
      %get3A_125 = arith.constant 80 : index
      %get3A_126 = tpu.vector_load %arg8[%get3A_124, %get3A_125] {strides = array<i32>} : memref<80x128xi32, #tpu.memory_space<vmem>>, vector<1x16xi32>,
      %get3A_127 = vector.shape_cast %get3A_126 : vector<1x16xi32> to vector<16xi32>
      %swap3A_128 = arith.constant 80 : index
      %swap3A_129 = tpu.vector_load %arg10[%swap3A_128] {strides = array<i32>} : memref<128xi32, #tpu.memory_space<vmem>>, vector<16xi32>,
      %swap3A_130 = vector.shape_cast %swap3A_129 : vector<16xi32> to vector<16xi32>
      %swap3A_131 = vector.shape_cast %get3A_127 : vector<16xi32> to vector<16xi32>
      tpu.vector_store %arg10[%swap3A_128], %swap3A_131 {strides = array<i32>} : memref<128xi32, #tpu.memory_space<vmem>>, vector<16xi32>,
      %get3A_132 = arith.index_cast %min3A_37 : i32 to index
      %get3A_133 = arith.constant 96 : index
      %get3A_134 = tpu.vector_load %arg7[%get3A_132, %get3A_133] {strides = array<i32>} : memref<80x128xi32, #tpu.memory_space<vmem>>, vector<1x16xi32>,
      %get3A_135 = vector.shape_cast %get3A_134 : vector<1x16xi32> to vector<16xi32>
      %swap3A_136 = arith.constant 96 : index
      %swap3A_137 = tpu.vector_load %arg9[%swap3A_136] {strides = array<i32>} : memref<128xi32, #tpu.memory_space<vmem>>, vector<16xi32>,
      %swap3A_138 = vector.shape_cast %swap3A_137 : vector<16xi32> to vector<16xi32>
      %swap3A_139 = vector.shape_cast %get3A_135 : vector<16xi32> to vector<16xi32>
      tpu.vector_store %arg9[%swap3A_136], %swap3A_139 {strides = array<i32>} : memref<128xi32, #tpu.memory_space<vmem>>, vector<16xi32>,
      %get3A_140 = arith.index_cast %min3A_37 : i32 to index
      %get3A_141 = arith.constant 96 : index
      %get3A_142 = tpu.vector_load %arg8[%get3A_140, %get3A_141] {strides = array<i32>} : memref<80x128xi32, #tpu.memory_space<vmem>>, vector<1x16xi32>,
      %get3A_143 = vector.shape_cast %get3A_142 : vector<1x16xi32> to vector<16xi32>
      %swap3A_144 = arith.constant 96 : index
      %swap3A_145 = tpu.vector_load %arg10[%swap3A_144] {strides = array<i32>} : memref<128xi32, #tpu.memory_space<vmem>>, vector<16xi32>,
      %swap3A_146 = vector.shape_cast %swap3A_145 : vector<16xi32> to vector<16xi32>
      %swap3A_147 = vector.shape_cast %get3A_143 : vector<16xi32> to vector<16xi32>
      tpu.vector_store %arg10[%swap3A_144], %swap3A_147 {strides = array<i32>} : memref<128xi32, #tpu.memory_space<vmem>>, vector<16xi32>,
      %get3A_148 = arith.index_cast %min3A_37 : i32 to index
      %get3A_149 = arith.constant 112 : index
      %get3A_150 = tpu.vector_load %arg7[%get3A_148, %get3A_149] {strides = array<i32>} : memref<80x128xi32, #tpu.memory_space<vmem>>, vector<1x16xi32>,
      %get3A_151 = vector.shape_cast %get3A_150 : vector<1x16xi32> to vector<16xi32>
      %swap3A_152 = arith.constant 112 : index
      %swap3A_153 = tpu.vector_load %arg9[%swap3A_152] {strides = array<i32>} : memref<128xi32, #tpu.memory_space<vmem>>, vector<16xi32>,
      %swap3A_154 = vector.shape_cast %swap3A_153 : vector<16xi32> to vector<16xi32>
      %swap3A_155 = vector.shape_cast %get3A_151 : vector<16xi32> to vector<16xi32>
      tpu.vector_store %arg9[%swap3A_152], %swap3A_155 {strides = array<i32>} : memref<128xi32, #tpu.memory_space<vmem>>, vector<16xi32>,
      %get3A_156 = arith.index_cast %min3A_37 : i32 to index
      %get3A_157 = arith.constant 112 : index
      %get3A_158 = tpu.vector_load %arg8[%get3A_156, %get3A_157] {strides = array<i32>} : memref<80x128xi32, #tpu.memory_space<vmem>>, vector<1x16xi32>,
      %get3A_159 = vector.shape_cast %get3A_158 : vector<1x16xi32> to vector<16xi32>
      %swap3A_160 = arith.constant 112 : index
      %swap3A_161 = tpu.vector_load %arg10[%swap3A_160] {strides = array<i32>} : memref<128xi32, #tpu.memory_space<vmem>>, vector<16xi32>,
      %swap3A_162 = vector.shape_cast %swap3A_161 : vector<16xi32> to vector<16xi32>
      %swap3A_163 = vector.shape_cast %get3A_159 : vector<16xi32> to vector<16xi32>
      tpu.vector_store %arg10[%swap3A_160], %swap3A_163 {strides = array<i32>} : memref<128xi32, #tpu.memory_space<vmem>>, vector<16xi32>,
      %dma_start3A = arith.constant 0 : i32
      %dma_start3A_164 = arith.constant 0 : i32
      %dma_start3A_165 = tpu.memref_slice %arg4[%dma_start3A, %dma_start3A_164] : memref<10000x128xf32, #tpu.memory_space<hbm>> -> memref<10000x128xf32, #tpu.memory_space<hbm>>
      tpu.enqueue_indirect_dma source(%dma_start3A_165 : memref<10000x128xf32, #tpu.memory_space<hbm>>) target(%arg13 : memref<128x128xf32, #tpu.memory_space<vmem>>) offsets(%arg9 : memref<128xi32, #tpu.memory_space<vmem>>) semaphore(%arg19 : memref<!tpu.dma_semaphore, #tpu.memory_space<semaphore_mem>>)
      %dma_start3A_166 = arith.constant 0 : i32
      %dma_start3A_167 = arith.constant 0 : i32
      %dma_start3A_168 = tpu.memref_slice %arg5[%dma_start3A_166, %dma_start3A_167] : memref<10000x128xf32, #tpu.memory_space<hbm>> -> memref<10000x128xf32, #tpu.memory_space<hbm>>
      tpu.enqueue_indirect_dma source(%dma_start3A_168 : memref<10000x128xf32, #tpu.memory_space<hbm>>) target(%arg14 : memref<128x128xf32, #tpu.memory_space<vmem>>) offsets(%arg10 : memref<128xi32, #tpu.memory_space<vmem>>) semaphore(%arg20 : memref<!tpu.dma_semaphore, #tpu.memory_space<semaphore_mem>>)
    } else {
    }
    %add3A_8 = arith.constant 1 : i32
    %add3A_9 = arith.addi %mul3A_2, %add3A_8 : i32
    %lt3A_10 = arith.constant 2500 : i32
    %lt3A_11 = arith.cmpi slt, %add3A_9, %lt3A_10 : i32
    %and3A_12 = arith.constant true
    %and3A_13 = arith.andi %and3A_12, %lt3A_11 : i1
    %convert_element_type3A_14 = arith.extui %and3A_13 : i1 to i32
    %cond3A_15 = arith.constant 0 : i32
    %cond3A_16 = arith.cmpi ne, %convert_element_type3A_14, %cond3A_15 : i32
    scf.if %cond3A_16 {
      %min3A = arith.constant 1 : i32
      %min3A_36 = arith.constant 79 : i32
      %min3A_37 = arith.minsi %min3A, %min3A_36 : i32
      %get3A = arith.index_cast %min3A_37 : i32 to index
      %get3A_38 = arith.constant 0 : index
      %get3A_39 = tpu.vector_load %arg7[%get3A, %get3A_38] {strides = array<i32>} : memref<80x128xi32, #tpu.memory_space<vmem>>, vector<1x16xi32>,
      %get3A_40 = vector.shape_cast %get3A_39 : vector<1x16xi32> to vector<16xi32>
      %swap3A = arith.constant 0 : index
      %swap3A_41 = tpu.vector_load %arg11[%swap3A] {strides = array<i32>} : memref<128xi32, #tpu.memory_space<vmem>>, vector<16xi32>,
      %swap3A_42 = vector.shape_cast %swap3A_41 : vector<16xi32> to vector<16xi32>
      %swap3A_43 = vector.shape_cast %get3A_40 : vector<16xi32> to vector<16xi32>
      tpu.vector_store %arg11[%swap3A], %swap3A_43 {strides = array<i32>} : memref<128xi32, #tpu.memory_space<vmem>>, vector<16xi32>,
      %get3A_44 = arith.index_cast %min3A_37 : i32 to index
      %get3A_45 = arith.constant 0 : index
      %get3A_46 = tpu.vector_load %arg8[%get3A_44, %get3A_45] {strides = array<i32>} : memref<80x128xi32, #tpu.memory_space<vmem>>, vector<1x16xi32>,
      %get3A_47 = vector.shape_cast %get3A_46 : vector<1x16xi32> to vector<16xi32>
      %swap3A_48 = arith.constant 0 : index
      %swap3A_49 = tpu.vector_load %arg12[%swap3A_48] {strides = array<i32>} : memref<128xi32, #tpu.memory_space<vmem>>, vector<16xi32>,
      %swap3A_50 = vector.shape_cast %swap3A_49 : vector<16xi32> to vector<16xi32>
      %swap3A_51 = vector.shape_cast %get3A_47 : vector<16xi32> to vector<16xi32>
      tpu.vector_store %arg12[%swap3A_48], %swap3A_51 {strides = array<i32>} : memref<128xi32, #tpu.memory_space<vmem>>, vector<16xi32>,
      %get3A_52 = arith.index_cast %min3A_37 : i32 to index
      %get3A_53 = arith.constant 16 : index
      %get3A_54 = tpu.vector_load %arg7[%get3A_52, %get3A_53] {strides = array<i32>} : memref<80x128xi32, #tpu.memory_space<vmem>>, vector<1x16xi32>,
      %get3A_55 = vector.shape_cast %get3A_54 : vector<1x16xi32> to vector<16xi32>
      %swap3A_56 = arith.constant 16 : index
      %swap3A_57 = tpu.vector_load %arg11[%swap3A_56] {strides = array<i32>} : memref<128xi32, #tpu.memory_space<vmem>>, vector<16xi32>,
      %swap3A_58 = vector.shape_cast %swap3A_57 : vector<16xi32> to vector<16xi32>
      %swap3A_59 = vector.shape_cast %get3A_55 : vector<16xi32> to vector<16xi32>
      tpu.vector_store %arg11[%swap3A_56], %swap3A_59 {strides = array<i32>} : memref<128xi32, #tpu.memory_space<vmem>>, vector<16xi32>,
      %get3A_60 = arith.index_cast %min3A_37 : i32 to index
      %get3A_61 = arith.constant 16 : index
      %get3A_62 = tpu.vector_load %arg8[%get3A_60, %get3A_61] {strides = array<i32>} : memref<80x128xi32, #tpu.memory_space<vmem>>, vector<1x16xi32>,
      %get3A_63 = vector.shape_cast %get3A_62 : vector<1x16xi32> to vector<16xi32>
      %swap3A_64 = arith.constant 16 : index
      %swap3A_65 = tpu.vector_load %arg12[%swap3A_64] {strides = array<i32>} : memref<128xi32, #tpu.memory_space<vmem>>, vector<16xi32>,
      %swap3A_66 = vector.shape_cast %swap3A_65 : vector<16xi32> to vector<16xi32>
      %swap3A_67 = vector.shape_cast %get3A_63 : vector<16xi32> to vector<16xi32>
      tpu.vector_store %arg12[%swap3A_64], %swap3A_67 {strides = array<i32>} : memref<128xi32, #tpu.memory_space<vmem>>, vector<16xi32>,
      %get3A_68 = arith.index_cast %min3A_37 : i32 to index
      %get3A_69 = arith.constant 32 : index
      %get3A_70 = tpu.vector_load %arg7[%get3A_68, %get3A_69] {strides = array<i32>} : memref<80x128xi32, #tpu.memory_space<vmem>>, vector<1x16xi32>,
      %get3A_71 = vector.shape_cast %get3A_70 : vector<1x16xi32> to vector<16xi32>
      %swap3A_72 = arith.constant 32 : index
      %swap3A_73 = tpu.vector_load %arg11[%swap3A_72] {strides = array<i32>} : memref<128xi32, #tpu.memory_space<vmem>>, vector<16xi32>,
      %swap3A_74 = vector.shape_cast %swap3A_73 : vector<16xi32> to vector<16xi32>
      %swap3A_75 = vector.shape_cast %get3A_71 : vector<16xi32> to vector<16xi32>
      tpu.vector_store %arg11[%swap3A_72], %swap3A_75 {strides = array<i32>} : memref<128xi32, #tpu.memory_space<vmem>>, vector<16xi32>,
      %get3A_76 = arith.index_cast %min3A_37 : i32 to index
      %get3A_77 = arith.constant 32 : index
      %get3A_78 = tpu.vector_load %arg8[%get3A_76, %get3A_77] {strides = array<i32>} : memref<80x128xi32, #tpu.memory_space<vmem>>, vector<1x16xi32>,
      %get3A_79 = vector.shape_cast %get3A_78 : vector<1x16xi32> to vector<16xi32>
      %swap3A_80 = arith.constant 32 : index
      %swap3A_81 = tpu.vector_load %arg12[%swap3A_80] {strides = array<i32>} : memref<128xi32, #tpu.memory_space<vmem>>, vector<16xi32>,
      %swap3A_82 = vector.shape_cast %swap3A_81 : vector<16xi32> to vector<16xi32>
      %swap3A_83 = vector.shape_cast %get3A_79 : vector<16xi32> to vector<16xi32>
      tpu.vector_store %arg12[%swap3A_80], %swap3A_83 {strides = array<i32>} : memref<128xi32, #tpu.memory_space<vmem>>, vector<16xi32>,
      %get3A_84 = arith.index_cast %min3A_37 : i32 to index
      %get3A_85 = arith.constant 48 : index
      %get3A_86 = tpu.vector_load %arg7[%get3A_84, %get3A_85] {strides = array<i32>} : memref<80x128xi32, #tpu.memory_space<vmem>>, vector<1x16xi32>,
      %get3A_87 = vector.shape_cast %get3A_86 : vector<1x16xi32> to vector<16xi32>
      %swap3A_88 = arith.constant 48 : index
      %swap3A_89 = tpu.vector_load %arg11[%swap3A_88] {strides = array<i32>} : memref<128xi32, #tpu.memory_space<vmem>>, vector<16xi32>,
      %swap3A_90 = vector.shape_cast %swap3A_89 : vector<16xi32> to vector<16xi32>
      %swap3A_91 = vector.shape_cast %get3A_87 : vector<16xi32> to vector<16xi32>
      tpu.vector_store %arg11[%swap3A_88], %swap3A_91 {strides = array<i32>} : memref<128xi32, #tpu.memory_space<vmem>>, vector<16xi32>,
      %get3A_92 = arith.index_cast %min3A_37 : i32 to index
      %get3A_93 = arith.constant 48 : index
      %get3A_94 = tpu.vector_load %arg8[%get3A_92, %get3A_93] {strides = array<i32>} : memref<80x128xi32, #tpu.memory_space<vmem>>, vector<1x16xi32>,
      %get3A_95 = vector.shape_cast %get3A_94 : vector<1x16xi32> to vector<16xi32>
      %swap3A_96 = arith.constant 48 : index
      %swap3A_97 = tpu.vector_load %arg12[%swap3A_96] {strides = array<i32>} : memref<128xi32, #tpu.memory_space<vmem>>, vector<16xi32>,
      %swap3A_98 = vector.shape_cast %swap3A_97 : vector<16xi32> to vector<16xi32>
      %swap3A_99 = vector.shape_cast %get3A_95 : vector<16xi32> to vector<16xi32>
      tpu.vector_store %arg12[%swap3A_96], %swap3A_99 {strides = array<i32>} : memref<128xi32, #tpu.memory_space<vmem>>, vector<16xi32>,
      %get3A_100 = arith.index_cast %min3A_37 : i32 to index
      %get3A_101 = arith.constant 64 : index
      %get3A_102 = tpu.vector_load %arg7[%get3A_100, %get3A_101] {strides = array<i32>} : memref<80x128xi32, #tpu.memory_space<vmem>>, vector<1x16xi32>,
      %get3A_103 = vector.shape_cast %get3A_102 : vector<1x16xi32> to vector<16xi32>
      %swap3A_104 = arith.constant 64 : index
      %swap3A_105 = tpu.vector_load %arg11[%swap3A_104] {strides = array<i32>} : memref<128xi32, #tpu.memory_space<vmem>>, vector<16xi32>,
      %swap3A_106 = vector.shape_cast %swap3A_105 : vector<16xi32> to vector<16xi32>
      %swap3A_107 = vector.shape_cast %get3A_103 : vector<16xi32> to vector<16xi32>
      tpu.vector_store %arg11[%swap3A_104], %swap3A_107 {strides = array<i32>} : memref<128xi32, #tpu.memory_space<vmem>>, vector<16xi32>,
      %get3A_108 = arith.index_cast %min3A_37 : i32 to index
      %get3A_109 = arith.constant 64 : index
      %get3A_110 = tpu.vector_load %arg8[%get3A_108, %get3A_109] {strides = array<i32>} : memref<80x128xi32, #tpu.memory_space<vmem>>, vector<1x16xi32>,
      %get3A_111 = vector.shape_cast %get3A_110 : vector<1x16xi32> to vector<16xi32>
      %swap3A_112 = arith.constant 64 : index
      %swap3A_113 = tpu.vector_load %arg12[%swap3A_112] {strides = array<i32>} : memref<128xi32, #tpu.memory_space<vmem>>, vector<16xi32>,
      %swap3A_114 = vector.shape_cast %swap3A_113 : vector<16xi32> to vector<16xi32>
      %swap3A_115 = vector.shape_cast %get3A_111 : vector<16xi32> to vector<16xi32>
      tpu.vector_store %arg12[%swap3A_112], %swap3A_115 {strides = array<i32>} : memref<128xi32, #tpu.memory_space<vmem>>, vector<16xi32>,
      %get3A_116 = arith.index_cast %min3A_37 : i32 to index
      %get3A_117 = arith.constant 80 : index
      %get3A_118 = tpu.vector_load %arg7[%get3A_116, %get3A_117] {strides = array<i32>} : memref<80x128xi32, #tpu.memory_space<vmem>>, vector<1x16xi32>,
      %get3A_119 = vector.shape_cast %get3A_118 : vector<1x16xi32> to vector<16xi32>
      %swap3A_120 = arith.constant 80 : index
      %swap3A_121 = tpu.vector_load %arg11[%swap3A_120] {strides = array<i32>} : memref<128xi32, #tpu.memory_space<vmem>>, vector<16xi32>,
      %swap3A_122 = vector.shape_cast %swap3A_121 : vector<16xi32> to vector<16xi32>
      %swap3A_123 = vector.shape_cast %get3A_119 : vector<16xi32> to vector<16xi32>
      tpu.vector_store %arg11[%swap3A_120], %swap3A_123 {strides = array<i32>} : memref<128xi32, #tpu.memory_space<vmem>>, vector<16xi32>,
      %get3A_124 = arith.index_cast %min3A_37 : i32 to index
      %get3A_125 = arith.constant 80 : index
      %get3A_126 = tpu.vector_load %arg8[%get3A_124, %get3A_125] {strides = array<i32>} : memref<80x128xi32, #tpu.memory_space<vmem>>, vector<1x16xi32>,
      %get3A_127 = vector.shape_cast %get3A_126 : vector<1x16xi32> to vector<16xi32>
      %swap3A_128 = arith.constant 80 : index
      %swap3A_129 = tpu.vector_load %arg12[%swap3A_128] {strides = array<i32>} : memref<128xi32, #tpu.memory_space<vmem>>, vector<16xi32>,
      %swap3A_130 = vector.shape_cast %swap3A_129 : vector<16xi32> to vector<16xi32>
      %swap3A_131 = vector.shape_cast %get3A_127 : vector<16xi32> to vector<16xi32>
      tpu.vector_store %arg12[%swap3A_128], %swap3A_131 {strides = array<i32>} : memref<128xi32, #tpu.memory_space<vmem>>, vector<16xi32>,
      %get3A_132 = arith.index_cast %min3A_37 : i32 to index
      %get3A_133 = arith.constant 96 : index
      %get3A_134 = tpu.vector_load %arg7[%get3A_132, %get3A_133] {strides = array<i32>} : memref<80x128xi32, #tpu.memory_space<vmem>>, vector<1x16xi32>,
      %get3A_135 = vector.shape_cast %get3A_134 : vector<1x16xi32> to vector<16xi32>
      %swap3A_136 = arith.constant 96 : index
      %swap3A_137 = tpu.vector_load %arg11[%swap3A_136] {strides = array<i32>} : memref<128xi32, #tpu.memory_space<vmem>>, vector<16xi32>,
      %swap3A_138 = vector.shape_cast %swap3A_137 : vector<16xi32> to vector<16xi32>
      %swap3A_139 = vector.shape_cast %get3A_135 : vector<16xi32> to vector<16xi32>
      tpu.vector_store %arg11[%swap3A_136], %swap3A_139 {strides = array<i32>} : memref<128xi32, #tpu.memory_space<vmem>>, vector<16xi32>,
      %get3A_140 = arith.index_cast %min3A_37 : i32 to index
      %get3A_141 = arith.constant 96 : index
      %get3A_142 = tpu.vector_load %arg8[%get3A_140, %get3A_141] {strides = array<i32>} : memref<80x128xi32, #tpu.memory_space<vmem>>, vector<1x16xi32>,
      %get3A_143 = vector.shape_cast %get3A_142 : vector<1x16xi32> to vector<16xi32>
      %swap3A_144 = arith.constant 96 : index
      %swap3A_145 = tpu.vector_load %arg12[%swap3A_144] {strides = array<i32>} : memref<128xi32, #tpu.memory_space<vmem>>, vector<16xi32>,
      %swap3A_146 = vector.shape_cast %swap3A_145 : vector<16xi32> to vector<16xi32>
      %swap3A_147 = vector.shape_cast %get3A_143 : vector<16xi32> to vector<16xi32>
      tpu.vector_store %arg12[%swap3A_144], %swap3A_147 {strides = array<i32>} : memref<128xi32, #tpu.memory_space<vmem>>, vector<16xi32>,
      %get3A_148 = arith.index_cast %min3A_37 : i32 to index
      %get3A_149 = arith.constant 112 : index
      %get3A_150 = tpu.vector_load %arg7[%get3A_148, %get3A_149] {strides = array<i32>} : memref<80x128xi32, #tpu.memory_space<vmem>>, vector<1x16xi32>,
      %get3A_151 = vector.shape_cast %get3A_150 : vector<1x16xi32> to vector<16xi32>
      %swap3A_152 = arith.constant 112 : index
      %swap3A_153 = tpu.vector_load %arg11[%swap3A_152] {strides = array<i32>} : memref<128xi32, #tpu.memory_space<vmem>>, vector<16xi32>,
      %swap3A_154 = vector.shape_cast %swap3A_153 : vector<16xi32> to vector<16xi32>
      %swap3A_155 = vector.shape_cast %get3A_151 : vector<16xi32> to vector<16xi32>
      tpu.vector_store %arg11[%swap3A_152], %swap3A_155 {strides = array<i32>} : memref<128xi32, #tpu.memory_space<vmem>>, vector<16xi32>,
      %get3A_156 = arith.index_cast %min3A_37 : i32 to index
      %get3A_157 = arith.constant 112 : index
      %get3A_158 = tpu.vector_load %arg8[%get3A_156, %get3A_157] {strides = array<i32>} : memref<80x128xi32, #tpu.memory_space<vmem>>, vector<1x16xi32>,
      %get3A_159 = vector.shape_cast %get3A_158 : vector<1x16xi32> to vector<16xi32>
      %swap3A_160 = arith.constant 112 : index
      %swap3A_161 = tpu.vector_load %arg12[%swap3A_160] {strides = array<i32>} : memref<128xi32, #tpu.memory_space<vmem>>, vector<16xi32>,
      %swap3A_162 = vector.shape_cast %swap3A_161 : vector<16xi32> to vector<16xi32>
      %swap3A_163 = vector.shape_cast %get3A_159 : vector<16xi32> to vector<16xi32>
      tpu.vector_store %arg12[%swap3A_160], %swap3A_163 {strides = array<i32>} : memref<128xi32, #tpu.memory_space<vmem>>, vector<16xi32>,
      %dma_start3A = arith.constant 0 : i32
      %dma_start3A_164 = arith.constant 0 : i32
      %dma_start3A_165 = tpu.memref_slice %arg4[%dma_start3A, %dma_start3A_164] : memref<10000x128xf32, #tpu.memory_space<hbm>> -> memref<10000x128xf32, #tpu.memory_space<hbm>>
      tpu.enqueue_indirect_dma source(%dma_start3A_165 : memref<10000x128xf32, #tpu.memory_space<hbm>>) target(%arg16 : memref<128x128xf32, #tpu.memory_space<vmem>>) offsets(%arg11 : memref<128xi32, #tpu.memory_space<vmem>>) semaphore(%arg21 : memref<!tpu.dma_semaphore, #tpu.memory_space<semaphore_mem>>)
      %dma_start3A_166 = arith.constant 0 : i32
      %dma_start3A_167 = arith.constant 0 : i32
      %dma_start3A_168 = tpu.memref_slice %arg5[%dma_start3A_166, %dma_start3A_167] : memref<10000x128xf32, #tpu.memory_space<hbm>> -> memref<10000x128xf32, #tpu.memory_space<hbm>>
      tpu.enqueue_indirect_dma source(%dma_start3A_168 : memref<10000x128xf32, #tpu.memory_space<hbm>>) target(%arg17 : memref<128x128xf32, #tpu.memory_space<vmem>>) offsets(%arg12 : memref<128xi32, #tpu.memory_space<vmem>>) semaphore(%arg22 : memref<!tpu.dma_semaphore, #tpu.memory_space<semaphore_mem>>)
    } else {
    }
    %scan3A = arith.constant 0 : i32
    %scan3A_17 = arith.constant 0 : i32
    %scan3A_18 = arith.constant 40 : i32
    %scan3A_19 = arith.addi %scan3A_17, %scan3A_18 : i32
    %scan3A_20 = arith.constant 1 : i32
    scf.for %scan3A_36 = %scan3A_17 to %scan3A_19 step %scan3A_20  : i32 {
      %mul3A_37 = arith.constant 2 : i32
      %mul3A_38 = arith.muli %mul3A_37, %scan3A_36 : i32
      %add3A_39 = arith.constant 0 : i32
      %add3A_40 = arith.addi %mul3A_38, %add3A_39 : i32
      %add3A_41 = arith.addi %mul3A_2, %add3A_40 : i32
      %lt3A_42 = arith.constant 2500 : i32
      %lt3A_43 = arith.cmpi slt, %add3A_41, %lt3A_42 : i32
      %convert_element_type3A_44 = arith.extui %lt3A_43 : i1 to i32
      %cond3A_45 = arith.constant 0 : i32
      %cond3A_46 = arith.cmpi ne, %convert_element_type3A_44, %cond3A_45 : i32
      scf.if %cond3A_46 {
        %dma_wait3A = arith.constant 0 : i32
        %dma_wait3A_91 = arith.constant 0 : i32
        %dma_wait3A_92 = tpu.memref_slice %arg4[%dma_wait3A, %dma_wait3A_91] : memref<10000x128xf32, #tpu.memory_space<hbm>> -> memref<10000x128xf32, #tpu.memory_space<hbm>>
        tpu.wait_indirect_dma semaphore(%arg19 : memref<!tpu.dma_semaphore, #tpu.memory_space<semaphore_mem>>) src(%dma_wait3A_92 : memref<10000x128xf32, #tpu.memory_space<hbm>>) dst(%arg13 : memref<128x128xf32, #tpu.memory_space<vmem>>)
        %dma_wait3A_93 = arith.constant 0 : i32
        %dma_wait3A_94 = arith.constant 0 : i32
        %dma_wait3A_95 = tpu.memref_slice %arg5[%dma_wait3A_93, %dma_wait3A_94] : memref<10000x128xf32, #tpu.memory_space<hbm>> -> memref<10000x128xf32, #tpu.memory_space<hbm>>
        tpu.wait_indirect_dma semaphore(%arg20 : memref<!tpu.dma_semaphore, #tpu.memory_space<semaphore_mem>>) src(%dma_wait3A_95 : memref<10000x128xf32, #tpu.memory_space<hbm>>) dst(%arg14 : memref<128x128xf32, #tpu.memory_space<vmem>>)
        %ge3A = arith.constant 2 : i32
        %ge3A_96 = arith.cmpi sge, %add3A_40, %ge3A : i32
        %convert_element_type3A_97 = arith.extui %ge3A_96 : i1 to i32
        %cond3A_98 = arith.constant 0 : i32
        %cond3A_99 = arith.cmpi ne, %convert_element_type3A_97, %cond3A_98 : i32
        scf.if %cond3A_99 {
          %dma_wait3A_106 = arith.constant 0 : i32
          %dma_wait3A_107 = arith.constant 0 : i32
          %dma_wait3A_108 = tpu.memref_slice %arg6[%dma_wait3A_106, %dma_wait3A_107] : memref<320000x128xf32, #tpu.memory_space<hbm>> -> memref<128x128xf32, #tpu.memory_space<hbm>>
          %dma_wait3A_109 = arith.constant 0 : i32
          %dma_wait3A_110 = arith.constant 0 : i32
          %dma_wait3A_111 = tpu.memref_slice %arg6[%dma_wait3A_109, %dma_wait3A_110] : memref<320000x128xf32, #tpu.memory_space<hbm>> -> memref<128x128xf32, #tpu.memory_space<hbm>>
          tpu.wait_dma2 semaphore(%arg23 : memref<!tpu.dma_semaphore, #tpu.memory_space<semaphore_mem>>) src(%arg15 : memref<128x128xf32, #tpu.memory_space<vmem>>) dst(%dma_wait3A_111 : memref<128x128xf32, #tpu.memory_space<hbm>>)
        } else {
        }
        %scan3A_100 = arith.constant 0 : i32
        %scan3A_101 = arith.constant 0 : i32
        %scan3A_102 = arith.constant 32 : i32
        %scan3A_103 = arith.addi %scan3A_101, %scan3A_102 : i32
        %scan3A_104 = arith.constant 1 : i32
        scf.for %scan3A_106 = %scan3A_101 to %scan3A_103 step %scan3A_104  : i32 {
          %mul3A_107 = arith.constant 4 : i32
          %mul3A_108 = arith.muli %mul3A_107, %scan3A_106 : i32
          %add3A_109 = arith.constant 0 : i32
          %add3A_110 = arith.addi %mul3A_108, %add3A_109 : i32
          %get3A = arith.index_cast %add3A_110 : i32 to index
          %get3A_111 = arith.constant 0 : index
          %get3A_112 = tpu.vector_load %arg13[%get3A, %get3A_111] {strides = array<i32>} : memref<128x128xf32, #tpu.memory_space<vmem>>, vector<1x16xf32>,
          %get3A_113 = vector.shape_cast %get3A_112 : vector<1x16xf32> to vector<16xf32>
          %get3A_114 = arith.index_cast %add3A_110 : i32 to index
          %get3A_115 = arith.constant 0 : index
          %get3A_116 = tpu.vector_load %arg14[%get3A_114, %get3A_115] {strides = array<i32>} : memref<128x128xf32, #tpu.memory_space<vmem>>, vector<1x16xf32>,
          %get3A_117 = vector.shape_cast %get3A_116 : vector<1x16xf32> to vector<16xf32>
          %add3A_118 = arith.addf %get3A_113, %get3A_117 : vector<16xf32>
          %swap3A = arith.index_cast %add3A_110 : i32 to index
          %swap3A_119 = arith.constant 0 : index
          %swap3A_120 = tpu.vector_load %arg15[%swap3A, %swap3A_119] {strides = array<i32>} : memref<128x128xf32, #tpu.memory_space<vmem>>, vector<1x16xf32>,
          %swap3A_121 = vector.shape_cast %swap3A_120 : vector<1x16xf32> to vector<16xf32>
          %swap3A_122 = vector.shape_cast %add3A_118 : vector<16xf32> to vector<1x16xf32>
          tpu.vector_store %arg15[%swap3A, %swap3A_119], %swap3A_122 {strides = array<i32>} : memref<128x128xf32, #tpu.memory_space<vmem>>, vector<1x16xf32>,
          %get3A_123 = arith.index_cast %add3A_110 : i32 to index
          %get3A_124 = arith.constant 16 : index
          %get3A_125 = tpu.vector_load %arg13[%get3A_123, %get3A_124] {strides = array<i32>} : memref<128x128xf32, #tpu.memory_space<vmem>>, vector<1x16xf32>,
          %get3A_126 = vector.shape_cast %get3A_125 : vector<1x16xf32> to vector<16xf32>
          %get3A_127 = arith.index_cast %add3A_110 : i32 to index
          %get3A_128 = arith.constant 16 : index
          %get3A_129 = tpu.vector_load %arg14[%get3A_127, %get3A_128] {strides = array<i32>} : memref<128x128xf32, #tpu.memory_space<vmem>>, vector<1x16xf32>,
          %get3A_130 = vector.shape_cast %get3A_129 : vector<1x16xf32> to vector<16xf32>
          %add3A_131 = arith.addf %get3A_126, %get3A_130 : vector<16xf32>
          %swap3A_132 = arith.index_cast %add3A_110 : i32 to index
          %swap3A_133 = arith.constant 16 : index
          %swap3A_134 = tpu.vector_load %arg15[%swap3A_132, %swap3A_133] {strides = array<i32>} : memref<128x128xf32, #tpu.memory_space<vmem>>, vector<1x16xf32>,
          %swap3A_135 = vector.shape_cast %swap3A_134 : vector<1x16xf32> to vector<16xf32>
          %swap3A_136 = vector.shape_cast %add3A_131 : vector<16xf32> to vector<1x16xf32>
          tpu.vector_store %arg15[%swap3A_132, %swap3A_133], %swap3A_136 {strides = array<i32>} : memref<128x128xf32, #tpu.memory_space<vmem>>, vector<1x16xf32>,
          %get3A_137 = arith.index_cast %add3A_110 : i32 to index
          %get3A_138 = arith.constant 32 : index
          %get3A_139 = tpu.vector_load %arg13[%get3A_137, %get3A_138] {strides = array<i32>} : memref<128x128xf32, #tpu.memory_space<vmem>>, vector<1x16xf32>,
          %get3A_140 = vector.shape_cast %get3A_139 : vector<1x16xf32> to vector<16xf32>
          %get3A_141 = arith.index_cast %add3A_110 : i32 to index
          %get3A_142 = arith.constant 32 : index
          %get3A_143 = tpu.vector_load %arg14[%get3A_141, %get3A_142] {strides = array<i32>} : memref<128x128xf32, #tpu.memory_space<vmem>>, vector<1x16xf32>,
          %get3A_144 = vector.shape_cast %get3A_143 : vector<1x16xf32> to vector<16xf32>
          %add3A_145 = arith.addf %get3A_140, %get3A_144 : vector<16xf32>
          %swap3A_146 = arith.index_cast %add3A_110 : i32 to index
          %swap3A_147 = arith.constant 32 : index
          %swap3A_148 = tpu.vector_load %arg15[%swap3A_146, %swap3A_147] {strides = array<i32>} : memref<128x128xf32, #tpu.memory_space<vmem>>, vector<1x16xf32>,
          %swap3A_149 = vector.shape_cast %swap3A_148 : vector<1x16xf32> to vector<16xf32>
          %swap3A_150 = vector.shape_cast %add3A_145 : vector<16xf32> to vector<1x16xf32>
          tpu.vector_store %arg15[%swap3A_146, %swap3A_147], %swap3A_150 {strides = array<i32>} : memref<128x128xf32, #tpu.memory_space<vmem>>, vector<1x16xf32>,
          %get3A_151 = arith.index_cast %add3A_110 : i32 to index
          %get3A_152 = arith.constant 48 : index
          %get3A_153 = tpu.vector_load %arg13[%get3A_151, %get3A_152] {strides = array<i32>} : memref<128x128xf32, #tpu.memory_space<vmem>>, vector<1x16xf32>,
          %get3A_154 = vector.shape_cast %get3A_153 : vector<1x16xf32> to vector<16xf32>
          %get3A_155 = arith.index_cast %add3A_110 : i32 to index
          %get3A_156 = arith.constant 48 : index
          %get3A_157 = tpu.vector_load %arg14[%get3A_155, %get3A_156] {strides = array<i32>} : memref<128x128xf32, #tpu.memory_space<vmem>>, vector<1x16xf32>,
          %get3A_158 = vector.shape_cast %get3A_157 : vector<1x16xf32> to vector<16xf32>
          %add3A_159 = arith.addf %get3A_154, %get3A_158 : vector<16xf32>
          %swap3A_160 = arith.index_cast %add3A_110 : i32 to index
          %swap3A_161 = arith.constant 48 : index
          %swap3A_162 = tpu.vector_load %arg15[%swap3A_160, %swap3A_161] {strides = array<i32>} : memref<128x128xf32, #tpu.memory_space<vmem>>, vector<1x16xf32>,
          %swap3A_163 = vector.shape_cast %swap3A_162 : vector<1x16xf32> to vector<16xf32>
          %swap3A_164 = vector.shape_cast %add3A_159 : vector<16xf32> to vector<1x16xf32>
          tpu.vector_store %arg15[%swap3A_160, %swap3A_161], %swap3A_164 {strides = array<i32>} : memref<128x128xf32, #tpu.memory_space<vmem>>, vector<1x16xf32>,
          %get3A_165 = arith.index_cast %add3A_110 : i32 to index
          %get3A_166 = arith.constant 64 : index
          %get3A_167 = tpu.vector_load %arg13[%get3A_165, %get3A_166] {strides = array<i32>} : memref<128x128xf32, #tpu.memory_space<vmem>>, vector<1x16xf32>,
          %get3A_168 = vector.shape_cast %get3A_167 : vector<1x16xf32> to vector<16xf32>
          %get3A_169 = arith.index_cast %add3A_110 : i32 to index
          %get3A_170 = arith.constant 64 : index
          %get3A_171 = tpu.vector_load %arg14[%get3A_169, %get3A_170] {strides = array<i32>} : memref<128x128xf32, #tpu.memory_space<vmem>>, vector<1x16xf32>,
          %get3A_172 = vector.shape_cast %get3A_171 : vector<1x16xf32> to vector<16xf32>
          %add3A_173 = arith.addf %get3A_168, %get3A_172 : vector<16xf32>
          %swap3A_174 = arith.index_cast %add3A_110 : i32 to index
          %swap3A_175 = arith.constant 64 : index
          %swap3A_176 = tpu.vector_load %arg15[%swap3A_174, %swap3A_175] {strides = array<i32>} : memref<128x128xf32, #tpu.memory_space<vmem>>, vector<1x16xf32>,
          %swap3A_177 = vector.shape_cast %swap3A_176 : vector<1x16xf32> to vector<16xf32>
          %swap3A_178 = vector.shape_cast %add3A_173 : vector<16xf32> to vector<1x16xf32>
          tpu.vector_store %arg15[%swap3A_174, %swap3A_175], %swap3A_178 {strides = array<i32>} : memref<128x128xf32, #tpu.memory_space<vmem>>, vector<1x16xf32>,
          %get3A_179 = arith.index_cast %add3A_110 : i32 to index
          %get3A_180 = arith.constant 80 : index
          %get3A_181 = tpu.vector_load %arg13[%get3A_179, %get3A_180] {strides = array<i32>} : memref<128x128xf32, #tpu.memory_space<vmem>>, vector<1x16xf32>,
          %get3A_182 = vector.shape_cast %get3A_181 : vector<1x16xf32> to vector<16xf32>
          %get3A_183 = arith.index_cast %add3A_110 : i32 to index
          %get3A_184 = arith.constant 80 : index
          %get3A_185 = tpu.vector_load %arg14[%get3A_183, %get3A_184] {strides = array<i32>} : memref<128x128xf32, #tpu.memory_space<vmem>>, vector<1x16xf32>,
          %get3A_186 = vector.shape_cast %get3A_185 : vector<1x16xf32> to vector<16xf32>
          %add3A_187 = arith.addf %get3A_182, %get3A_186 : vector<16xf32>
          %swap3A_188 = arith.index_cast %add3A_110 : i32 to index
          %swap3A_189 = arith.constant 80 : index
          %swap3A_190 = tpu.vector_load %arg15[%swap3A_188, %swap3A_189] {strides = array<i32>} : memref<128x128xf32, #tpu.memory_space<vmem>>, vector<1x16xf32>,
          %swap3A_191 = vector.shape_cast %swap3A_190 : vector<1x16xf32> to vector<16xf32>
          %swap3A_192 = vector.shape_cast %add3A_187 : vector<16xf32> to vector<1x16xf32>
          tpu.vector_store %arg15[%swap3A_188, %swap3A_189], %swap3A_192 {strides = array<i32>} : memref<128x128xf32, #tpu.memory_space<vmem>>, vector<1x16xf32>,
          %get3A_193 = arith.index_cast %add3A_110 : i32 to index
          %get3A_194 = arith.constant 96 : index
          %get3A_195 = tpu.vector_load %arg13[%get3A_193, %get3A_194] {strides = array<i32>} : memref<128x128xf32, #tpu.memory_space<vmem>>, vector<1x16xf32>,
          %get3A_196 = vector.shape_cast %get3A_195 : vector<1x16xf32> to vector<16xf32>
          %get3A_197 = arith.index_cast %add3A_110 : i32 to index
          %get3A_198 = arith.constant 96 : index
          %get3A_199 = tpu.vector_load %arg14[%get3A_197, %get3A_198] {strides = array<i32>} : memref<128x128xf32, #tpu.memory_space<vmem>>, vector<1x16xf32>,
          %get3A_200 = vector.shape_cast %get3A_199 : vector<1x16xf32> to vector<16xf32>
          %add3A_201 = arith.addf %get3A_196, %get3A_200 : vector<16xf32>
          %swap3A_202 = arith.index_cast %add3A_110 : i32 to index
          %swap3A_203 = arith.constant 96 : index
          %swap3A_204 = tpu.vector_load %arg15[%swap3A_202, %swap3A_203] {strides = array<i32>} : memref<128x128xf32, #tpu.memory_space<vmem>>, vector<1x16xf32>,
          %swap3A_205 = vector.shape_cast %swap3A_204 : vector<1x16xf32> to vector<16xf32>
          %swap3A_206 = vector.shape_cast %add3A_201 : vector<16xf32> to vector<1x16xf32>
          tpu.vector_store %arg15[%swap3A_202, %swap3A_203], %swap3A_206 {strides = array<i32>} : memref<128x128xf32, #tpu.memory_space<vmem>>, vector<1x16xf32>,
          %get3A_207 = arith.index_cast %add3A_110 : i32 to index
          %get3A_208 = arith.constant 112 : index
          %get3A_209 = tpu.vector_load %arg13[%get3A_207, %get3A_208] {strides = array<i32>} : memref<128x128xf32, #tpu.memory_space<vmem>>, vector<1x16xf32>,
          %get3A_210 = vector.shape_cast %get3A_209 : vector<1x16xf32> to vector<16xf32>
          %get3A_211 = arith.index_cast %add3A_110 : i32 to index
          %get3A_212 = arith.constant 112 : index
          %get3A_213 = tpu.vector_load %arg14[%get3A_211, %get3A_212] {strides = array<i32>} : memref<128x128xf32, #tpu.memory_space<vmem>>, vector<1x16xf32>,
          %get3A_214 = vector.shape_cast %get3A_213 : vector<1x16xf32> to vector<16xf32>
          %add3A_215 = arith.addf %get3A_210, %get3A_214 : vector<16xf32>
          %swap3A_216 = arith.index_cast %add3A_110 : i32 to index
          %swap3A_217 = arith.constant 112 : index
          %swap3A_218 = tpu.vector_load %arg15[%swap3A_216, %swap3A_217] {strides = array<i32>} : memref<128x128xf32, #tpu.memory_space<vmem>>, vector<1x16xf32>,
          %swap3A_219 = vector.shape_cast %swap3A_218 : vector<1x16xf32> to vector<16xf32>
          %swap3A_220 = vector.shape_cast %add3A_215 : vector<16xf32> to vector<1x16xf32>
          tpu.vector_store %arg15[%swap3A_216, %swap3A_217], %swap3A_220 {strides = array<i32>} : memref<128x128xf32, #tpu.memory_space<vmem>>, vector<1x16xf32>,
          %mul3A_221 = arith.constant 4 : i32
          %mul3A_222 = arith.muli %mul3A_221, %scan3A_106 : i32
          %add3A_223 = arith.constant 1 : i32
          %add3A_224 = arith.addi %mul3A_222, %add3A_223 : i32
          %get3A_225 = arith.index_cast %add3A_224 : i32 to index
          %get3A_226 = arith.constant 0 : index
          %get3A_227 = tpu.vector_load %arg13[%get3A_225, %get3A_226] {strides = array<i32>} : memref<128x128xf32, #tpu.memory_space<vmem>>, vector<1x16xf32>,
          %get3A_228 = vector.shape_cast %get3A_227 : vector<1x16xf32> to vector<16xf32>
          %get3A_229 = arith.index_cast %add3A_224 : i32 to index
          %get3A_230 = arith.constant 0 : index
          %get3A_231 = tpu.vector_load %arg14[%get3A_229, %get3A_230] {strides = array<i32>} : memref<128x128xf32, #tpu.memory_space<vmem>>, vector<1x16xf32>,
          %get3A_232 = vector.shape_cast %get3A_231 : vector<1x16xf32> to vector<16xf32>
          %add3A_233 = arith.addf %get3A_228, %get3A_232 : vector<16xf32>
          %swap3A_234 = arith.index_cast %add3A_224 : i32 to index
          %swap3A_235 = arith.constant 0 : index
          %swap3A_236 = tpu.vector_load %arg15[%swap3A_234, %swap3A_235] {strides = array<i32>} : memref<128x128xf32, #tpu.memory_space<vmem>>, vector<1x16xf32>,
          %swap3A_237 = vector.shape_cast %swap3A_236 : vector<1x16xf32> to vector<16xf32>
          %swap3A_238 = vector.shape_cast %add3A_233 : vector<16xf32> to vector<1x16xf32>
          tpu.vector_store %arg15[%swap3A_234, %swap3A_235], %swap3A_238 {strides = array<i32>} : memref<128x128xf32, #tpu.memory_space<vmem>>, vector<1x16xf32>,
          %get3A_239 = arith.index_cast %add3A_224 : i32 to index
          %get3A_240 = arith.constant 16 : index
          %get3A_241 = tpu.vector_load %arg13[%get3A_239, %get3A_240] {strides = array<i32>} : memref<128x128xf32, #tpu.memory_space<vmem>>, vector<1x16xf32>,
          %get3A_242 = vector.shape_cast %get3A_241 : vector<1x16xf32> to vector<16xf32>
          %get3A_243 = arith.index_cast %add3A_224 : i32 to index
          %get3A_244 = arith.constant 16 : index
          %get3A_245 = tpu.vector_load %arg14[%get3A_243, %get3A_244] {strides = array<i32>} : memref<128x128xf32, #tpu.memory_space<vmem>>, vector<1x16xf32>,
          %get3A_246 = vector.shape_cast %get3A_245 : vector<1x16xf32> to vector<16xf32>
          %add3A_247 = arith.addf %get3A_242, %get3A_246 : vector<16xf32>
          %swap3A_248 = arith.index_cast %add3A_224 : i32 to index
          %swap3A_249 = arith.constant 16 : index
          %swap3A_250 = tpu.vector_load %arg15[%swap3A_248, %swap3A_249] {strides = array<i32>} : memref<128x128xf32, #tpu.memory_space<vmem>>, vector<1x16xf32>,
          %swap3A_251 = vector.shape_cast %swap3A_250 : vector<1x16xf32> to vector<16xf32>
          %swap3A_252 = vector.shape_cast %add3A_247 : vector<16xf32> to vector<1x16xf32>
          tpu.vector_store %arg15[%swap3A_248, %swap3A_249], %swap3A_252 {strides = array<i32>} : memref<128x128xf32, #tpu.memory_space<vmem>>, vector<1x16xf32>,
          %get3A_253 = arith.index_cast %add3A_224 : i32 to index
          %get3A_254 = arith.constant 32 : index
          %get3A_255 = tpu.vector_load %arg13[%get3A_253, %get3A_254] {strides = array<i32>} : memref<128x128xf32, #tpu.memory_space<vmem>>, vector<1x16xf32>,
          %get3A_256 = vector.shape_cast %get3A_255 : vector<1x16xf32> to vector<16xf32>
          %get3A_257 = arith.index_cast %add3A_224 : i32 to index
          %get3A_258 = arith.constant 32 : index
          %get3A_259 = tpu.vector_load %arg14[%get3A_257, %get3A_258] {strides = array<i32>} : memref<128x128xf32, #tpu.memory_space<vmem>>, vector<1x16xf32>,
          %get3A_260 = vector.shape_cast %get3A_259 : vector<1x16xf32> to vector<16xf32>
          %add3A_261 = arith.addf %get3A_256, %get3A_260 : vector<16xf32>
          %swap3A_262 = arith.index_cast %add3A_224 : i32 to index
          %swap3A_263 = arith.constant 32 : index
          %swap3A_264 = tpu.vector_load %arg15[%swap3A_262, %swap3A_263] {strides = array<i32>} : memref<128x128xf32, #tpu.memory_space<vmem>>, vector<1x16xf32>,
          %swap3A_265 = vector.shape_cast %swap3A_264 : vector<1x16xf32> to vector<16xf32>
          %swap3A_266 = vector.shape_cast %add3A_261 : vector<16xf32> to vector<1x16xf32>
          tpu.vector_store %arg15[%swap3A_262, %swap3A_263], %swap3A_266 {strides = array<i32>} : memref<128x128xf32, #tpu.memory_space<vmem>>, vector<1x16xf32>,
          %get3A_267 = arith.index_cast %add3A_224 : i32 to index
          %get3A_268 = arith.constant 48 : index
          %get3A_269 = tpu.vector_load %arg13[%get3A_267, %get3A_268] {strides = array<i32>} : memref<128x128xf32, #tpu.memory_space<vmem>>, vector<1x16xf32>,
          %get3A_270 = vector.shape_cast %get3A_269 : vector<1x16xf32> to vector<16xf32>
          %get3A_271 = arith.index_cast %add3A_224 : i32 to index
          %get3A_272 = arith.constant 48 : index
          %get3A_273 = tpu.vector_load %arg14[%get3A_271, %get3A_272] {strides = array<i32>} : memref<128x128xf32, #tpu.memory_space<vmem>>, vector<1x16xf32>,
          %get3A_274 = vector.shape_cast %get3A_273 : vector<1x16xf32> to vector<16xf32>
          %add3A_275 = arith.addf %get3A_270, %get3A_274 : vector<16xf32>
          %swap3A_276 = arith.index_cast %add3A_224 : i32 to index
          %swap3A_277 = arith.constant 48 : index
          %swap3A_278 = tpu.vector_load %arg15[%swap3A_276, %swap3A_277] {strides = array<i32>} : memref<128x128xf32, #tpu.memory_space<vmem>>, vector<1x16xf32>,
          %swap3A_279 = vector.shape_cast %swap3A_278 : vector<1x16xf32> to vector<16xf32>
          %swap3A_280 = vector.shape_cast %add3A_275 : vector<16xf32> to vector<1x16xf32>
          tpu.vector_store %arg15[%swap3A_276, %swap3A_277], %swap3A_280 {strides = array<i32>} : memref<128x128xf32, #tpu.memory_space<vmem>>, vector<1x16xf32>,
          %get3A_281 = arith.index_cast %add3A_224 : i32 to index
          %get3A_282 = arith.constant 64 : index
          %get3A_283 = tpu.vector_load %arg13[%get3A_281, %get3A_282] {strides = array<i32>} : memref<128x128xf32, #tpu.memory_space<vmem>>, vector<1x16xf32>,
          %get3A_284 = vector.shape_cast %get3A_283 : vector<1x16xf32> to vector<16xf32>
          %get3A_285 = arith.index_cast %add3A_224 : i32 to index
          %get3A_286 = arith.constant 64 : index
          %get3A_287 = tpu.vector_load %arg14[%get3A_285, %get3A_286] {strides = array<i32>} : memref<128x128xf32, #tpu.memory_space<vmem>>, vector<1x16xf32>,
          %get3A_288 = vector.shape_cast %get3A_287 : vector<1x16xf32> to vector<16xf32>
          %add3A_289 = arith.addf %get3A_284, %get3A_288 : vector<16xf32>
          %swap3A_290 = arith.index_cast %add3A_224 : i32 to index
          %swap3A_291 = arith.constant 64 : index
          %swap3A_292 = tpu.vector_load %arg15[%swap3A_290, %swap3A_291] {strides = array<i32>} : memref<128x128xf32, #tpu.memory_space<vmem>>, vector<1x16xf32>,
          %swap3A_293 = vector.shape_cast %swap3A_292 : vector<1x16xf32> to vector<16xf32>
          %swap3A_294 = vector.shape_cast %add3A_289 : vector<16xf32> to vector<1x16xf32>
          tpu.vector_store %arg15[%swap3A_290, %swap3A_291], %swap3A_294 {strides = array<i32>} : memref<128x128xf32, #tpu.memory_space<vmem>>, vector<1x16xf32>,
          %get3A_295 = arith.index_cast %add3A_224 : i32 to index
          %get3A_296 = arith.constant 80 : index
          %get3A_297 = tpu.vector_load %arg13[%get3A_295, %get3A_296] {strides = array<i32>} : memref<128x128xf32, #tpu.memory_space<vmem>>, vector<1x16xf32>,
          %get3A_298 = vector.shape_cast %get3A_297 : vector<1x16xf32> to vector<16xf32>
          %get3A_299 = arith.index_cast %add3A_224 : i32 to index
          %get3A_300 = arith.constant 80 : index
          %get3A_301 = tpu.vector_load %arg14[%get3A_299, %get3A_300] {strides = array<i32>} : memref<128x128xf32, #tpu.memory_space<vmem>>, vector<1x16xf32>,
          %get3A_302 = vector.shape_cast %get3A_301 : vector<1x16xf32> to vector<16xf32>
          %add3A_303 = arith.addf %get3A_298, %get3A_302 : vector<16xf32>
          %swap3A_304 = arith.index_cast %add3A_224 : i32 to index
          %swap3A_305 = arith.constant 80 : index
          %swap3A_306 = tpu.vector_load %arg15[%swap3A_304, %swap3A_305] {strides = array<i32>} : memref<128x128xf32, #tpu.memory_space<vmem>>, vector<1x16xf32>,
          %swap3A_307 = vector.shape_cast %swap3A_306 : vector<1x16xf32> to vector<16xf32>
          %swap3A_308 = vector.shape_cast %add3A_303 : vector<16xf32> to vector<1x16xf32>
          tpu.vector_store %arg15[%swap3A_304, %swap3A_305], %swap3A_308 {strides = array<i32>} : memref<128x128xf32, #tpu.memory_space<vmem>>, vector<1x16xf32>,
          %get3A_309 = arith.index_cast %add3A_224 : i32 to index
          %get3A_310 = arith.constant 96 : index
          %get3A_311 = tpu.vector_load %arg13[%get3A_309, %get3A_310] {strides = array<i32>} : memref<128x128xf32, #tpu.memory_space<vmem>>, vector<1x16xf32>,
          %get3A_312 = vector.shape_cast %get3A_311 : vector<1x16xf32> to vector<16xf32>
          %get3A_313 = arith.index_cast %add3A_224 : i32 to index
          %get3A_314 = arith.constant 96 : index
          %get3A_315 = tpu.vector_load %arg14[%get3A_313, %get3A_314] {strides = array<i32>} : memref<128x128xf32, #tpu.memory_space<vmem>>, vector<1x16xf32>,
          %get3A_316 = vector.shape_cast %get3A_315 : vector<1x16xf32> to vector<16xf32>
          %add3A_317 = arith.addf %get3A_312, %get3A_316 : vector<16xf32>
          %swap3A_318 = arith.index_cast %add3A_224 : i32 to index
          %swap3A_319 = arith.constant 96 : index
          %swap3A_320 = tpu.vector_load %arg15[%swap3A_318, %swap3A_319] {strides = array<i32>} : memref<128x128xf32, #tpu.memory_space<vmem>>, vector<1x16xf32>,
          %swap3A_321 = vector.shape_cast %swap3A_320 : vector<1x16xf32> to vector<16xf32>
          %swap3A_322 = vector.shape_cast %add3A_317 : vector<16xf32> to vector<1x16xf32>
          tpu.vector_store %arg15[%swap3A_318, %swap3A_319], %swap3A_322 {strides = array<i32>} : memref<128x128xf32, #tpu.memory_space<vmem>>, vector<1x16xf32>,
          %get3A_323 = arith.index_cast %add3A_224 : i32 to index
          %get3A_324 = arith.constant 112 : index
          %get3A_325 = tpu.vector_load %arg13[%get3A_323, %get3A_324] {strides = array<i32>} : memref<128x128xf32, #tpu.memory_space<vmem>>, vector<1x16xf32>,
          %get3A_326 = vector.shape_cast %get3A_325 : vector<1x16xf32> to vector<16xf32>
          %get3A_327 = arith.index_cast %add3A_224 : i32 to index
          %get3A_328 = arith.constant 112 : index
          %get3A_329 = tpu.vector_load %arg14[%get3A_327, %get3A_328] {strides = array<i32>} : memref<128x128xf32, #tpu.memory_space<vmem>>, vector<1x16xf32>,
          %get3A_330 = vector.shape_cast %get3A_329 : vector<1x16xf32> to vector<16xf32>
          %add3A_331 = arith.addf %get3A_326, %get3A_330 : vector<16xf32>
          %swap3A_332 = arith.index_cast %add3A_224 : i32 to index
          %swap3A_333 = arith.constant 112 : index
          %swap3A_334 = tpu.vector_load %arg15[%swap3A_332, %swap3A_333] {strides = array<i32>} : memref<128x128xf32, #tpu.memory_space<vmem>>, vector<1x16xf32>,
          %swap3A_335 = vector.shape_cast %swap3A_334 : vector<1x16xf32> to vector<16xf32>
          %swap3A_336 = vector.shape_cast %add3A_331 : vector<16xf32> to vector<1x16xf32>
          tpu.vector_store %arg15[%swap3A_332, %swap3A_333], %swap3A_336 {strides = array<i32>} : memref<128x128xf32, #tpu.memory_space<vmem>>, vector<1x16xf32>,
          %mul3A_337 = arith.constant 4 : i32
          %mul3A_338 = arith.muli %mul3A_337, %scan3A_106 : i32
          %add3A_339 = arith.constant 2 : i32
          %add3A_340 = arith.addi %mul3A_338, %add3A_339 : i32
          %get3A_341 = arith.index_cast %add3A_340 : i32 to index
          %get3A_342 = arith.constant 0 : index
          %get3A_343 = tpu.vector_load %arg13[%get3A_341, %get3A_342] {strides = array<i32>} : memref<128x128xf32, #tpu.memory_space<vmem>>, vector<1x16xf32>,
          %get3A_344 = vector.shape_cast %get3A_343 : vector<1x16xf32> to vector<16xf32>
          %get3A_345 = arith.index_cast %add3A_340 : i32 to index
          %get3A_346 = arith.constant 0 : index
          %get3A_347 = tpu.vector_load %arg14[%get3A_345, %get3A_346] {strides = array<i32>} : memref<128x128xf32, #tpu.memory_space<vmem>>, vector<1x16xf32>,
          %get3A_348 = vector.shape_cast %get3A_347 : vector<1x16xf32> to vector<16xf32>
          %add3A_349 = arith.addf %get3A_344, %get3A_348 : vector<16xf32>
          %swap3A_350 = arith.index_cast %add3A_340 : i32 to index
          %swap3A_351 = arith.constant 0 : index
          %swap3A_352 = tpu.vector_load %arg15[%swap3A_350, %swap3A_351] {strides = array<i32>} : memref<128x128xf32, #tpu.memory_space<vmem>>, vector<1x16xf32>,
          %swap3A_353 = vector.shape_cast %swap3A_352 : vector<1x16xf32> to vector<16xf32>
          %swap3A_354 = vector.shape_cast %add3A_349 : vector<16xf32> to vector<1x16xf32>
          tpu.vector_store %arg15[%swap3A_350, %swap3A_351], %swap3A_354 {strides = array<i32>} : memref<128x128xf32, #tpu.memory_space<vmem>>, vector<1x16xf32>,
          %get3A_355 = arith.index_cast %add3A_340 : i32 to index
          %get3A_356 = arith.constant 16 : index
          %get3A_357 = tpu.vector_load %arg13[%get3A_355, %get3A_356] {strides = array<i32>} : memref<128x128xf32, #tpu.memory_space<vmem>>, vector<1x16xf32>,
          %get3A_358 = vector.shape_cast %get3A_357 : vector<1x16xf32> to vector<16xf32>
          %get3A_359 = arith.index_cast %add3A_340 : i32 to index
          %get3A_360 = arith.constant 16 : index
          %get3A_361 = tpu.vector_load %arg14[%get3A_359, %get3A_360] {strides = array<i32>} : memref<128x128xf32, #tpu.memory_space<vmem>>, vector<1x16xf32>,
          %get3A_362 = vector.shape_cast %get3A_361 : vector<1x16xf32> to vector<16xf32>
          %add3A_363 = arith.addf %get3A_358, %get3A_362 : vector<16xf32>
          %swap3A_364 = arith.index_cast %add3A_340 : i32 to index
          %swap3A_365 = arith.constant 16 : index
          %swap3A_366 = tpu.vector_load %arg15[%swap3A_364, %swap3A_365] {strides = array<i32>} : memref<128x128xf32, #tpu.memory_space<vmem>>, vector<1x16xf32>,
          %swap3A_367 = vector.shape_cast %swap3A_366 : vector<1x16xf32> to vector<16xf32>
          %swap3A_368 = vector.shape_cast %add3A_363 : vector<16xf32> to vector<1x16xf32>
          tpu.vector_store %arg15[%swap3A_364, %swap3A_365], %swap3A_368 {strides = array<i32>} : memref<128x128xf32, #tpu.memory_space<vmem>>, vector<1x16xf32>,
          %get3A_369 = arith.index_cast %add3A_340 : i32 to index
          %get3A_370 = arith.constant 32 : index
          %get3A_371 = tpu.vector_load %arg13[%get3A_369, %get3A_370] {strides = array<i32>} : memref<128x128xf32, #tpu.memory_space<vmem>>, vector<1x16xf32>,
          %get3A_372 = vector.shape_cast %get3A_371 : vector<1x16xf32> to vector<16xf32>
          %get3A_373 = arith.index_cast %add3A_340 : i32 to index
          %get3A_374 = arith.constant 32 : index
          %get3A_375 = tpu.vector_load %arg14[%get3A_373, %get3A_374] {strides = array<i32>} : memref<128x128xf32, #tpu.memory_space<vmem>>, vector<1x16xf32>,
          %get3A_376 = vector.shape_cast %get3A_375 : vector<1x16xf32> to vector<16xf32>
          %add3A_377 = arith.addf %get3A_372, %get3A_376 : vector<16xf32>
          %swap3A_378 = arith.index_cast %add3A_340 : i32 to index
          %swap3A_379 = arith.constant 32 : index
          %swap3A_380 = tpu.vector_load %arg15[%swap3A_378, %swap3A_379] {strides = array<i32>} : memref<128x128xf32, #tpu.memory_space<vmem>>, vector<1x16xf32>,
          %swap3A_381 = vector.shape_cast %swap3A_380 : vector<1x16xf32> to vector<16xf32>
          %swap3A_382 = vector.shape_cast %add3A_377 : vector<16xf32> to vector<1x16xf32>
          tpu.vector_store %arg15[%swap3A_378, %swap3A_379], %swap3A_382 {strides = array<i32>} : memref<128x128xf32, #tpu.memory_space<vmem>>, vector<1x16xf32>,
          %get3A_383 = arith.index_cast %add3A_340 : i32 to index
          %get3A_384 = arith.constant 48 : index
          %get3A_385 = tpu.vector_load %arg13[%get3A_383, %get3A_384] {strides = array<i32>} : memref<128x128xf32, #tpu.memory_space<vmem>>, vector<1x16xf32>,
          %get3A_386 = vector.shape_cast %get3A_385 : vector<1x16xf32> to vector<16xf32>
          %get3A_387 = arith.index_cast %add3A_340 : i32 to index
          %get3A_388 = arith.constant 48 : index
          %get3A_389 = tpu.vector_load %arg14[%get3A_387, %get3A_388] {strides = array<i32>} : memref<128x128xf32, #tpu.memory_space<vmem>>, vector<1x16xf32>,
          %get3A_390 = vector.shape_cast %get3A_389 : vector<1x16xf32> to vector<16xf32>
          %add3A_391 = arith.addf %get3A_386, %get3A_390 : vector<16xf32>
          %swap3A_392 = arith.index_cast %add3A_340 : i32 to index
          %swap3A_393 = arith.constant 48 : index
          %swap3A_394 = tpu.vector_load %arg15[%swap3A_392, %swap3A_393] {strides = array<i32>} : memref<128x128xf32, #tpu.memory_space<vmem>>, vector<1x16xf32>,
          %swap3A_395 = vector.shape_cast %swap3A_394 : vector<1x16xf32> to vector<16xf32>
          %swap3A_396 = vector.shape_cast %add3A_391 : vector<16xf32> to vector<1x16xf32>
          tpu.vector_store %arg15[%swap3A_392, %swap3A_393], %swap3A_396 {strides = array<i32>} : memref<128x128xf32, #tpu.memory_space<vmem>>, vector<1x16xf32>,
          %get3A_397 = arith.index_cast %add3A_340 : i32 to index
          %get3A_398 = arith.constant 64 : index
          %get3A_399 = tpu.vector_load %arg13[%get3A_397, %get3A_398] {strides = array<i32>} : memref<128x128xf32, #tpu.memory_space<vmem>>, vector<1x16xf32>,
          %get3A_400 = vector.shape_cast %get3A_399 : vector<1x16xf32> to vector<16xf32>
          %get3A_401 = arith.index_cast %add3A_340 : i32 to index
          %get3A_402 = arith.constant 64 : index
          %get3A_403 = tpu.vector_load %arg14[%get3A_401, %get3A_402] {strides = array<i32>} : memref<128x128xf32, #tpu.memory_space<vmem>>, vector<1x16xf32>,
          %get3A_404 = vector.shape_cast %get3A_403 : vector<1x16xf32> to vector<16xf32>
          %add3A_405 = arith.addf %get3A_400, %get3A_404 : vector<16xf32>
          %swap3A_406 = arith.index_cast %add3A_340 : i32 to index
          %swap3A_407 = arith.constant 64 : index
          %swap3A_408 = tpu.vector_load %arg15[%swap3A_406, %swap3A_407] {strides = array<i32>} : memref<128x128xf32, #tpu.memory_space<vmem>>, vector<1x16xf32>,
          %swap3A_409 = vector.shape_cast %swap3A_408 : vector<1x16xf32> to vector<16xf32>
          %swap3A_410 = vector.shape_cast %add3A_405 : vector<16xf32> to vector<1x16xf32>
          tpu.vector_store %arg15[%swap3A_406, %swap3A_407], %swap3A_410 {strides = array<i32>} : memref<128x128xf32, #tpu.memory_space<vmem>>, vector<1x16xf32>,
          %get3A_411 = arith.index_cast %add3A_340 : i32 to index
          %get3A_412 = arith.constant 80 : index
          %get3A_413 = tpu.vector_load %arg13[%get3A_411, %get3A_412] {strides = array<i32>} : memref<128x128xf32, #tpu.memory_space<vmem>>, vector<1x16xf32>,
          %get3A_414 = vector.shape_cast %get3A_413 : vector<1x16xf32> to vector<16xf32>
          %get3A_415 = arith.index_cast %add3A_340 : i32 to index
          %get3A_416 = arith.constant 80 : index
          %get3A_417 = tpu.vector_load %arg14[%get3A_415, %get3A_416] {strides = array<i32>} : memref<128x128xf32, #tpu.memory_space<vmem>>, vector<1x16xf32>,
          %get3A_418 = vector.shape_cast %get3A_417 : vector<1x16xf32> to vector<16xf32>
          %add3A_419 = arith.addf %get3A_414, %get3A_418 : vector<16xf32>
          %swap3A_420 = arith.index_cast %add3A_340 : i32 to index
          %swap3A_421 = arith.constant 80 : index
          %swap3A_422 = tpu.vector_load %arg15[%swap3A_420, %swap3A_421] {strides = array<i32>} : memref<128x128xf32, #tpu.memory_space<vmem>>, vector<1x16xf32>,
          %swap3A_423 = vector.shape_cast %swap3A_422 : vector<1x16xf32> to vector<16xf32>
          %swap3A_424 = vector.shape_cast %add3A_419 : vector<16xf32> to vector<1x16xf32>
          tpu.vector_store %arg15[%swap3A_420, %swap3A_421], %swap3A_424 {strides = array<i32>} : memref<128x128xf32, #tpu.memory_space<vmem>>, vector<1x16xf32>,
          %get3A_425 = arith.index_cast %add3A_340 : i32 to index
          %get3A_426 = arith.constant 96 : index
          %get3A_427 = tpu.vector_load %arg13[%get3A_425, %get3A_426] {strides = array<i32>} : memref<128x128xf32, #tpu.memory_space<vmem>>, vector<1x16xf32>,
          %get3A_428 = vector.shape_cast %get3A_427 : vector<1x16xf32> to vector<16xf32>
          %get3A_429 = arith.index_cast %add3A_340 : i32 to index
          %get3A_430 = arith.constant 96 : index
          %get3A_431 = tpu.vector_load %arg14[%get3A_429, %get3A_430] {strides = array<i32>} : memref<128x128xf32, #tpu.memory_space<vmem>>, vector<1x16xf32>,
          %get3A_432 = vector.shape_cast %get3A_431 : vector<1x16xf32> to vector<16xf32>
          %add3A_433 = arith.addf %get3A_428, %get3A_432 : vector<16xf32>
          %swap3A_434 = arith.index_cast %add3A_340 : i32 to index
          %swap3A_435 = arith.constant 96 : index
          %swap3A_436 = tpu.vector_load %arg15[%swap3A_434, %swap3A_435] {strides = array<i32>} : memref<128x128xf32, #tpu.memory_space<vmem>>, vector<1x16xf32>,
          %swap3A_437 = vector.shape_cast %swap3A_436 : vector<1x16xf32> to vector<16xf32>
          %swap3A_438 = vector.shape_cast %add3A_433 : vector<16xf32> to vector<1x16xf32>
          tpu.vector_store %arg15[%swap3A_434, %swap3A_435], %swap3A_438 {strides = array<i32>} : memref<128x128xf32, #tpu.memory_space<vmem>>, vector<1x16xf32>,
          %get3A_439 = arith.index_cast %add3A_340 : i32 to index
          %get3A_440 = arith.constant 112 : index
          %get3A_441 = tpu.vector_load %arg13[%get3A_439, %get3A_440] {strides = array<i32>} : memref<128x128xf32, #tpu.memory_space<vmem>>, vector<1x16xf32>,
          %get3A_442 = vector.shape_cast %get3A_441 : vector<1x16xf32> to vector<16xf32>
          %get3A_443 = arith.index_cast %add3A_340 : i32 to index
          %get3A_444 = arith.constant 112 : index
          %get3A_445 = tpu.vector_load %arg14[%get3A_443, %get3A_444] {strides = array<i32>} : memref<128x128xf32, #tpu.memory_space<vmem>>, vector<1x16xf32>,
          %get3A_446 = vector.shape_cast %get3A_445 : vector<1x16xf32> to vector<16xf32>
          %add3A_447 = arith.addf %get3A_442, %get3A_446 : vector<16xf32>
          %swap3A_448 = arith.index_cast %add3A_340 : i32 to index
          %swap3A_449 = arith.constant 112 : index
          %swap3A_450 = tpu.vector_load %arg15[%swap3A_448, %swap3A_449] {strides = array<i32>} : memref<128x128xf32, #tpu.memory_space<vmem>>, vector<1x16xf32>,
          %swap3A_451 = vector.shape_cast %swap3A_450 : vector<1x16xf32> to vector<16xf32>
          %swap3A_452 = vector.shape_cast %add3A_447 : vector<16xf32> to vector<1x16xf32>
          tpu.vector_store %arg15[%swap3A_448, %swap3A_449], %swap3A_452 {strides = array<i32>} : memref<128x128xf32, #tpu.memory_space<vmem>>, vector<1x16xf32>,
          %mul3A_453 = arith.constant 4 : i32
          %mul3A_454 = arith.muli %mul3A_453, %scan3A_106 : i32
          %add3A_455 = arith.constant 3 : i32
          %add3A_456 = arith.addi %mul3A_454, %add3A_455 : i32
          %get3A_457 = arith.index_cast %add3A_456 : i32 to index
          %get3A_458 = arith.constant 0 : index
          %get3A_459 = tpu.vector_load %arg13[%get3A_457, %get3A_458] {strides = array<i32>} : memref<128x128xf32, #tpu.memory_space<vmem>>, vector<1x16xf32>,
          %get3A_460 = vector.shape_cast %get3A_459 : vector<1x16xf32> to vector<16xf32>
          %get3A_461 = arith.index_cast %add3A_456 : i32 to index
          %get3A_462 = arith.constant 0 : index
          %get3A_463 = tpu.vector_load %arg14[%get3A_461, %get3A_462] {strides = array<i32>} : memref<128x128xf32, #tpu.memory_space<vmem>>, vector<1x16xf32>,
          %get3A_464 = vector.shape_cast %get3A_463 : vector<1x16xf32> to vector<16xf32>
          %add3A_465 = arith.addf %get3A_460, %get3A_464 : vector<16xf32>
          %swap3A_466 = arith.index_cast %add3A_456 : i32 to index
          %swap3A_467 = arith.constant 0 : index
          %swap3A_468 = tpu.vector_load %arg15[%swap3A_466, %swap3A_467] {strides = array<i32>} : memref<128x128xf32, #tpu.memory_space<vmem>>, vector<1x16xf32>,
          %swap3A_469 = vector.shape_cast %swap3A_468 : vector<1x16xf32> to vector<16xf32>
          %swap3A_470 = vector.shape_cast %add3A_465 : vector<16xf32> to vector<1x16xf32>
          tpu.vector_store %arg15[%swap3A_466, %swap3A_467], %swap3A_470 {strides = array<i32>} : memref<128x128xf32, #tpu.memory_space<vmem>>, vector<1x16xf32>,
          %get3A_471 = arith.index_cast %add3A_456 : i32 to index
          %get3A_472 = arith.constant 16 : index
          %get3A_473 = tpu.vector_load %arg13[%get3A_471, %get3A_472] {strides = array<i32>} : memref<128x128xf32, #tpu.memory_space<vmem>>, vector<1x16xf32>,
          %get3A_474 = vector.shape_cast %get3A_473 : vector<1x16xf32> to vector<16xf32>
          %get3A_475 = arith.index_cast %add3A_456 : i32 to index
          %get3A_476 = arith.constant 16 : index
          %get3A_477 = tpu.vector_load %arg14[%get3A_475, %get3A_476] {strides = array<i32>} : memref<128x128xf32, #tpu.memory_space<vmem>>, vector<1x16xf32>,
          %get3A_478 = vector.shape_cast %get3A_477 : vector<1x16xf32> to vector<16xf32>
          %add3A_479 = arith.addf %get3A_474, %get3A_478 : vector<16xf32>
          %swap3A_480 = arith.index_cast %add3A_456 : i32 to index
          %swap3A_481 = arith.constant 16 : index
          %swap3A_482 = tpu.vector_load %arg15[%swap3A_480, %swap3A_481] {strides = array<i32>} : memref<128x128xf32, #tpu.memory_space<vmem>>, vector<1x16xf32>,
          %swap3A_483 = vector.shape_cast %swap3A_482 : vector<1x16xf32> to vector<16xf32>
          %swap3A_484 = vector.shape_cast %add3A_479 : vector<16xf32> to vector<1x16xf32>
          tpu.vector_store %arg15[%swap3A_480, %swap3A_481], %swap3A_484 {strides = array<i32>} : memref<128x128xf32, #tpu.memory_space<vmem>>, vector<1x16xf32>,
          %get3A_485 = arith.index_cast %add3A_456 : i32 to index
          %get3A_486 = arith.constant 32 : index
          %get3A_487 = tpu.vector_load %arg13[%get3A_485, %get3A_486] {strides = array<i32>} : memref<128x128xf32, #tpu.memory_space<vmem>>, vector<1x16xf32>,
          %get3A_488 = vector.shape_cast %get3A_487 : vector<1x16xf32> to vector<16xf32>
          %get3A_489 = arith.index_cast %add3A_456 : i32 to index
          %get3A_490 = arith.constant 32 : index
          %get3A_491 = tpu.vector_load %arg14[%get3A_489, %get3A_490] {strides = array<i32>} : memref<128x128xf32, #tpu.memory_space<vmem>>, vector<1x16xf32>,
          %get3A_492 = vector.shape_cast %get3A_491 : vector<1x16xf32> to vector<16xf32>
          %add3A_493 = arith.addf %get3A_488, %get3A_492 : vector<16xf32>
          %swap3A_494 = arith.index_cast %add3A_456 : i32 to index
          %swap3A_495 = arith.constant 32 : index
          %swap3A_496 = tpu.vector_load %arg15[%swap3A_494, %swap3A_495] {strides = array<i32>} : memref<128x128xf32, #tpu.memory_space<vmem>>, vector<1x16xf32>,
          %swap3A_497 = vector.shape_cast %swap3A_496 : vector<1x16xf32> to vector<16xf32>
          %swap3A_498 = vector.shape_cast %add3A_493 : vector<16xf32> to vector<1x16xf32>
          tpu.vector_store %arg15[%swap3A_494, %swap3A_495], %swap3A_498 {strides = array<i32>} : memref<128x128xf32, #tpu.memory_space<vmem>>, vector<1x16xf32>,
          %get3A_499 = arith.index_cast %add3A_456 : i32 to index
          %get3A_500 = arith.constant 48 : index
          %get3A_501 = tpu.vector_load %arg13[%get3A_499, %get3A_500] {strides = array<i32>} : memref<128x128xf32, #tpu.memory_space<vmem>>, vector<1x16xf32>,
          %get3A_502 = vector.shape_cast %get3A_501 : vector<1x16xf32> to vector<16xf32>
          %get3A_503 = arith.index_cast %add3A_456 : i32 to index
          %get3A_504 = arith.constant 48 : index
          %get3A_505 = tpu.vector_load %arg14[%get3A_503, %get3A_504] {strides = array<i32>} : memref<128x128xf32, #tpu.memory_space<vmem>>, vector<1x16xf32>,
          %get3A_506 = vector.shape_cast %get3A_505 : vector<1x16xf32> to vector<16xf32>
          %add3A_507 = arith.addf %get3A_502, %get3A_506 : vector<16xf32>
          %swap3A_508 = arith.index_cast %add3A_456 : i32 to index
          %swap3A_509 = arith.constant 48 : index
          %swap3A_510 = tpu.vector_load %arg15[%swap3A_508, %swap3A_509] {strides = array<i32>} : memref<128x128xf32, #tpu.memory_space<vmem>>, vector<1x16xf32>,
          %swap3A_511 = vector.shape_cast %swap3A_510 : vector<1x16xf32> to vector<16xf32>
          %swap3A_512 = vector.shape_cast %add3A_507 : vector<16xf32> to vector<1x16xf32>
          tpu.vector_store %arg15[%swap3A_508, %swap3A_509], %swap3A_512 {strides = array<i32>} : memref<128x128xf32, #tpu.memory_space<vmem>>, vector<1x16xf32>,
          %get3A_513 = arith.index_cast %add3A_456 : i32 to index
          %get3A_514 = arith.constant 64 : index
          %get3A_515 = tpu.vector_load %arg13[%get3A_513, %get3A_514] {strides = array<i32>} : memref<128x128xf32, #tpu.memory_space<vmem>>, vector<1x16xf32>,
          %get3A_516 = vector.shape_cast %get3A_515 : vector<1x16xf32> to vector<16xf32>
          %get3A_517 = arith.index_cast %add3A_456 : i32 to index
          %get3A_518 = arith.constant 64 : index
          %get3A_519 = tpu.vector_load %arg14[%get3A_517, %get3A_518] {strides = array<i32>} : memref<128x128xf32, #tpu.memory_space<vmem>>, vector<1x16xf32>,
          %get3A_520 = vector.shape_cast %get3A_519 : vector<1x16xf32> to vector<16xf32>
          %add3A_521 = arith.addf %get3A_516, %get3A_520 : vector<16xf32>
          %swap3A_522 = arith.index_cast %add3A_456 : i32 to index
          %swap3A_523 = arith.constant 64 : index
          %swap3A_524 = tpu.vector_load %arg15[%swap3A_522, %swap3A_523] {strides = array<i32>} : memref<128x128xf32, #tpu.memory_space<vmem>>, vector<1x16xf32>,
          %swap3A_525 = vector.shape_cast %swap3A_524 : vector<1x16xf32> to vector<16xf32>
          %swap3A_526 = vector.shape_cast %add3A_521 : vector<16xf32> to vector<1x16xf32>
          tpu.vector_store %arg15[%swap3A_522, %swap3A_523], %swap3A_526 {strides = array<i32>} : memref<128x128xf32, #tpu.memory_space<vmem>>, vector<1x16xf32>,
          %get3A_527 = arith.index_cast %add3A_456 : i32 to index
          %get3A_528 = arith.constant 80 : index
          %get3A_529 = tpu.vector_load %arg13[%get3A_527, %get3A_528] {strides = array<i32>} : memref<128x128xf32, #tpu.memory_space<vmem>>, vector<1x16xf32>,
          %get3A_530 = vector.shape_cast %get3A_529 : vector<1x16xf32> to vector<16xf32>
          %get3A_531 = arith.index_cast %add3A_456 : i32 to index
          %get3A_532 = arith.constant 80 : index
          %get3A_533 = tpu.vector_load %arg14[%get3A_531, %get3A_532] {strides = array<i32>} : memref<128x128xf32, #tpu.memory_space<vmem>>, vector<1x16xf32>,
          %get3A_534 = vector.shape_cast %get3A_533 : vector<1x16xf32> to vector<16xf32>
          %add3A_535 = arith.addf %get3A_530, %get3A_534 : vector<16xf32>
          %swap3A_536 = arith.index_cast %add3A_456 : i32 to index
          %swap3A_537 = arith.constant 80 : index
          %swap3A_538 = tpu.vector_load %arg15[%swap3A_536, %swap3A_537] {strides = array<i32>} : memref<128x128xf32, #tpu.memory_space<vmem>>, vector<1x16xf32>,
          %swap3A_539 = vector.shape_cast %swap3A_538 : vector<1x16xf32> to vector<16xf32>
          %swap3A_540 = vector.shape_cast %add3A_535 : vector<16xf32> to vector<1x16xf32>
          tpu.vector_store %arg15[%swap3A_536, %swap3A_537], %swap3A_540 {strides = array<i32>} : memref<128x128xf32, #tpu.memory_space<vmem>>, vector<1x16xf32>,
          %get3A_541 = arith.index_cast %add3A_456 : i32 to index
          %get3A_542 = arith.constant 96 : index
          %get3A_543 = tpu.vector_load %arg13[%get3A_541, %get3A_542] {strides = array<i32>} : memref<128x128xf32, #tpu.memory_space<vmem>>, vector<1x16xf32>,
          %get3A_544 = vector.shape_cast %get3A_543 : vector<1x16xf32> to vector<16xf32>
          %get3A_545 = arith.index_cast %add3A_456 : i32 to index
          %get3A_546 = arith.constant 96 : index
          %get3A_547 = tpu.vector_load %arg14[%get3A_545, %get3A_546] {strides = array<i32>} : memref<128x128xf32, #tpu.memory_space<vmem>>, vector<1x16xf32>,
          %get3A_548 = vector.shape_cast %get3A_547 : vector<1x16xf32> to vector<16xf32>
          %add3A_549 = arith.addf %get3A_544, %get3A_548 : vector<16xf32>
          %swap3A_550 = arith.index_cast %add3A_456 : i32 to index
          %swap3A_551 = arith.constant 96 : index
          %swap3A_552 = tpu.vector_load %arg15[%swap3A_550, %swap3A_551] {strides = array<i32>} : memref<128x128xf32, #tpu.memory_space<vmem>>, vector<1x16xf32>,
          %swap3A_553 = vector.shape_cast %swap3A_552 : vector<1x16xf32> to vector<16xf32>
          %swap3A_554 = vector.shape_cast %add3A_549 : vector<16xf32> to vector<1x16xf32>
          tpu.vector_store %arg15[%swap3A_550, %swap3A_551], %swap3A_554 {strides = array<i32>} : memref<128x128xf32, #tpu.memory_space<vmem>>, vector<1x16xf32>,
          %get3A_555 = arith.index_cast %add3A_456 : i32 to index
          %get3A_556 = arith.constant 112 : index
          %get3A_557 = tpu.vector_load %arg13[%get3A_555, %get3A_556] {strides = array<i32>} : memref<128x128xf32, #tpu.memory_space<vmem>>, vector<1x16xf32>,
          %get3A_558 = vector.shape_cast %get3A_557 : vector<1x16xf32> to vector<16xf32>
          %get3A_559 = arith.index_cast %add3A_456 : i32 to index
          %get3A_560 = arith.constant 112 : index
          %get3A_561 = tpu.vector_load %arg14[%get3A_559, %get3A_560] {strides = array<i32>} : memref<128x128xf32, #tpu.memory_space<vmem>>, vector<1x16xf32>,
          %get3A_562 = vector.shape_cast %get3A_561 : vector<1x16xf32> to vector<16xf32>
          %add3A_563 = arith.addf %get3A_558, %get3A_562 : vector<16xf32>
          %swap3A_564 = arith.index_cast %add3A_456 : i32 to index
          %swap3A_565 = arith.constant 112 : index
          %swap3A_566 = tpu.vector_load %arg15[%swap3A_564, %swap3A_565] {strides = array<i32>} : memref<128x128xf32, #tpu.memory_space<vmem>>, vector<1x16xf32>,
          %swap3A_567 = vector.shape_cast %swap3A_566 : vector<1x16xf32> to vector<16xf32>
          %swap3A_568 = vector.shape_cast %add3A_563 : vector<16xf32> to vector<1x16xf32>
          tpu.vector_store %arg15[%swap3A_564, %swap3A_565], %swap3A_568 {strides = array<i32>} : memref<128x128xf32, #tpu.memory_space<vmem>>, vector<1x16xf32>,
        }
        %scan3A_105 = arith.constant 32 : i32
      } else {
      }
      %add3A_47 = arith.constant 2 : i32
      %add3A_48 = arith.addi %add3A_40, %add3A_47 : i32
      %lt3A_49 = arith.constant 80 : i32
      %lt3A_50 = arith.cmpi slt, %add3A_48, %lt3A_49 : i32
      %add3A_51 = arith.addi %mul3A_2, %add3A_48 : i32
      %lt3A_52 = arith.constant 2500 : i32
      %lt3A_53 = arith.cmpi slt, %add3A_51, %lt3A_52 : i32
      %and3A_54 = arith.andi %lt3A_50, %lt3A_53 : i1
      %convert_element_type3A_55 = arith.extui %and3A_54 : i1 to i32
      %cond3A_56 = arith.constant 0 : i32
      %cond3A_57 = arith.cmpi ne, %convert_element_type3A_55, %cond3A_56 : i32
      scf.if %cond3A_57 {
        %min3A = arith.constant 79 : i32
        %min3A_91 = arith.minsi %add3A_48, %min3A : i32
        %get3A = arith.index_cast %min3A_91 : i32 to index
        %get3A_92 = arith.constant 0 : index
        %get3A_93 = tpu.vector_load %arg7[%get3A, %get3A_92] {strides = array<i32>} : memref<80x128xi32, #tpu.memory_space<vmem>>, vector<1x16xi32>,
        %get3A_94 = vector.shape_cast %get3A_93 : vector<1x16xi32> to vector<16xi32>
        %swap3A = arith.constant 0 : index
        %swap3A_95 = tpu.vector_load %arg9[%swap3A] {strides = array<i32>} : memref<128xi32, #tpu.memory_space<vmem>>, vector<16xi32>,
        %swap3A_96 = vector.shape_cast %swap3A_95 : vector<16xi32> to vector<16xi32>
        %swap3A_97 = vector.shape_cast %get3A_94 : vector<16xi32> to vector<16xi32>
        tpu.vector_store %arg9[%swap3A], %swap3A_97 {strides = array<i32>} : memref<128xi32, #tpu.memory_space<vmem>>, vector<16xi32>,
        %get3A_98 = arith.index_cast %min3A_91 : i32 to index
        %get3A_99 = arith.constant 0 : index
        %get3A_100 = tpu.vector_load %arg8[%get3A_98, %get3A_99] {strides = array<i32>} : memref<80x128xi32, #tpu.memory_space<vmem>>, vector<1x16xi32>,
        %get3A_101 = vector.shape_cast %get3A_100 : vector<1x16xi32> to vector<16xi32>
        %swap3A_102 = arith.constant 0 : index
        %swap3A_103 = tpu.vector_load %arg10[%swap3A_102] {strides = array<i32>} : memref<128xi32, #tpu.memory_space<vmem>>, vector<16xi32>,
        %swap3A_104 = vector.shape_cast %swap3A_103 : vector<16xi32> to vector<16xi32>
        %swap3A_105 = vector.shape_cast %get3A_101 : vector<16xi32> to vector<16xi32>
        tpu.vector_store %arg10[%swap3A_102], %swap3A_105 {strides = array<i32>} : memref<128xi32, #tpu.memory_space<vmem>>, vector<16xi32>,
        %get3A_106 = arith.index_cast %min3A_91 : i32 to index
        %get3A_107 = arith.constant 16 : index
        %get3A_108 = tpu.vector_load %arg7[%get3A_106, %get3A_107] {strides = array<i32>} : memref<80x128xi32, #tpu.memory_space<vmem>>, vector<1x16xi32>,
        %get3A_109 = vector.shape_cast %get3A_108 : vector<1x16xi32> to vector<16xi32>
        %swap3A_110 = arith.constant 16 : index
        %swap3A_111 = tpu.vector_load %arg9[%swap3A_110] {strides = array<i32>} : memref<128xi32, #tpu.memory_space<vmem>>, vector<16xi32>,
        %swap3A_112 = vector.shape_cast %swap3A_111 : vector<16xi32> to vector<16xi32>
        %swap3A_113 = vector.shape_cast %get3A_109 : vector<16xi32> to vector<16xi32>
        tpu.vector_store %arg9[%swap3A_110], %swap3A_113 {strides = array<i32>} : memref<128xi32, #tpu.memory_space<vmem>>, vector<16xi32>,
        %get3A_114 = arith.index_cast %min3A_91 : i32 to index
        %get3A_115 = arith.constant 16 : index
        %get3A_116 = tpu.vector_load %arg8[%get3A_114, %get3A_115] {strides = array<i32>} : memref<80x128xi32, #tpu.memory_space<vmem>>, vector<1x16xi32>,
        %get3A_117 = vector.shape_cast %get3A_116 : vector<1x16xi32> to vector<16xi32>
        %swap3A_118 = arith.constant 16 : index
        %swap3A_119 = tpu.vector_load %arg10[%swap3A_118] {strides = array<i32>} : memref<128xi32, #tpu.memory_space<vmem>>, vector<16xi32>,
        %swap3A_120 = vector.shape_cast %swap3A_119 : vector<16xi32> to vector<16xi32>
        %swap3A_121 = vector.shape_cast %get3A_117 : vector<16xi32> to vector<16xi32>
        tpu.vector_store %arg10[%swap3A_118], %swap3A_121 {strides = array<i32>} : memref<128xi32, #tpu.memory_space<vmem>>, vector<16xi32>,
        %get3A_122 = arith.index_cast %min3A_91 : i32 to index
        %get3A_123 = arith.constant 32 : index
        %get3A_124 = tpu.vector_load %arg7[%get3A_122, %get3A_123] {strides = array<i32>} : memref<80x128xi32, #tpu.memory_space<vmem>>, vector<1x16xi32>,
        %get3A_125 = vector.shape_cast %get3A_124 : vector<1x16xi32> to vector<16xi32>
        %swap3A_126 = arith.constant 32 : index
        %swap3A_127 = tpu.vector_load %arg9[%swap3A_126] {strides = array<i32>} : memref<128xi32, #tpu.memory_space<vmem>>, vector<16xi32>,
        %swap3A_128 = vector.shape_cast %swap3A_127 : vector<16xi32> to vector<16xi32>
        %swap3A_129 = vector.shape_cast %get3A_125 : vector<16xi32> to vector<16xi32>
        tpu.vector_store %arg9[%swap3A_126], %swap3A_129 {strides = array<i32>} : memref<128xi32, #tpu.memory_space<vmem>>, vector<16xi32>,
        %get3A_130 = arith.index_cast %min3A_91 : i32 to index
        %get3A_131 = arith.constant 32 : index
        %get3A_132 = tpu.vector_load %arg8[%get3A_130, %get3A_131] {strides = array<i32>} : memref<80x128xi32, #tpu.memory_space<vmem>>, vector<1x16xi32>,
        %get3A_133 = vector.shape_cast %get3A_132 : vector<1x16xi32> to vector<16xi32>
        %swap3A_134 = arith.constant 32 : index
        %swap3A_135 = tpu.vector_load %arg10[%swap3A_134] {strides = array<i32>} : memref<128xi32, #tpu.memory_space<vmem>>, vector<16xi32>,
        %swap3A_136 = vector.shape_cast %swap3A_135 : vector<16xi32> to vector<16xi32>
        %swap3A_137 = vector.shape_cast %get3A_133 : vector<16xi32> to vector<16xi32>
        tpu.vector_store %arg10[%swap3A_134], %swap3A_137 {strides = array<i32>} : memref<128xi32, #tpu.memory_space<vmem>>, vector<16xi32>,
        %get3A_138 = arith.index_cast %min3A_91 : i32 to index
        %get3A_139 = arith.constant 48 : index
        %get3A_140 = tpu.vector_load %arg7[%get3A_138, %get3A_139] {strides = array<i32>} : memref<80x128xi32, #tpu.memory_space<vmem>>, vector<1x16xi32>,
        %get3A_141 = vector.shape_cast %get3A_140 : vector<1x16xi32> to vector<16xi32>
        %swap3A_142 = arith.constant 48 : index
        %swap3A_143 = tpu.vector_load %arg9[%swap3A_142] {strides = array<i32>} : memref<128xi32, #tpu.memory_space<vmem>>, vector<16xi32>,
        %swap3A_144 = vector.shape_cast %swap3A_143 : vector<16xi32> to vector<16xi32>
        %swap3A_145 = vector.shape_cast %get3A_141 : vector<16xi32> to vector<16xi32>
        tpu.vector_store %arg9[%swap3A_142], %swap3A_145 {strides = array<i32>} : memref<128xi32, #tpu.memory_space<vmem>>, vector<16xi32>,
        %get3A_146 = arith.index_cast %min3A_91 : i32 to index
        %get3A_147 = arith.constant 48 : index
        %get3A_148 = tpu.vector_load %arg8[%get3A_146, %get3A_147] {strides = array<i32>} : memref<80x128xi32, #tpu.memory_space<vmem>>, vector<1x16xi32>,
        %get3A_149 = vector.shape_cast %get3A_148 : vector<1x16xi32> to vector<16xi32>
        %swap3A_150 = arith.constant 48 : index
        %swap3A_151 = tpu.vector_load %arg10[%swap3A_150] {strides = array<i32>} : memref<128xi32, #tpu.memory_space<vmem>>, vector<16xi32>,
        %swap3A_152 = vector.shape_cast %swap3A_151 : vector<16xi32> to vector<16xi32>
        %swap3A_153 = vector.shape_cast %get3A_149 : vector<16xi32> to vector<16xi32>
        tpu.vector_store %arg10[%swap3A_150], %swap3A_153 {strides = array<i32>} : memref<128xi32, #tpu.memory_space<vmem>>, vector<16xi32>,
        %get3A_154 = arith.index_cast %min3A_91 : i32 to index
        %get3A_155 = arith.constant 64 : index
        %get3A_156 = tpu.vector_load %arg7[%get3A_154, %get3A_155] {strides = array<i32>} : memref<80x128xi32, #tpu.memory_space<vmem>>, vector<1x16xi32>,
        %get3A_157 = vector.shape_cast %get3A_156 : vector<1x16xi32> to vector<16xi32>
        %swap3A_158 = arith.constant 64 : index
        %swap3A_159 = tpu.vector_load %arg9[%swap3A_158] {strides = array<i32>} : memref<128xi32, #tpu.memory_space<vmem>>, vector<16xi32>,
        %swap3A_160 = vector.shape_cast %swap3A_159 : vector<16xi32> to vector<16xi32>
        %swap3A_161 = vector.shape_cast %get3A_157 : vector<16xi32> to vector<16xi32>
        tpu.vector_store %arg9[%swap3A_158], %swap3A_161 {strides = array<i32>} : memref<128xi32, #tpu.memory_space<vmem>>, vector<16xi32>,
        %get3A_162 = arith.index_cast %min3A_91 : i32 to index
        %get3A_163 = arith.constant 64 : index
        %get3A_164 = tpu.vector_load %arg8[%get3A_162, %get3A_163] {strides = array<i32>} : memref<80x128xi32, #tpu.memory_space<vmem>>, vector<1x16xi32>,
        %get3A_165 = vector.shape_cast %get3A_164 : vector<1x16xi32> to vector<16xi32>
        %swap3A_166 = arith.constant 64 : index
        %swap3A_167 = tpu.vector_load %arg10[%swap3A_166] {strides = array<i32>} : memref<128xi32, #tpu.memory_space<vmem>>, vector<16xi32>,
        %swap3A_168 = vector.shape_cast %swap3A_167 : vector<16xi32> to vector<16xi32>
        %swap3A_169 = vector.shape_cast %get3A_165 : vector<16xi32> to vector<16xi32>
        tpu.vector_store %arg10[%swap3A_166], %swap3A_169 {strides = array<i32>} : memref<128xi32, #tpu.memory_space<vmem>>, vector<16xi32>,
        %get3A_170 = arith.index_cast %min3A_91 : i32 to index
        %get3A_171 = arith.constant 80 : index
        %get3A_172 = tpu.vector_load %arg7[%get3A_170, %get3A_171] {strides = array<i32>} : memref<80x128xi32, #tpu.memory_space<vmem>>, vector<1x16xi32>,
        %get3A_173 = vector.shape_cast %get3A_172 : vector<1x16xi32> to vector<16xi32>
        %swap3A_174 = arith.constant 80 : index
        %swap3A_175 = tpu.vector_load %arg9[%swap3A_174] {strides = array<i32>} : memref<128xi32, #tpu.memory_space<vmem>>, vector<16xi32>,
        %swap3A_176 = vector.shape_cast %swap3A_175 : vector<16xi32> to vector<16xi32>
        %swap3A_177 = vector.shape_cast %get3A_173 : vector<16xi32> to vector<16xi32>
        tpu.vector_store %arg9[%swap3A_174], %swap3A_177 {strides = array<i32>} : memref<128xi32, #tpu.memory_space<vmem>>, vector<16xi32>,
        %get3A_178 = arith.index_cast %min3A_91 : i32 to index
        %get3A_179 = arith.constant 80 : index
        %get3A_180 = tpu.vector_load %arg8[%get3A_178, %get3A_179] {strides = array<i32>} : memref<80x128xi32, #tpu.memory_space<vmem>>, vector<1x16xi32>,
        %get3A_181 = vector.shape_cast %get3A_180 : vector<1x16xi32> to vector<16xi32>
        %swap3A_182 = arith.constant 80 : index
        %swap3A_183 = tpu.vector_load %arg10[%swap3A_182] {strides = array<i32>} : memref<128xi32, #tpu.memory_space<vmem>>, vector<16xi32>,
        %swap3A_184 = vector.shape_cast %swap3A_183 : vector<16xi32> to vector<16xi32>
        %swap3A_185 = vector.shape_cast %get3A_181 : vector<16xi32> to vector<16xi32>
        tpu.vector_store %arg10[%swap3A_182], %swap3A_185 {strides = array<i32>} : memref<128xi32, #tpu.memory_space<vmem>>, vector<16xi32>,
        %get3A_186 = arith.index_cast %min3A_91 : i32 to index
        %get3A_187 = arith.constant 96 : index
        %get3A_188 = tpu.vector_load %arg7[%get3A_186, %get3A_187] {strides = array<i32>} : memref<80x128xi32, #tpu.memory_space<vmem>>, vector<1x16xi32>,
        %get3A_189 = vector.shape_cast %get3A_188 : vector<1x16xi32> to vector<16xi32>
        %swap3A_190 = arith.constant 96 : index
        %swap3A_191 = tpu.vector_load %arg9[%swap3A_190] {strides = array<i32>} : memref<128xi32, #tpu.memory_space<vmem>>, vector<16xi32>,
        %swap3A_192 = vector.shape_cast %swap3A_191 : vector<16xi32> to vector<16xi32>
        %swap3A_193 = vector.shape_cast %get3A_189 : vector<16xi32> to vector<16xi32>
        tpu.vector_store %arg9[%swap3A_190], %swap3A_193 {strides = array<i32>} : memref<128xi32, #tpu.memory_space<vmem>>, vector<16xi32>,
        %get3A_194 = arith.index_cast %min3A_91 : i32 to index
        %get3A_195 = arith.constant 96 : index
        %get3A_196 = tpu.vector_load %arg8[%get3A_194, %get3A_195] {strides = array<i32>} : memref<80x128xi32, #tpu.memory_space<vmem>>, vector<1x16xi32>,
        %get3A_197 = vector.shape_cast %get3A_196 : vector<1x16xi32> to vector<16xi32>
        %swap3A_198 = arith.constant 96 : index
        %swap3A_199 = tpu.vector_load %arg10[%swap3A_198] {strides = array<i32>} : memref<128xi32, #tpu.memory_space<vmem>>, vector<16xi32>,
        %swap3A_200 = vector.shape_cast %swap3A_199 : vector<16xi32> to vector<16xi32>
        %swap3A_201 = vector.shape_cast %get3A_197 : vector<16xi32> to vector<16xi32>
        tpu.vector_store %arg10[%swap3A_198], %swap3A_201 {strides = array<i32>} : memref<128xi32, #tpu.memory_space<vmem>>, vector<16xi32>,
        %get3A_202 = arith.index_cast %min3A_91 : i32 to index
        %get3A_203 = arith.constant 112 : index
        %get3A_204 = tpu.vector_load %arg7[%get3A_202, %get3A_203] {strides = array<i32>} : memref<80x128xi32, #tpu.memory_space<vmem>>, vector<1x16xi32>,
        %get3A_205 = vector.shape_cast %get3A_204 : vector<1x16xi32> to vector<16xi32>
        %swap3A_206 = arith.constant 112 : index
        %swap3A_207 = tpu.vector_load %arg9[%swap3A_206] {strides = array<i32>} : memref<128xi32, #tpu.memory_space<vmem>>, vector<16xi32>,
        %swap3A_208 = vector.shape_cast %swap3A_207 : vector<16xi32> to vector<16xi32>
        %swap3A_209 = vector.shape_cast %get3A_205 : vector<16xi32> to vector<16xi32>
        tpu.vector_store %arg9[%swap3A_206], %swap3A_209 {strides = array<i32>} : memref<128xi32, #tpu.memory_space<vmem>>, vector<16xi32>,
        %get3A_210 = arith.index_cast %min3A_91 : i32 to index
        %get3A_211 = arith.constant 112 : index
        %get3A_212 = tpu.vector_load %arg8[%get3A_210, %get3A_211] {strides = array<i32>} : memref<80x128xi32, #tpu.memory_space<vmem>>, vector<1x16xi32>,
        %get3A_213 = vector.shape_cast %get3A_212 : vector<1x16xi32> to vector<16xi32>
        %swap3A_214 = arith.constant 112 : index
        %swap3A_215 = tpu.vector_load %arg10[%swap3A_214] {strides = array<i32>} : memref<128xi32, #tpu.memory_space<vmem>>, vector<16xi32>,
        %swap3A_216 = vector.shape_cast %swap3A_215 : vector<16xi32> to vector<16xi32>
        %swap3A_217 = vector.shape_cast %get3A_213 : vector<16xi32> to vector<16xi32>
        tpu.vector_store %arg10[%swap3A_214], %swap3A_217 {strides = array<i32>} : memref<128xi32, #tpu.memory_space<vmem>>, vector<16xi32>,
        %dma_start3A = arith.constant 0 : i32
        %dma_start3A_218 = arith.constant 0 : i32
        %dma_start3A_219 = tpu.memref_slice %arg4[%dma_start3A, %dma_start3A_218] : memref<10000x128xf32, #tpu.memory_space<hbm>> -> memref<10000x128xf32, #tpu.memory_space<hbm>>
        tpu.enqueue_indirect_dma source(%dma_start3A_219 : memref<10000x128xf32, #tpu.memory_space<hbm>>) target(%arg13 : memref<128x128xf32, #tpu.memory_space<vmem>>) offsets(%arg9 : memref<128xi32, #tpu.memory_space<vmem>>) semaphore(%arg19 : memref<!tpu.dma_semaphore, #tpu.memory_space<semaphore_mem>>)
        %dma_start3A_220 = arith.constant 0 : i32
        %dma_start3A_221 = arith.constant 0 : i32
        %dma_start3A_222 = tpu.memref_slice %arg5[%dma_start3A_220, %dma_start3A_221] : memref<10000x128xf32, #tpu.memory_space<hbm>> -> memref<10000x128xf32, #tpu.memory_space<hbm>>
        tpu.enqueue_indirect_dma source(%dma_start3A_222 : memref<10000x128xf32, #tpu.memory_space<hbm>>) target(%arg14 : memref<128x128xf32, #tpu.memory_space<vmem>>) offsets(%arg10 : memref<128xi32, #tpu.memory_space<vmem>>) semaphore(%arg20 : memref<!tpu.dma_semaphore, #tpu.memory_space<semaphore_mem>>)
      } else {
      }
      %add3A_58 = arith.addi %mul3A_2, %add3A_40 : i32
      %lt3A_59 = arith.constant 2500 : i32
      %lt3A_60 = arith.cmpi slt, %add3A_58, %lt3A_59 : i32
      %convert_element_type3A_61 = arith.extui %lt3A_60 : i1 to i32
      %cond3A_62 = arith.constant 0 : i32
      %cond3A_63 = arith.cmpi ne, %convert_element_type3A_61, %cond3A_62 : i32
      scf.if %cond3A_63 {
        %add3A_91 = arith.addi %mul3A_2, %add3A_40 : i32
        %mul3A_92 = arith.constant 128 : i32
        %mul3A_93 = arith.muli %add3A_91, %mul3A_92 : i32
        %dma_start3A = arith.constant 0 : i32
        %dma_start3A_94 = tpu.memref_slice %arg6[%mul3A_93, %dma_start3A] : memref<320000x128xf32, #tpu.memory_space<hbm>> -> memref<128x128xf32, #tpu.memory_space<hbm>>
        %dma_start3A_95 = arith.constant 0 : i32
        %dma_start3A_96 = tpu.memref_slice %arg6[%mul3A_93, %dma_start3A_95] : memref<320000x128xf32, #tpu.memory_space<hbm>> -> memref<128x128xf32, #tpu.memory_space<hbm>>
        tpu.enqueue_dma source(%arg15 : memref<128x128xf32, #tpu.memory_space<vmem>>) target(%dma_start3A_96 : memref<128x128xf32, #tpu.memory_space<hbm>>) target_semaphore(%arg23 : memref<!tpu.dma_semaphore, #tpu.memory_space<semaphore_mem>>)
      } else {
      }
      %mul3A_64 = arith.constant 2 : i32
      %mul3A_65 = arith.muli %mul3A_64, %scan3A_36 : i32
      %add3A_66 = arith.constant 1 : i32
      %add3A_67 = arith.addi %mul3A_65, %add3A_66 : i32
      %add3A_68 = arith.addi %mul3A_2, %add3A_67 : i32
      %lt3A_69 = arith.constant 2500 : i32
      %lt3A_70 = arith.cmpi slt, %add3A_68, %lt3A_69 : i32
      %convert_element_type3A_71 = arith.extui %lt3A_70 : i1 to i32
      %cond3A_72 = arith.constant 0 : i32
      %cond3A_73 = arith.cmpi ne, %convert_element_type3A_71, %cond3A_72 : i32
      scf.if %cond3A_73 {
        %dma_wait3A = arith.constant 0 : i32
        %dma_wait3A_91 = arith.constant 0 : i32
        %dma_wait3A_92 = tpu.memref_slice %arg4[%dma_wait3A, %dma_wait3A_91] : memref<10000x128xf32, #tpu.memory_space<hbm>> -> memref<10000x128xf32, #tpu.memory_space<hbm>>
        tpu.wait_indirect_dma semaphore(%arg21 : memref<!tpu.dma_semaphore, #tpu.memory_space<semaphore_mem>>) src(%dma_wait3A_92 : memref<10000x128xf32, #tpu.memory_space<hbm>>) dst(%arg16 : memref<128x128xf32, #tpu.memory_space<vmem>>)
        %dma_wait3A_93 = arith.constant 0 : i32
        %dma_wait3A_94 = arith.constant 0 : i32
        %dma_wait3A_95 = tpu.memref_slice %arg5[%dma_wait3A_93, %dma_wait3A_94] : memref<10000x128xf32, #tpu.memory_space<hbm>> -> memref<10000x128xf32, #tpu.memory_space<hbm>>
        tpu.wait_indirect_dma semaphore(%arg22 : memref<!tpu.dma_semaphore, #tpu.memory_space<semaphore_mem>>) src(%dma_wait3A_95 : memref<10000x128xf32, #tpu.memory_space<hbm>>) dst(%arg17 : memref<128x128xf32, #tpu.memory_space<vmem>>)
        %ge3A = arith.constant 2 : i32
        %ge3A_96 = arith.cmpi sge, %add3A_67, %ge3A : i32
        %convert_element_type3A_97 = arith.extui %ge3A_96 : i1 to i32
        %cond3A_98 = arith.constant 0 : i32
        %cond3A_99 = arith.cmpi ne, %convert_element_type3A_97, %cond3A_98 : i32
        scf.if %cond3A_99 {
          %dma_wait3A_106 = arith.constant 0 : i32
          %dma_wait3A_107 = arith.constant 0 : i32
          %dma_wait3A_108 = tpu.memref_slice %arg6[%dma_wait3A_106, %dma_wait3A_107] : memref<320000x128xf32, #tpu.memory_space<hbm>> -> memref<128x128xf32, #tpu.memory_space<hbm>>
          %dma_wait3A_109 = arith.constant 0 : i32
          %dma_wait3A_110 = arith.constant 0 : i32
          %dma_wait3A_111 = tpu.memref_slice %arg6[%dma_wait3A_109, %dma_wait3A_110] : memref<320000x128xf32, #tpu.memory_space<hbm>> -> memref<128x128xf32, #tpu.memory_space<hbm>>
          tpu.wait_dma2 semaphore(%arg24 : memref<!tpu.dma_semaphore, #tpu.memory_space<semaphore_mem>>) src(%arg18 : memref<128x128xf32, #tpu.memory_space<vmem>>) dst(%dma_wait3A_111 : memref<128x128xf32, #tpu.memory_space<hbm>>)
        } else {
        }
        %scan3A_100 = arith.constant 0 : i32
        %scan3A_101 = arith.constant 0 : i32
        %scan3A_102 = arith.constant 32 : i32
        %scan3A_103 = arith.addi %scan3A_101, %scan3A_102 : i32
        %scan3A_104 = arith.constant 1 : i32
        scf.for %scan3A_106 = %scan3A_101 to %scan3A_103 step %scan3A_104  : i32 {
          %mul3A_107 = arith.constant 4 : i32
          %mul3A_108 = arith.muli %mul3A_107, %scan3A_106 : i32
          %add3A_109 = arith.constant 0 : i32
          %add3A_110 = arith.addi %mul3A_108, %add3A_109 : i32
          %get3A = arith.index_cast %add3A_110 : i32 to index
          %get3A_111 = arith.constant 0 : index
          %get3A_112 = tpu.vector_load %arg16[%get3A, %get3A_111] {strides = array<i32>} : memref<128x128xf32, #tpu.memory_space<vmem>>, vector<1x16xf32>,
          %get3A_113 = vector.shape_cast %get3A_112 : vector<1x16xf32> to vector<16xf32>
          %get3A_114 = arith.index_cast %add3A_110 : i32 to index
          %get3A_115 = arith.constant 0 : index
          %get3A_116 = tpu.vector_load %arg17[%get3A_114, %get3A_115] {strides = array<i32>} : memref<128x128xf32, #tpu.memory_space<vmem>>, vector<1x16xf32>,
          %get3A_117 = vector.shape_cast %get3A_116 : vector<1x16xf32> to vector<16xf32>
          %add3A_118 = arith.addf %get3A_113, %get3A_117 : vector<16xf32>
          %swap3A = arith.index_cast %add3A_110 : i32 to index
          %swap3A_119 = arith.constant 0 : index
          %swap3A_120 = tpu.vector_load %arg18[%swap3A, %swap3A_119] {strides = array<i32>} : memref<128x128xf32, #tpu.memory_space<vmem>>, vector<1x16xf32>,
          %swap3A_121 = vector.shape_cast %swap3A_120 : vector<1x16xf32> to vector<16xf32>
          %swap3A_122 = vector.shape_cast %add3A_118 : vector<16xf32> to vector<1x16xf32>
          tpu.vector_store %arg18[%swap3A, %swap3A_119], %swap3A_122 {strides = array<i32>} : memref<128x128xf32, #tpu.memory_space<vmem>>, vector<1x16xf32>,
          %get3A_123 = arith.index_cast %add3A_110 : i32 to index
          %get3A_124 = arith.constant 16 : index
          %get3A_125 = tpu.vector_load %arg16[%get3A_123, %get3A_124] {strides = array<i32>} : memref<128x128xf32, #tpu.memory_space<vmem>>, vector<1x16xf32>,
          %get3A_126 = vector.shape_cast %get3A_125 : vector<1x16xf32> to vector<16xf32>
          %get3A_127 = arith.index_cast %add3A_110 : i32 to index
          %get3A_128 = arith.constant 16 : index
          %get3A_129 = tpu.vector_load %arg17[%get3A_127, %get3A_128] {strides = array<i32>} : memref<128x128xf32, #tpu.memory_space<vmem>>, vector<1x16xf32>,
          %get3A_130 = vector.shape_cast %get3A_129 : vector<1x16xf32> to vector<16xf32>
          %add3A_131 = arith.addf %get3A_126, %get3A_130 : vector<16xf32>
          %swap3A_132 = arith.index_cast %add3A_110 : i32 to index
          %swap3A_133 = arith.constant 16 : index
          %swap3A_134 = tpu.vector_load %arg18[%swap3A_132, %swap3A_133] {strides = array<i32>} : memref<128x128xf32, #tpu.memory_space<vmem>>, vector<1x16xf32>,
          %swap3A_135 = vector.shape_cast %swap3A_134 : vector<1x16xf32> to vector<16xf32>
          %swap3A_136 = vector.shape_cast %add3A_131 : vector<16xf32> to vector<1x16xf32>
          tpu.vector_store %arg18[%swap3A_132, %swap3A_133], %swap3A_136 {strides = array<i32>} : memref<128x128xf32, #tpu.memory_space<vmem>>, vector<1x16xf32>,
          %get3A_137 = arith.index_cast %add3A_110 : i32 to index
          %get3A_138 = arith.constant 32 : index
          %get3A_139 = tpu.vector_load %arg16[%get3A_137, %get3A_138] {strides = array<i32>} : memref<128x128xf32, #tpu.memory_space<vmem>>, vector<1x16xf32>,
          %get3A_140 = vector.shape_cast %get3A_139 : vector<1x16xf32> to vector<16xf32>
          %get3A_141 = arith.index_cast %add3A_110 : i32 to index
          %get3A_142 = arith.constant 32 : index
          %get3A_143 = tpu.vector_load %arg17[%get3A_141, %get3A_142] {strides = array<i32>} : memref<128x128xf32, #tpu.memory_space<vmem>>, vector<1x16xf32>,
          %get3A_144 = vector.shape_cast %get3A_143 : vector<1x16xf32> to vector<16xf32>
          %add3A_145 = arith.addf %get3A_140, %get3A_144 : vector<16xf32>
          %swap3A_146 = arith.index_cast %add3A_110 : i32 to index
          %swap3A_147 = arith.constant 32 : index
          %swap3A_148 = tpu.vector_load %arg18[%swap3A_146, %swap3A_147] {strides = array<i32>} : memref<128x128xf32, #tpu.memory_space<vmem>>, vector<1x16xf32>,
          %swap3A_149 = vector.shape_cast %swap3A_148 : vector<1x16xf32> to vector<16xf32>
          %swap3A_150 = vector.shape_cast %add3A_145 : vector<16xf32> to vector<1x16xf32>
          tpu.vector_store %arg18[%swap3A_146, %swap3A_147], %swap3A_150 {strides = array<i32>} : memref<128x128xf32, #tpu.memory_space<vmem>>, vector<1x16xf32>,
          %get3A_151 = arith.index_cast %add3A_110 : i32 to index
          %get3A_152 = arith.constant 48 : index
          %get3A_153 = tpu.vector_load %arg16[%get3A_151, %get3A_152] {strides = array<i32>} : memref<128x128xf32, #tpu.memory_space<vmem>>, vector<1x16xf32>,
          %get3A_154 = vector.shape_cast %get3A_153 : vector<1x16xf32> to vector<16xf32>
          %get3A_155 = arith.index_cast %add3A_110 : i32 to index
          %get3A_156 = arith.constant 48 : index
          %get3A_157 = tpu.vector_load %arg17[%get3A_155, %get3A_156] {strides = array<i32>} : memref<128x128xf32, #tpu.memory_space<vmem>>, vector<1x16xf32>,
          %get3A_158 = vector.shape_cast %get3A_157 : vector<1x16xf32> to vector<16xf32>
          %add3A_159 = arith.addf %get3A_154, %get3A_158 : vector<16xf32>
          %swap3A_160 = arith.index_cast %add3A_110 : i32 to index
          %swap3A_161 = arith.constant 48 : index
          %swap3A_162 = tpu.vector_load %arg18[%swap3A_160, %swap3A_161] {strides = array<i32>} : memref<128x128xf32, #tpu.memory_space<vmem>>, vector<1x16xf32>,
          %swap3A_163 = vector.shape_cast %swap3A_162 : vector<1x16xf32> to vector<16xf32>
          %swap3A_164 = vector.shape_cast %add3A_159 : vector<16xf32> to vector<1x16xf32>
          tpu.vector_store %arg18[%swap3A_160, %swap3A_161], %swap3A_164 {strides = array<i32>} : memref<128x128xf32, #tpu.memory_space<vmem>>, vector<1x16xf32>,
          %get3A_165 = arith.index_cast %add3A_110 : i32 to index
          %get3A_166 = arith.constant 64 : index
          %get3A_167 = tpu.vector_load %arg16[%get3A_165, %get3A_166] {strides = array<i32>} : memref<128x128xf32, #tpu.memory_space<vmem>>, vector<1x16xf32>,
          %get3A_168 = vector.shape_cast %get3A_167 : vector<1x16xf32> to vector<16xf32>
          %get3A_169 = arith.index_cast %add3A_110 : i32 to index
          %get3A_170 = arith.constant 64 : index
          %get3A_171 = tpu.vector_load %arg17[%get3A_169, %get3A_170] {strides = array<i32>} : memref<128x128xf32, #tpu.memory_space<vmem>>, vector<1x16xf32>,
          %get3A_172 = vector.shape_cast %get3A_171 : vector<1x16xf32> to vector<16xf32>
          %add3A_173 = arith.addf %get3A_168, %get3A_172 : vector<16xf32>
          %swap3A_174 = arith.index_cast %add3A_110 : i32 to index
          %swap3A_175 = arith.constant 64 : index
          %swap3A_176 = tpu.vector_load %arg18[%swap3A_174, %swap3A_175] {strides = array<i32>} : memref<128x128xf32, #tpu.memory_space<vmem>>, vector<1x16xf32>,
          %swap3A_177 = vector.shape_cast %swap3A_176 : vector<1x16xf32> to vector<16xf32>
          %swap3A_178 = vector.shape_cast %add3A_173 : vector<16xf32> to vector<1x16xf32>
          tpu.vector_store %arg18[%swap3A_174, %swap3A_175], %swap3A_178 {strides = array<i32>} : memref<128x128xf32, #tpu.memory_space<vmem>>, vector<1x16xf32>,
          %get3A_179 = arith.index_cast %add3A_110 : i32 to index
          %get3A_180 = arith.constant 80 : index
          %get3A_181 = tpu.vector_load %arg16[%get3A_179, %get3A_180] {strides = array<i32>} : memref<128x128xf32, #tpu.memory_space<vmem>>, vector<1x16xf32>,
          %get3A_182 = vector.shape_cast %get3A_181 : vector<1x16xf32> to vector<16xf32>
          %get3A_183 = arith.index_cast %add3A_110 : i32 to index
          %get3A_184 = arith.constant 80 : index
          %get3A_185 = tpu.vector_load %arg17[%get3A_183, %get3A_184] {strides = array<i32>} : memref<128x128xf32, #tpu.memory_space<vmem>>, vector<1x16xf32>,
          %get3A_186 = vector.shape_cast %get3A_185 : vector<1x16xf32> to vector<16xf32>
          %add3A_187 = arith.addf %get3A_182, %get3A_186 : vector<16xf32>
          %swap3A_188 = arith.index_cast %add3A_110 : i32 to index
          %swap3A_189 = arith.constant 80 : index
          %swap3A_190 = tpu.vector_load %arg18[%swap3A_188, %swap3A_189] {strides = array<i32>} : memref<128x128xf32, #tpu.memory_space<vmem>>, vector<1x16xf32>,
          %swap3A_191 = vector.shape_cast %swap3A_190 : vector<1x16xf32> to vector<16xf32>
          %swap3A_192 = vector.shape_cast %add3A_187 : vector<16xf32> to vector<1x16xf32>
          tpu.vector_store %arg18[%swap3A_188, %swap3A_189], %swap3A_192 {strides = array<i32>} : memref<128x128xf32, #tpu.memory_space<vmem>>, vector<1x16xf32>,
          %get3A_193 = arith.index_cast %add3A_110 : i32 to index
          %get3A_194 = arith.constant 96 : index
          %get3A_195 = tpu.vector_load %arg16[%get3A_193, %get3A_194] {strides = array<i32>} : memref<128x128xf32, #tpu.memory_space<vmem>>, vector<1x16xf32>,
          %get3A_196 = vector.shape_cast %get3A_195 : vector<1x16xf32> to vector<16xf32>
          %get3A_197 = arith.index_cast %add3A_110 : i32 to index
          %get3A_198 = arith.constant 96 : index
          %get3A_199 = tpu.vector_load %arg17[%get3A_197, %get3A_198] {strides = array<i32>} : memref<128x128xf32, #tpu.memory_space<vmem>>, vector<1x16xf32>,
          %get3A_200 = vector.shape_cast %get3A_199 : vector<1x16xf32> to vector<16xf32>
          %add3A_201 = arith.addf %get3A_196, %get3A_200 : vector<16xf32>
          %swap3A_202 = arith.index_cast %add3A_110 : i32 to index
          %swap3A_203 = arith.constant 96 : index
          %swap3A_204 = tpu.vector_load %arg18[%swap3A_202, %swap3A_203] {strides = array<i32>} : memref<128x128xf32, #tpu.memory_space<vmem>>, vector<1x16xf32>,
          %swap3A_205 = vector.shape_cast %swap3A_204 : vector<1x16xf32> to vector<16xf32>
          %swap3A_206 = vector.shape_cast %add3A_201 : vector<16xf32> to vector<1x16xf32>
          tpu.vector_store %arg18[%swap3A_202, %swap3A_203], %swap3A_206 {strides = array<i32>} : memref<128x128xf32, #tpu.memory_space<vmem>>, vector<1x16xf32>,
          %get3A_207 = arith.index_cast %add3A_110 : i32 to index
          %get3A_208 = arith.constant 112 : index
          %get3A_209 = tpu.vector_load %arg16[%get3A_207, %get3A_208] {strides = array<i32>} : memref<128x128xf32, #tpu.memory_space<vmem>>, vector<1x16xf32>,
          %get3A_210 = vector.shape_cast %get3A_209 : vector<1x16xf32> to vector<16xf32>
          %get3A_211 = arith.index_cast %add3A_110 : i32 to index
          %get3A_212 = arith.constant 112 : index
          %get3A_213 = tpu.vector_load %arg17[%get3A_211, %get3A_212] {strides = array<i32>} : memref<128x128xf32, #tpu.memory_space<vmem>>, vector<1x16xf32>,
          %get3A_214 = vector.shape_cast %get3A_213 : vector<1x16xf32> to vector<16xf32>
          %add3A_215 = arith.addf %get3A_210, %get3A_214 : vector<16xf32>
          %swap3A_216 = arith.index_cast %add3A_110 : i32 to index
          %swap3A_217 = arith.constant 112 : index
          %swap3A_218 = tpu.vector_load %arg18[%swap3A_216, %swap3A_217] {strides = array<i32>} : memref<128x128xf32, #tpu.memory_space<vmem>>, vector<1x16xf32>,
          %swap3A_219 = vector.shape_cast %swap3A_218 : vector<1x16xf32> to vector<16xf32>
          %swap3A_220 = vector.shape_cast %add3A_215 : vector<16xf32> to vector<1x16xf32>
          tpu.vector_store %arg18[%swap3A_216, %swap3A_217], %swap3A_220 {strides = array<i32>} : memref<128x128xf32, #tpu.memory_space<vmem>>, vector<1x16xf32>,
          %mul3A_221 = arith.constant 4 : i32
          %mul3A_222 = arith.muli %mul3A_221, %scan3A_106 : i32
          %add3A_223 = arith.constant 1 : i32
          %add3A_224 = arith.addi %mul3A_222, %add3A_223 : i32
          %get3A_225 = arith.index_cast %add3A_224 : i32 to index
          %get3A_226 = arith.constant 0 : index
          %get3A_227 = tpu.vector_load %arg16[%get3A_225, %get3A_226] {strides = array<i32>} : memref<128x128xf32, #tpu.memory_space<vmem>>, vector<1x16xf32>,
          %get3A_228 = vector.shape_cast %get3A_227 : vector<1x16xf32> to vector<16xf32>
          %get3A_229 = arith.index_cast %add3A_224 : i32 to index
          %get3A_230 = arith.constant 0 : index
          %get3A_231 = tpu.vector_load %arg17[%get3A_229, %get3A_230] {strides = array<i32>} : memref<128x128xf32, #tpu.memory_space<vmem>>, vector<1x16xf32>,
          %get3A_232 = vector.shape_cast %get3A_231 : vector<1x16xf32> to vector<16xf32>
          %add3A_233 = arith.addf %get3A_228, %get3A_232 : vector<16xf32>
          %swap3A_234 = arith.index_cast %add3A_224 : i32 to index
          %swap3A_235 = arith.constant 0 : index
          %swap3A_236 = tpu.vector_load %arg18[%swap3A_234, %swap3A_235] {strides = array<i32>} : memref<128x128xf32, #tpu.memory_space<vmem>>, vector<1x16xf32>,
          %swap3A_237 = vector.shape_cast %swap3A_236 : vector<1x16xf32> to vector<16xf32>
          %swap3A_238 = vector.shape_cast %add3A_233 : vector<16xf32> to vector<1x16xf32>
          tpu.vector_store %arg18[%swap3A_234, %swap3A_235], %swap3A_238 {strides = array<i32>} : memref<128x128xf32, #tpu.memory_space<vmem>>, vector<1x16xf32>,
          %get3A_239 = arith.index_cast %add3A_224 : i32 to index
          %get3A_240 = arith.constant 16 : index
          %get3A_241 = tpu.vector_load %arg16[%get3A_239, %get3A_240] {strides = array<i32>} : memref<128x128xf32, #tpu.memory_space<vmem>>, vector<1x16xf32>,
          %get3A_242 = vector.shape_cast %get3A_241 : vector<1x16xf32> to vector<16xf32>
          %get3A_243 = arith.index_cast %add3A_224 : i32 to index
          %get3A_244 = arith.constant 16 : index
          %get3A_245 = tpu.vector_load %arg17[%get3A_243, %get3A_244] {strides = array<i32>} : memref<128x128xf32, #tpu.memory_space<vmem>>, vector<1x16xf32>,
          %get3A_246 = vector.shape_cast %get3A_245 : vector<1x16xf32> to vector<16xf32>
          %add3A_247 = arith.addf %get3A_242, %get3A_246 : vector<16xf32>
          %swap3A_248 = arith.index_cast %add3A_224 : i32 to index
          %swap3A_249 = arith.constant 16 : index
          %swap3A_250 = tpu.vector_load %arg18[%swap3A_248, %swap3A_249] {strides = array<i32>} : memref<128x128xf32, #tpu.memory_space<vmem>>, vector<1x16xf32>,
          %swap3A_251 = vector.shape_cast %swap3A_250 : vector<1x16xf32> to vector<16xf32>
          %swap3A_252 = vector.shape_cast %add3A_247 : vector<16xf32> to vector<1x16xf32>
          tpu.vector_store %arg18[%swap3A_248, %swap3A_249], %swap3A_252 {strides = array<i32>} : memref<128x128xf32, #tpu.memory_space<vmem>>, vector<1x16xf32>,
          %get3A_253 = arith.index_cast %add3A_224 : i32 to index
          %get3A_254 = arith.constant 32 : index
          %get3A_255 = tpu.vector_load %arg16[%get3A_253, %get3A_254] {strides = array<i32>} : memref<128x128xf32, #tpu.memory_space<vmem>>, vector<1x16xf32>,
          %get3A_256 = vector.shape_cast %get3A_255 : vector<1x16xf32> to vector<16xf32>
          %get3A_257 = arith.index_cast %add3A_224 : i32 to index
          %get3A_258 = arith.constant 32 : index
          %get3A_259 = tpu.vector_load %arg17[%get3A_257, %get3A_258] {strides = array<i32>} : memref<128x128xf32, #tpu.memory_space<vmem>>, vector<1x16xf32>,
          %get3A_260 = vector.shape_cast %get3A_259 : vector<1x16xf32> to vector<16xf32>
          %add3A_261 = arith.addf %get3A_256, %get3A_260 : vector<16xf32>
          %swap3A_262 = arith.index_cast %add3A_224 : i32 to index
          %swap3A_263 = arith.constant 32 : index
          %swap3A_264 = tpu.vector_load %arg18[%swap3A_262, %swap3A_263] {strides = array<i32>} : memref<128x128xf32, #tpu.memory_space<vmem>>, vector<1x16xf32>,
          %swap3A_265 = vector.shape_cast %swap3A_264 : vector<1x16xf32> to vector<16xf32>
          %swap3A_266 = vector.shape_cast %add3A_261 : vector<16xf32> to vector<1x16xf32>
          tpu.vector_store %arg18[%swap3A_262, %swap3A_263], %swap3A_266 {strides = array<i32>} : memref<128x128xf32, #tpu.memory_space<vmem>>, vector<1x16xf32>,
          %get3A_267 = arith.index_cast %add3A_224 : i32 to index
          %get3A_268 = arith.constant 48 : index
          %get3A_269 = tpu.vector_load %arg16[%get3A_267, %get3A_268] {strides = array<i32>} : memref<128x128xf32, #tpu.memory_space<vmem>>, vector<1x16xf32>,
          %get3A_270 = vector.shape_cast %get3A_269 : vector<1x16xf32> to vector<16xf32>
          %get3A_271 = arith.index_cast %add3A_224 : i32 to index
          %get3A_272 = arith.constant 48 : index
          %get3A_273 = tpu.vector_load %arg17[%get3A_271, %get3A_272] {strides = array<i32>} : memref<128x128xf32, #tpu.memory_space<vmem>>, vector<1x16xf32>,
          %get3A_274 = vector.shape_cast %get3A_273 : vector<1x16xf32> to vector<16xf32>
          %add3A_275 = arith.addf %get3A_270, %get3A_274 : vector<16xf32>
          %swap3A_276 = arith.index_cast %add3A_224 : i32 to index
          %swap3A_277 = arith.constant 48 : index
          %swap3A_278 = tpu.vector_load %arg18[%swap3A_276, %swap3A_277] {strides = array<i32>} : memref<128x128xf32, #tpu.memory_space<vmem>>, vector<1x16xf32>,
          %swap3A_279 = vector.shape_cast %swap3A_278 : vector<1x16xf32> to vector<16xf32>
          %swap3A_280 = vector.shape_cast %add3A_275 : vector<16xf32> to vector<1x16xf32>
          tpu.vector_store %arg18[%swap3A_276, %swap3A_277], %swap3A_280 {strides = array<i32>} : memref<128x128xf32, #tpu.memory_space<vmem>>, vector<1x16xf32>,
          %get3A_281 = arith.index_cast %add3A_224 : i32 to index
          %get3A_282 = arith.constant 64 : index
          %get3A_283 = tpu.vector_load %arg16[%get3A_281, %get3A_282] {strides = array<i32>} : memref<128x128xf32, #tpu.memory_space<vmem>>, vector<1x16xf32>,
          %get3A_284 = vector.shape_cast %get3A_283 : vector<1x16xf32> to vector<16xf32>
          %get3A_285 = arith.index_cast %add3A_224 : i32 to index
          %get3A_286 = arith.constant 64 : index
          %get3A_287 = tpu.vector_load %arg17[%get3A_285, %get3A_286] {strides = array<i32>} : memref<128x128xf32, #tpu.memory_space<vmem>>, vector<1x16xf32>,
          %get3A_288 = vector.shape_cast %get3A_287 : vector<1x16xf32> to vector<16xf32>
          %add3A_289 = arith.addf %get3A_284, %get3A_288 : vector<16xf32>
          %swap3A_290 = arith.index_cast %add3A_224 : i32 to index
          %swap3A_291 = arith.constant 64 : index
          %swap3A_292 = tpu.vector_load %arg18[%swap3A_290, %swap3A_291] {strides = array<i32>} : memref<128x128xf32, #tpu.memory_space<vmem>>, vector<1x16xf32>,
          %swap3A_293 = vector.shape_cast %swap3A_292 : vector<1x16xf32> to vector<16xf32>
          %swap3A_294 = vector.shape_cast %add3A_289 : vector<16xf32> to vector<1x16xf32>
          tpu.vector_store %arg18[%swap3A_290, %swap3A_291], %swap3A_294 {strides = array<i32>} : memref<128x128xf32, #tpu.memory_space<vmem>>, vector<1x16xf32>,
          %get3A_295 = arith.index_cast %add3A_224 : i32 to index
          %get3A_296 = arith.constant 80 : index
          %get3A_297 = tpu.vector_load %arg16[%get3A_295, %get3A_296] {strides = array<i32>} : memref<128x128xf32, #tpu.memory_space<vmem>>, vector<1x16xf32>,
          %get3A_298 = vector.shape_cast %get3A_297 : vector<1x16xf32> to vector<16xf32>
          %get3A_299 = arith.index_cast %add3A_224 : i32 to index
          %get3A_300 = arith.constant 80 : index
          %get3A_301 = tpu.vector_load %arg17[%get3A_299, %get3A_300] {strides = array<i32>} : memref<128x128xf32, #tpu.memory_space<vmem>>, vector<1x16xf32>,
          %get3A_302 = vector.shape_cast %get3A_301 : vector<1x16xf32> to vector<16xf32>
          %add3A_303 = arith.addf %get3A_298, %get3A_302 : vector<16xf32>
          %swap3A_304 = arith.index_cast %add3A_224 : i32 to index
          %swap3A_305 = arith.constant 80 : index
          %swap3A_306 = tpu.vector_load %arg18[%swap3A_304, %swap3A_305] {strides = array<i32>} : memref<128x128xf32, #tpu.memory_space<vmem>>, vector<1x16xf32>,
          %swap3A_307 = vector.shape_cast %swap3A_306 : vector<1x16xf32> to vector<16xf32>
          %swap3A_308 = vector.shape_cast %add3A_303 : vector<16xf32> to vector<1x16xf32>
          tpu.vector_store %arg18[%swap3A_304, %swap3A_305], %swap3A_308 {strides = array<i32>} : memref<128x128xf32, #tpu.memory_space<vmem>>, vector<1x16xf32>,
          %get3A_309 = arith.index_cast %add3A_224 : i32 to index
          %get3A_310 = arith.constant 96 : index
          %get3A_311 = tpu.vector_load %arg16[%get3A_309, %get3A_310] {strides = array<i32>} : memref<128x128xf32, #tpu.memory_space<vmem>>, vector<1x16xf32>,
          %get3A_312 = vector.shape_cast %get3A_311 : vector<1x16xf32> to vector<16xf32>
          %get3A_313 = arith.index_cast %add3A_224 : i32 to index
          %get3A_314 = arith.constant 96 : index
          %get3A_315 = tpu.vector_load %arg17[%get3A_313, %get3A_314] {strides = array<i32>} : memref<128x128xf32, #tpu.memory_space<vmem>>, vector<1x16xf32>,
          %get3A_316 = vector.shape_cast %get3A_315 : vector<1x16xf32> to vector<16xf32>
          %add3A_317 = arith.addf %get3A_312, %get3A_316 : vector<16xf32>
          %swap3A_318 = arith.index_cast %add3A_224 : i32 to index
          %swap3A_319 = arith.constant 96 : index
          %swap3A_320 = tpu.vector_load %arg18[%swap3A_318, %swap3A_319] {strides = array<i32>} : memref<128x128xf32, #tpu.memory_space<vmem>>, vector<1x16xf32>,
          %swap3A_321 = vector.shape_cast %swap3A_320 : vector<1x16xf32> to vector<16xf32>
          %swap3A_322 = vector.shape_cast %add3A_317 : vector<16xf32> to vector<1x16xf32>
          tpu.vector_store %arg18[%swap3A_318, %swap3A_319], %swap3A_322 {strides = array<i32>} : memref<128x128xf32, #tpu.memory_space<vmem>>, vector<1x16xf32>,
          %get3A_323 = arith.index_cast %add3A_224 : i32 to index
          %get3A_324 = arith.constant 112 : index
          %get3A_325 = tpu.vector_load %arg16[%get3A_323, %get3A_324] {strides = array<i32>} : memref<128x128xf32, #tpu.memory_space<vmem>>, vector<1x16xf32>,
          %get3A_326 = vector.shape_cast %get3A_325 : vector<1x16xf32> to vector<16xf32>
          %get3A_327 = arith.index_cast %add3A_224 : i32 to index
          %get3A_328 = arith.constant 112 : index
          %get3A_329 = tpu.vector_load %arg17[%get3A_327, %get3A_328] {strides = array<i32>} : memref<128x128xf32, #tpu.memory_space<vmem>>, vector<1x16xf32>,
          %get3A_330 = vector.shape_cast %get3A_329 : vector<1x16xf32> to vector<16xf32>
          %add3A_331 = arith.addf %get3A_326, %get3A_330 : vector<16xf32>
          %swap3A_332 = arith.index_cast %add3A_224 : i32 to index
          %swap3A_333 = arith.constant 112 : index
          %swap3A_334 = tpu.vector_load %arg18[%swap3A_332, %swap3A_333] {strides = array<i32>} : memref<128x128xf32, #tpu.memory_space<vmem>>, vector<1x16xf32>,
          %swap3A_335 = vector.shape_cast %swap3A_334 : vector<1x16xf32> to vector<16xf32>
          %swap3A_336 = vector.shape_cast %add3A_331 : vector<16xf32> to vector<1x16xf32>
          tpu.vector_store %arg18[%swap3A_332, %swap3A_333], %swap3A_336 {strides = array<i32>} : memref<128x128xf32, #tpu.memory_space<vmem>>, vector<1x16xf32>,
          %mul3A_337 = arith.constant 4 : i32
          %mul3A_338 = arith.muli %mul3A_337, %scan3A_106 : i32
          %add3A_339 = arith.constant 2 : i32
          %add3A_340 = arith.addi %mul3A_338, %add3A_339 : i32
          %get3A_341 = arith.index_cast %add3A_340 : i32 to index
          %get3A_342 = arith.constant 0 : index
          %get3A_343 = tpu.vector_load %arg16[%get3A_341, %get3A_342] {strides = array<i32>} : memref<128x128xf32, #tpu.memory_space<vmem>>, vector<1x16xf32>,
          %get3A_344 = vector.shape_cast %get3A_343 : vector<1x16xf32> to vector<16xf32>
          %get3A_345 = arith.index_cast %add3A_340 : i32 to index
          %get3A_346 = arith.constant 0 : index
          %get3A_347 = tpu.vector_load %arg17[%get3A_345, %get3A_346] {strides = array<i32>} : memref<128x128xf32, #tpu.memory_space<vmem>>, vector<1x16xf32>,
          %get3A_348 = vector.shape_cast %get3A_347 : vector<1x16xf32> to vector<16xf32>
          %add3A_349 = arith.addf %get3A_344, %get3A_348 : vector<16xf32>
          %swap3A_350 = arith.index_cast %add3A_340 : i32 to index
          %swap3A_351 = arith.constant 0 : index
          %swap3A_352 = tpu.vector_load %arg18[%swap3A_350, %swap3A_351] {strides = array<i32>} : memref<128x128xf32, #tpu.memory_space<vmem>>, vector<1x16xf32>,
          %swap3A_353 = vector.shape_cast %swap3A_352 : vector<1x16xf32> to vector<16xf32>
          %swap3A_354 = vector.shape_cast %add3A_349 : vector<16xf32> to vector<1x16xf32>
          tpu.vector_store %arg18[%swap3A_350, %swap3A_351], %swap3A_354 {strides = array<i32>} : memref<128x128xf32, #tpu.memory_space<vmem>>, vector<1x16xf32>,
          %get3A_355 = arith.index_cast %add3A_340 : i32 to index
          %get3A_356 = arith.constant 16 : index
          %get3A_357 = tpu.vector_load %arg16[%get3A_355, %get3A_356] {strides = array<i32>} : memref<128x128xf32, #tpu.memory_space<vmem>>, vector<1x16xf32>,
          %get3A_358 = vector.shape_cast %get3A_357 : vector<1x16xf32> to vector<16xf32>
          %get3A_359 = arith.index_cast %add3A_340 : i32 to index
          %get3A_360 = arith.constant 16 : index
          %get3A_361 = tpu.vector_load %arg17[%get3A_359, %get3A_360] {strides = array<i32>} : memref<128x128xf32, #tpu.memory_space<vmem>>, vector<1x16xf32>,
          %get3A_362 = vector.shape_cast %get3A_361 : vector<1x16xf32> to vector<16xf32>
          %add3A_363 = arith.addf %get3A_358, %get3A_362 : vector<16xf32>
          %swap3A_364 = arith.index_cast %add3A_340 : i32 to index
          %swap3A_365 = arith.constant 16 : index
          %swap3A_366 = tpu.vector_load %arg18[%swap3A_364, %swap3A_365] {strides = array<i32>} : memref<128x128xf32, #tpu.memory_space<vmem>>, vector<1x16xf32>,
          %swap3A_367 = vector.shape_cast %swap3A_366 : vector<1x16xf32> to vector<16xf32>
          %swap3A_368 = vector.shape_cast %add3A_363 : vector<16xf32> to vector<1x16xf32>
          tpu.vector_store %arg18[%swap3A_364, %swap3A_365], %swap3A_368 {strides = array<i32>} : memref<128x128xf32, #tpu.memory_space<vmem>>, vector<1x16xf32>,
          %get3A_369 = arith.index_cast %add3A_340 : i32 to index
          %get3A_370 = arith.constant 32 : index
          %get3A_371 = tpu.vector_load %arg16[%get3A_369, %get3A_370] {strides = array<i32>} : memref<128x128xf32, #tpu.memory_space<vmem>>, vector<1x16xf32>,
          %get3A_372 = vector.shape_cast %get3A_371 : vector<1x16xf32> to vector<16xf32>
          %get3A_373 = arith.index_cast %add3A_340 : i32 to index
          %get3A_374 = arith.constant 32 : index
          %get3A_375 = tpu.vector_load %arg17[%get3A_373, %get3A_374] {strides = array<i32>} : memref<128x128xf32, #tpu.memory_space<vmem>>, vector<1x16xf32>,
          %get3A_376 = vector.shape_cast %get3A_375 : vector<1x16xf32> to vector<16xf32>
          %add3A_377 = arith.addf %get3A_372, %get3A_376 : vector<16xf32>
          %swap3A_378 = arith.index_cast %add3A_340 : i32 to index
          %swap3A_379 = arith.constant 32 : index
          %swap3A_380 = tpu.vector_load %arg18[%swap3A_378, %swap3A_379] {strides = array<i32>} : memref<128x128xf32, #tpu.memory_space<vmem>>, vector<1x16xf32>,
          %swap3A_381 = vector.shape_cast %swap3A_380 : vector<1x16xf32> to vector<16xf32>
          %swap3A_382 = vector.shape_cast %add3A_377 : vector<16xf32> to vector<1x16xf32>
          tpu.vector_store %arg18[%swap3A_378, %swap3A_379], %swap3A_382 {strides = array<i32>} : memref<128x128xf32, #tpu.memory_space<vmem>>, vector<1x16xf32>,
          %get3A_383 = arith.index_cast %add3A_340 : i32 to index
          %get3A_384 = arith.constant 48 : index
          %get3A_385 = tpu.vector_load %arg16[%get3A_383, %get3A_384] {strides = array<i32>} : memref<128x128xf32, #tpu.memory_space<vmem>>, vector<1x16xf32>,
          %get3A_386 = vector.shape_cast %get3A_385 : vector<1x16xf32> to vector<16xf32>
          %get3A_387 = arith.index_cast %add3A_340 : i32 to index
          %get3A_388 = arith.constant 48 : index
          %get3A_389 = tpu.vector_load %arg17[%get3A_387, %get3A_388] {strides = array<i32>} : memref<128x128xf32, #tpu.memory_space<vmem>>, vector<1x16xf32>,
          %get3A_390 = vector.shape_cast %get3A_389 : vector<1x16xf32> to vector<16xf32>
          %add3A_391 = arith.addf %get3A_386, %get3A_390 : vector<16xf32>
          %swap3A_392 = arith.index_cast %add3A_340 : i32 to index
          %swap3A_393 = arith.constant 48 : index
          %swap3A_394 = tpu.vector_load %arg18[%swap3A_392, %swap3A_393] {strides = array<i32>} : memref<128x128xf32, #tpu.memory_space<vmem>>, vector<1x16xf32>,
          %swap3A_395 = vector.shape_cast %swap3A_394 : vector<1x16xf32> to vector<16xf32>
          %swap3A_396 = vector.shape_cast %add3A_391 : vector<16xf32> to vector<1x16xf32>
          tpu.vector_store %arg18[%swap3A_392, %swap3A_393], %swap3A_396 {strides = array<i32>} : memref<128x128xf32, #tpu.memory_space<vmem>>, vector<1x16xf32>,
          %get3A_397 = arith.index_cast %add3A_340 : i32 to index
          %get3A_398 = arith.constant 64 : index
          %get3A_399 = tpu.vector_load %arg16[%get3A_397, %get3A_398] {strides = array<i32>} : memref<128x128xf32, #tpu.memory_space<vmem>>, vector<1x16xf32>,
          %get3A_400 = vector.shape_cast %get3A_399 : vector<1x16xf32> to vector<16xf32>
          %get3A_401 = arith.index_cast %add3A_340 : i32 to index
          %get3A_402 = arith.constant 64 : index
          %get3A_403 = tpu.vector_load %arg17[%get3A_401, %get3A_402] {strides = array<i32>} : memref<128x128xf32, #tpu.memory_space<vmem>>, vector<1x16xf32>,
          %get3A_404 = vector.shape_cast %get3A_403 : vector<1x16xf32> to vector<16xf32>
          %add3A_405 = arith.addf %get3A_400, %get3A_404 : vector<16xf32>
          %swap3A_406 = arith.index_cast %add3A_340 : i32 to index
          %swap3A_407 = arith.constant 64 : index
          %swap3A_408 = tpu.vector_load %arg18[%swap3A_406, %swap3A_407] {strides = array<i32>} : memref<128x128xf32, #tpu.memory_space<vmem>>, vector<1x16xf32>,
          %swap3A_409 = vector.shape_cast %swap3A_408 : vector<1x16xf32> to vector<16xf32>
          %swap3A_410 = vector.shape_cast %add3A_405 : vector<16xf32> to vector<1x16xf32>
          tpu.vector_store %arg18[%swap3A_406, %swap3A_407], %swap3A_410 {strides = array<i32>} : memref<128x128xf32, #tpu.memory_space<vmem>>, vector<1x16xf32>,
          %get3A_411 = arith.index_cast %add3A_340 : i32 to index
          %get3A_412 = arith.constant 80 : index
          %get3A_413 = tpu.vector_load %arg16[%get3A_411, %get3A_412] {strides = array<i32>} : memref<128x128xf32, #tpu.memory_space<vmem>>, vector<1x16xf32>,
          %get3A_414 = vector.shape_cast %get3A_413 : vector<1x16xf32> to vector<16xf32>
          %get3A_415 = arith.index_cast %add3A_340 : i32 to index
          %get3A_416 = arith.constant 80 : index
          %get3A_417 = tpu.vector_load %arg17[%get3A_415, %get3A_416] {strides = array<i32>} : memref<128x128xf32, #tpu.memory_space<vmem>>, vector<1x16xf32>,
          %get3A_418 = vector.shape_cast %get3A_417 : vector<1x16xf32> to vector<16xf32>
          %add3A_419 = arith.addf %get3A_414, %get3A_418 : vector<16xf32>
          %swap3A_420 = arith.index_cast %add3A_340 : i32 to index
          %swap3A_421 = arith.constant 80 : index
          %swap3A_422 = tpu.vector_load %arg18[%swap3A_420, %swap3A_421] {strides = array<i32>} : memref<128x128xf32, #tpu.memory_space<vmem>>, vector<1x16xf32>,
          %swap3A_423 = vector.shape_cast %swap3A_422 : vector<1x16xf32> to vector<16xf32>
          %swap3A_424 = vector.shape_cast %add3A_419 : vector<16xf32> to vector<1x16xf32>
          tpu.vector_store %arg18[%swap3A_420, %swap3A_421], %swap3A_424 {strides = array<i32>} : memref<128x128xf32, #tpu.memory_space<vmem>>, vector<1x16xf32>,
          %get3A_425 = arith.index_cast %add3A_340 : i32 to index
          %get3A_426 = arith.constant 96 : index
          %get3A_427 = tpu.vector_load %arg16[%get3A_425, %get3A_426] {strides = array<i32>} : memref<128x128xf32, #tpu.memory_space<vmem>>, vector<1x16xf32>,
          %get3A_428 = vector.shape_cast %get3A_427 : vector<1x16xf32> to vector<16xf32>
          %get3A_429 = arith.index_cast %add3A_340 : i32 to index
          %get3A_430 = arith.constant 96 : index
          %get3A_431 = tpu.vector_load %arg17[%get3A_429, %get3A_430] {strides = array<i32>} : memref<128x128xf32, #tpu.memory_space<vmem>>, vector<1x16xf32>,
          %get3A_432 = vector.shape_cast %get3A_431 : vector<1x16xf32> to vector<16xf32>
          %add3A_433 = arith.addf %get3A_428, %get3A_432 : vector<16xf32>
          %swap3A_434 = arith.index_cast %add3A_340 : i32 to index
          %swap3A_435 = arith.constant 96 : index
          %swap3A_436 = tpu.vector_load %arg18[%swap3A_434, %swap3A_435] {strides = array<i32>} : memref<128x128xf32, #tpu.memory_space<vmem>>, vector<1x16xf32>,
          %swap3A_437 = vector.shape_cast %swap3A_436 : vector<1x16xf32> to vector<16xf32>
          %swap3A_438 = vector.shape_cast %add3A_433 : vector<16xf32> to vector<1x16xf32>
          tpu.vector_store %arg18[%swap3A_434, %swap3A_435], %swap3A_438 {strides = array<i32>} : memref<128x128xf32, #tpu.memory_space<vmem>>, vector<1x16xf32>,
          %get3A_439 = arith.index_cast %add3A_340 : i32 to index
          %get3A_440 = arith.constant 112 : index
          %get3A_441 = tpu.vector_load %arg16[%get3A_439, %get3A_440] {strides = array<i32>} : memref<128x128xf32, #tpu.memory_space<vmem>>, vector<1x16xf32>,
          %get3A_442 = vector.shape_cast %get3A_441 : vector<1x16xf32> to vector<16xf32>
          %get3A_443 = arith.index_cast %add3A_340 : i32 to index
          %get3A_444 = arith.constant 112 : index
          %get3A_445 = tpu.vector_load %arg17[%get3A_443, %get3A_444] {strides = array<i32>} : memref<128x128xf32, #tpu.memory_space<vmem>>, vector<1x16xf32>,
          %get3A_446 = vector.shape_cast %get3A_445 : vector<1x16xf32> to vector<16xf32>
          %add3A_447 = arith.addf %get3A_442, %get3A_446 : vector<16xf32>
          %swap3A_448 = arith.index_cast %add3A_340 : i32 to index
          %swap3A_449 = arith.constant 112 : index
          %swap3A_450 = tpu.vector_load %arg18[%swap3A_448, %swap3A_449] {strides = array<i32>} : memref<128x128xf32, #tpu.memory_space<vmem>>, vector<1x16xf32>,
          %swap3A_451 = vector.shape_cast %swap3A_450 : vector<1x16xf32> to vector<16xf32>
          %swap3A_452 = vector.shape_cast %add3A_447 : vector<16xf32> to vector<1x16xf32>
          tpu.vector_store %arg18[%swap3A_448, %swap3A_449], %swap3A_452 {strides = array<i32>} : memref<128x128xf32, #tpu.memory_space<vmem>>, vector<1x16xf32>,
          %mul3A_453 = arith.constant 4 : i32
          %mul3A_454 = arith.muli %mul3A_453, %scan3A_106 : i32
          %add3A_455 = arith.constant 3 : i32
          %add3A_456 = arith.addi %mul3A_454, %add3A_455 : i32
          %get3A_457 = arith.index_cast %add3A_456 : i32 to index
          %get3A_458 = arith.constant 0 : index
          %get3A_459 = tpu.vector_load %arg16[%get3A_457, %get3A_458] {strides = array<i32>} : memref<128x128xf32, #tpu.memory_space<vmem>>, vector<1x16xf32>,
          %get3A_460 = vector.shape_cast %get3A_459 : vector<1x16xf32> to vector<16xf32>
          %get3A_461 = arith.index_cast %add3A_456 : i32 to index
          %get3A_462 = arith.constant 0 : index
          %get3A_463 = tpu.vector_load %arg17[%get3A_461, %get3A_462] {strides = array<i32>} : memref<128x128xf32, #tpu.memory_space<vmem>>, vector<1x16xf32>,
          %get3A_464 = vector.shape_cast %get3A_463 : vector<1x16xf32> to vector<16xf32>
          %add3A_465 = arith.addf %get3A_460, %get3A_464 : vector<16xf32>
          %swap3A_466 = arith.index_cast %add3A_456 : i32 to index
          %swap3A_467 = arith.constant 0 : index
          %swap3A_468 = tpu.vector_load %arg18[%swap3A_466, %swap3A_467] {strides = array<i32>} : memref<128x128xf32, #tpu.memory_space<vmem>>, vector<1x16xf32>,
          %swap3A_469 = vector.shape_cast %swap3A_468 : vector<1x16xf32> to vector<16xf32>
          %swap3A_470 = vector.shape_cast %add3A_465 : vector<16xf32> to vector<1x16xf32>
          tpu.vector_store %arg18[%swap3A_466, %swap3A_467], %swap3A_470 {strides = array<i32>} : memref<128x128xf32, #tpu.memory_space<vmem>>, vector<1x16xf32>,
          %get3A_471 = arith.index_cast %add3A_456 : i32 to index
          %get3A_472 = arith.constant 16 : index
          %get3A_473 = tpu.vector_load %arg16[%get3A_471, %get3A_472] {strides = array<i32>} : memref<128x128xf32, #tpu.memory_space<vmem>>, vector<1x16xf32>,
          %get3A_474 = vector.shape_cast %get3A_473 : vector<1x16xf32> to vector<16xf32>
          %get3A_475 = arith.index_cast %add3A_456 : i32 to index
          %get3A_476 = arith.constant 16 : index
          %get3A_477 = tpu.vector_load %arg17[%get3A_475, %get3A_476] {strides = array<i32>} : memref<128x128xf32, #tpu.memory_space<vmem>>, vector<1x16xf32>,
          %get3A_478 = vector.shape_cast %get3A_477 : vector<1x16xf32> to vector<16xf32>
          %add3A_479 = arith.addf %get3A_474, %get3A_478 : vector<16xf32>
          %swap3A_480 = arith.index_cast %add3A_456 : i32 to index
          %swap3A_481 = arith.constant 16 : index
          %swap3A_482 = tpu.vector_load %arg18[%swap3A_480, %swap3A_481] {strides = array<i32>} : memref<128x128xf32, #tpu.memory_space<vmem>>, vector<1x16xf32>,
          %swap3A_483 = vector.shape_cast %swap3A_482 : vector<1x16xf32> to vector<16xf32>
          %swap3A_484 = vector.shape_cast %add3A_479 : vector<16xf32> to vector<1x16xf32>
          tpu.vector_store %arg18[%swap3A_480, %swap3A_481], %swap3A_484 {strides = array<i32>} : memref<128x128xf32, #tpu.memory_space<vmem>>, vector<1x16xf32>,
          %get3A_485 = arith.index_cast %add3A_456 : i32 to index
          %get3A_486 = arith.constant 32 : index
          %get3A_487 = tpu.vector_load %arg16[%get3A_485, %get3A_486] {strides = array<i32>} : memref<128x128xf32, #tpu.memory_space<vmem>>, vector<1x16xf32>,
          %get3A_488 = vector.shape_cast %get3A_487 : vector<1x16xf32> to vector<16xf32>
          %get3A_489 = arith.index_cast %add3A_456 : i32 to index
          %get3A_490 = arith.constant 32 : index
          %get3A_491 = tpu.vector_load %arg17[%get3A_489, %get3A_490] {strides = array<i32>} : memref<128x128xf32, #tpu.memory_space<vmem>>, vector<1x16xf32>,
          %get3A_492 = vector.shape_cast %get3A_491 : vector<1x16xf32> to vector<16xf32>
          %add3A_493 = arith.addf %get3A_488, %get3A_492 : vector<16xf32>
          %swap3A_494 = arith.index_cast %add3A_456 : i32 to index
          %swap3A_495 = arith.constant 32 : index
          %swap3A_496 = tpu.vector_load %arg18[%swap3A_494, %swap3A_495] {strides = array<i32>} : memref<128x128xf32, #tpu.memory_space<vmem>>, vector<1x16xf32>,
          %swap3A_497 = vector.shape_cast %swap3A_496 : vector<1x16xf32> to vector<16xf32>
          %swap3A_498 = vector.shape_cast %add3A_493 : vector<16xf32> to vector<1x16xf32>
          tpu.vector_store %arg18[%swap3A_494, %swap3A_495], %swap3A_498 {strides = array<i32>} : memref<128x128xf32, #tpu.memory_space<vmem>>, vector<1x16xf32>,
          %get3A_499 = arith.index_cast %add3A_456 : i32 to index
          %get3A_500 = arith.constant 48 : index
          %get3A_501 = tpu.vector_load %arg16[%get3A_499, %get3A_500] {strides = array<i32>} : memref<128x128xf32, #tpu.memory_space<vmem>>, vector<1x16xf32>,
          %get3A_502 = vector.shape_cast %get3A_501 : vector<1x16xf32> to vector<16xf32>
          %get3A_503 = arith.index_cast %add3A_456 : i32 to index
          %get3A_504 = arith.constant 48 : index
          %get3A_505 = tpu.vector_load %arg17[%get3A_503, %get3A_504] {strides = array<i32>} : memref<128x128xf32, #tpu.memory_space<vmem>>, vector<1x16xf32>,
          %get3A_506 = vector.shape_cast %get3A_505 : vector<1x16xf32> to vector<16xf32>
          %add3A_507 = arith.addf %get3A_502, %get3A_506 : vector<16xf32>
          %swap3A_508 = arith.index_cast %add3A_456 : i32 to index
          %swap3A_509 = arith.constant 48 : index
          %swap3A_510 = tpu.vector_load %arg18[%swap3A_508, %swap3A_509] {strides = array<i32>} : memref<128x128xf32, #tpu.memory_space<vmem>>, vector<1x16xf32>,
          %swap3A_511 = vector.shape_cast %swap3A_510 : vector<1x16xf32> to vector<16xf32>
          %swap3A_512 = vector.shape_cast %add3A_507 : vector<16xf32> to vector<1x16xf32>
          tpu.vector_store %arg18[%swap3A_508, %swap3A_509], %swap3A_512 {strides = array<i32>} : memref<128x128xf32, #tpu.memory_space<vmem>>, vector<1x16xf32>,
          %get3A_513 = arith.index_cast %add3A_456 : i32 to index
          %get3A_514 = arith.constant 64 : index
          %get3A_515 = tpu.vector_load %arg16[%get3A_513, %get3A_514] {strides = array<i32>} : memref<128x128xf32, #tpu.memory_space<vmem>>, vector<1x16xf32>,
          %get3A_516 = vector.shape_cast %get3A_515 : vector<1x16xf32> to vector<16xf32>
          %get3A_517 = arith.index_cast %add3A_456 : i32 to index
          %get3A_518 = arith.constant 64 : index
          %get3A_519 = tpu.vector_load %arg17[%get3A_517, %get3A_518] {strides = array<i32>} : memref<128x128xf32, #tpu.memory_space<vmem>>, vector<1x16xf32>,
          %get3A_520 = vector.shape_cast %get3A_519 : vector<1x16xf32> to vector<16xf32>
          %add3A_521 = arith.addf %get3A_516, %get3A_520 : vector<16xf32>
          %swap3A_522 = arith.index_cast %add3A_456 : i32 to index
          %swap3A_523 = arith.constant 64 : index
          %swap3A_524 = tpu.vector_load %arg18[%swap3A_522, %swap3A_523] {strides = array<i32>} : memref<128x128xf32, #tpu.memory_space<vmem>>, vector<1x16xf32>,
          %swap3A_525 = vector.shape_cast %swap3A_524 : vector<1x16xf32> to vector<16xf32>
          %swap3A_526 = vector.shape_cast %add3A_521 : vector<16xf32> to vector<1x16xf32>
          tpu.vector_store %arg18[%swap3A_522, %swap3A_523], %swap3A_526 {strides = array<i32>} : memref<128x128xf32, #tpu.memory_space<vmem>>, vector<1x16xf32>,
          %get3A_527 = arith.index_cast %add3A_456 : i32 to index
          %get3A_528 = arith.constant 80 : index
          %get3A_529 = tpu.vector_load %arg16[%get3A_527, %get3A_528] {strides = array<i32>} : memref<128x128xf32, #tpu.memory_space<vmem>>, vector<1x16xf32>,
          %get3A_530 = vector.shape_cast %get3A_529 : vector<1x16xf32> to vector<16xf32>
          %get3A_531 = arith.index_cast %add3A_456 : i32 to index
          %get3A_532 = arith.constant 80 : index
          %get3A_533 = tpu.vector_load %arg17[%get3A_531, %get3A_532] {strides = array<i32>} : memref<128x128xf32, #tpu.memory_space<vmem>>, vector<1x16xf32>,
          %get3A_534 = vector.shape_cast %get3A_533 : vector<1x16xf32> to vector<16xf32>
          %add3A_535 = arith.addf %get3A_530, %get3A_534 : vector<16xf32>
          %swap3A_536 = arith.index_cast %add3A_456 : i32 to index
          %swap3A_537 = arith.constant 80 : index
          %swap3A_538 = tpu.vector_load %arg18[%swap3A_536, %swap3A_537] {strides = array<i32>} : memref<128x128xf32, #tpu.memory_space<vmem>>, vector<1x16xf32>,
          %swap3A_539 = vector.shape_cast %swap3A_538 : vector<1x16xf32> to vector<16xf32>
          %swap3A_540 = vector.shape_cast %add3A_535 : vector<16xf32> to vector<1x16xf32>
          tpu.vector_store %arg18[%swap3A_536, %swap3A_537], %swap3A_540 {strides = array<i32>} : memref<128x128xf32, #tpu.memory_space<vmem>>, vector<1x16xf32>,
          %get3A_541 = arith.index_cast %add3A_456 : i32 to index
          %get3A_542 = arith.constant 96 : index
          %get3A_543 = tpu.vector_load %arg16[%get3A_541, %get3A_542] {strides = array<i32>} : memref<128x128xf32, #tpu.memory_space<vmem>>, vector<1x16xf32>,
          %get3A_544 = vector.shape_cast %get3A_543 : vector<1x16xf32> to vector<16xf32>
          %get3A_545 = arith.index_cast %add3A_456 : i32 to index
          %get3A_546 = arith.constant 96 : index
          %get3A_547 = tpu.vector_load %arg17[%get3A_545, %get3A_546] {strides = array<i32>} : memref<128x128xf32, #tpu.memory_space<vmem>>, vector<1x16xf32>,
          %get3A_548 = vector.shape_cast %get3A_547 : vector<1x16xf32> to vector<16xf32>
          %add3A_549 = arith.addf %get3A_544, %get3A_548 : vector<16xf32>
          %swap3A_550 = arith.index_cast %add3A_456 : i32 to index
          %swap3A_551 = arith.constant 96 : index
          %swap3A_552 = tpu.vector_load %arg18[%swap3A_550, %swap3A_551] {strides = array<i32>} : memref<128x128xf32, #tpu.memory_space<vmem>>, vector<1x16xf32>,
          %swap3A_553 = vector.shape_cast %swap3A_552 : vector<1x16xf32> to vector<16xf32>
          %swap3A_554 = vector.shape_cast %add3A_549 : vector<16xf32> to vector<1x16xf32>
          tpu.vector_store %arg18[%swap3A_550, %swap3A_551], %swap3A_554 {strides = array<i32>} : memref<128x128xf32, #tpu.memory_space<vmem>>, vector<1x16xf32>,
          %get3A_555 = arith.index_cast %add3A_456 : i32 to index
          %get3A_556 = arith.constant 112 : index
          %get3A_557 = tpu.vector_load %arg16[%get3A_555, %get3A_556] {strides = array<i32>} : memref<128x128xf32, #tpu.memory_space<vmem>>, vector<1x16xf32>,
          %get3A_558 = vector.shape_cast %get3A_557 : vector<1x16xf32> to vector<16xf32>
          %get3A_559 = arith.index_cast %add3A_456 : i32 to index
          %get3A_560 = arith.constant 112 : index
          %get3A_561 = tpu.vector_load %arg17[%get3A_559, %get3A_560] {strides = array<i32>} : memref<128x128xf32, #tpu.memory_space<vmem>>, vector<1x16xf32>,
          %get3A_562 = vector.shape_cast %get3A_561 : vector<1x16xf32> to vector<16xf32>
          %add3A_563 = arith.addf %get3A_558, %get3A_562 : vector<16xf32>
          %swap3A_564 = arith.index_cast %add3A_456 : i32 to index
          %swap3A_565 = arith.constant 112 : index
          %swap3A_566 = tpu.vector_load %arg18[%swap3A_564, %swap3A_565] {strides = array<i32>} : memref<128x128xf32, #tpu.memory_space<vmem>>, vector<1x16xf32>,
          %swap3A_567 = vector.shape_cast %swap3A_566 : vector<1x16xf32> to vector<16xf32>
          %swap3A_568 = vector.shape_cast %add3A_563 : vector<16xf32> to vector<1x16xf32>
          tpu.vector_store %arg18[%swap3A_564, %swap3A_565], %swap3A_568 {strides = array<i32>} : memref<128x128xf32, #tpu.memory_space<vmem>>, vector<1x16xf32>,
        }
        %scan3A_105 = arith.constant 32 : i32
      } else {
      }
      %add3A_74 = arith.constant 2 : i32
      %add3A_75 = arith.addi %add3A_67, %add3A_74 : i32
      %lt3A_76 = arith.constant 80 : i32
      %lt3A_77 = arith.cmpi slt, %add3A_75, %lt3A_76 : i32
      %add3A_78 = arith.addi %mul3A_2, %add3A_75 : i32
      %lt3A_79 = arith.constant 2500 : i32
      %lt3A_80 = arith.cmpi slt, %add3A_78, %lt3A_79 : i32
      %and3A_81 = arith.andi %lt3A_77, %lt3A_80 : i1
      %convert_element_type3A_82 = arith.extui %and3A_81 : i1 to i32
      %cond3A_83 = arith.constant 0 : i32
      %cond3A_84 = arith.cmpi ne, %convert_element_type3A_82, %cond3A_83 : i32
      scf.if %cond3A_84 {
        %min3A = arith.constant 79 : i32
        %min3A_91 = arith.minsi %add3A_75, %min3A : i32
        %get3A = arith.index_cast %min3A_91 : i32 to index
        %get3A_92 = arith.constant 0 : index
        %get3A_93 = tpu.vector_load %arg7[%get3A, %get3A_92] {strides = array<i32>} : memref<80x128xi32, #tpu.memory_space<vmem>>, vector<1x16xi32>,
        %get3A_94 = vector.shape_cast %get3A_93 : vector<1x16xi32> to vector<16xi32>
        %swap3A = arith.constant 0 : index
        %swap3A_95 = tpu.vector_load %arg11[%swap3A] {strides = array<i32>} : memref<128xi32, #tpu.memory_space<vmem>>, vector<16xi32>,
        %swap3A_96 = vector.shape_cast %swap3A_95 : vector<16xi32> to vector<16xi32>
        %swap3A_97 = vector.shape_cast %get3A_94 : vector<16xi32> to vector<16xi32>
        tpu.vector_store %arg11[%swap3A], %swap3A_97 {strides = array<i32>} : memref<128xi32, #tpu.memory_space<vmem>>, vector<16xi32>,
        %get3A_98 = arith.index_cast %min3A_91 : i32 to index
        %get3A_99 = arith.constant 0 : index
        %get3A_100 = tpu.vector_load %arg8[%get3A_98, %get3A_99] {strides = array<i32>} : memref<80x128xi32, #tpu.memory_space<vmem>>, vector<1x16xi32>,
        %get3A_101 = vector.shape_cast %get3A_100 : vector<1x16xi32> to vector<16xi32>
        %swap3A_102 = arith.constant 0 : index
        %swap3A_103 = tpu.vector_load %arg12[%swap3A_102] {strides = array<i32>} : memref<128xi32, #tpu.memory_space<vmem>>, vector<16xi32>,
        %swap3A_104 = vector.shape_cast %swap3A_103 : vector<16xi32> to vector<16xi32>
        %swap3A_105 = vector.shape_cast %get3A_101 : vector<16xi32> to vector<16xi32>
        tpu.vector_store %arg12[%swap3A_102], %swap3A_105 {strides = array<i32>} : memref<128xi32, #tpu.memory_space<vmem>>, vector<16xi32>,
        %get3A_106 = arith.index_cast %min3A_91 : i32 to index
        %get3A_107 = arith.constant 16 : index
        %get3A_108 = tpu.vector_load %arg7[%get3A_106, %get3A_107] {strides = array<i32>} : memref<80x128xi32, #tpu.memory_space<vmem>>, vector<1x16xi32>,
        %get3A_109 = vector.shape_cast %get3A_108 : vector<1x16xi32> to vector<16xi32>
        %swap3A_110 = arith.constant 16 : index
        %swap3A_111 = tpu.vector_load %arg11[%swap3A_110] {strides = array<i32>} : memref<128xi32, #tpu.memory_space<vmem>>, vector<16xi32>,
        %swap3A_112 = vector.shape_cast %swap3A_111 : vector<16xi32> to vector<16xi32>
        %swap3A_113 = vector.shape_cast %get3A_109 : vector<16xi32> to vector<16xi32>
        tpu.vector_store %arg11[%swap3A_110], %swap3A_113 {strides = array<i32>} : memref<128xi32, #tpu.memory_space<vmem>>, vector<16xi32>,
        %get3A_114 = arith.index_cast %min3A_91 : i32 to index
        %get3A_115 = arith.constant 16 : index
        %get3A_116 = tpu.vector_load %arg8[%get3A_114, %get3A_115] {strides = array<i32>} : memref<80x128xi32, #tpu.memory_space<vmem>>, vector<1x16xi32>,
        %get3A_117 = vector.shape_cast %get3A_116 : vector<1x16xi32> to vector<16xi32>
        %swap3A_118 = arith.constant 16 : index
        %swap3A_119 = tpu.vector_load %arg12[%swap3A_118] {strides = array<i32>} : memref<128xi32, #tpu.memory_space<vmem>>, vector<16xi32>,
        %swap3A_120 = vector.shape_cast %swap3A_119 : vector<16xi32> to vector<16xi32>
        %swap3A_121 = vector.shape_cast %get3A_117 : vector<16xi32> to vector<16xi32>
        tpu.vector_store %arg12[%swap3A_118], %swap3A_121 {strides = array<i32>} : memref<128xi32, #tpu.memory_space<vmem>>, vector<16xi32>,
        %get3A_122 = arith.index_cast %min3A_91 : i32 to index
        %get3A_123 = arith.constant 32 : index
        %get3A_124 = tpu.vector_load %arg7[%get3A_122, %get3A_123] {strides = array<i32>} : memref<80x128xi32, #tpu.memory_space<vmem>>, vector<1x16xi32>,
        %get3A_125 = vector.shape_cast %get3A_124 : vector<1x16xi32> to vector<16xi32>
        %swap3A_126 = arith.constant 32 : index
        %swap3A_127 = tpu.vector_load %arg11[%swap3A_126] {strides = array<i32>} : memref<128xi32, #tpu.memory_space<vmem>>, vector<16xi32>,
        %swap3A_128 = vector.shape_cast %swap3A_127 : vector<16xi32> to vector<16xi32>
        %swap3A_129 = vector.shape_cast %get3A_125 : vector<16xi32> to vector<16xi32>
        tpu.vector_store %arg11[%swap3A_126], %swap3A_129 {strides = array<i32>} : memref<128xi32, #tpu.memory_space<vmem>>, vector<16xi32>,
        %get3A_130 = arith.index_cast %min3A_91 : i32 to index
        %get3A_131 = arith.constant 32 : index
        %get3A_132 = tpu.vector_load %arg8[%get3A_130, %get3A_131] {strides = array<i32>} : memref<80x128xi32, #tpu.memory_space<vmem>>, vector<1x16xi32>,
        %get3A_133 = vector.shape_cast %get3A_132 : vector<1x16xi32> to vector<16xi32>
        %swap3A_134 = arith.constant 32 : index
        %swap3A_135 = tpu.vector_load %arg12[%swap3A_134] {strides = array<i32>} : memref<128xi32, #tpu.memory_space<vmem>>, vector<16xi32>,
        %swap3A_136 = vector.shape_cast %swap3A_135 : vector<16xi32> to vector<16xi32>
        %swap3A_137 = vector.shape_cast %get3A_133 : vector<16xi32> to vector<16xi32>
        tpu.vector_store %arg12[%swap3A_134], %swap3A_137 {strides = array<i32>} : memref<128xi32, #tpu.memory_space<vmem>>, vector<16xi32>,
        %get3A_138 = arith.index_cast %min3A_91 : i32 to index
        %get3A_139 = arith.constant 48 : index
        %get3A_140 = tpu.vector_load %arg7[%get3A_138, %get3A_139] {strides = array<i32>} : memref<80x128xi32, #tpu.memory_space<vmem>>, vector<1x16xi32>,
        %get3A_141 = vector.shape_cast %get3A_140 : vector<1x16xi32> to vector<16xi32>
        %swap3A_142 = arith.constant 48 : index
        %swap3A_143 = tpu.vector_load %arg11[%swap3A_142] {strides = array<i32>} : memref<128xi32, #tpu.memory_space<vmem>>, vector<16xi32>,
        %swap3A_144 = vector.shape_cast %swap3A_143 : vector<16xi32> to vector<16xi32>
        %swap3A_145 = vector.shape_cast %get3A_141 : vector<16xi32> to vector<16xi32>
        tpu.vector_store %arg11[%swap3A_142], %swap3A_145 {strides = array<i32>} : memref<128xi32, #tpu.memory_space<vmem>>, vector<16xi32>,
        %get3A_146 = arith.index_cast %min3A_91 : i32 to index
        %get3A_147 = arith.constant 48 : index
        %get3A_148 = tpu.vector_load %arg8[%get3A_146, %get3A_147] {strides = array<i32>} : memref<80x128xi32, #tpu.memory_space<vmem>>, vector<1x16xi32>,
        %get3A_149 = vector.shape_cast %get3A_148 : vector<1x16xi32> to vector<16xi32>
        %swap3A_150 = arith.constant 48 : index
        %swap3A_151 = tpu.vector_load %arg12[%swap3A_150] {strides = array<i32>} : memref<128xi32, #tpu.memory_space<vmem>>, vector<16xi32>,
        %swap3A_152 = vector.shape_cast %swap3A_151 : vector<16xi32> to vector<16xi32>
        %swap3A_153 = vector.shape_cast %get3A_149 : vector<16xi32> to vector<16xi32>
        tpu.vector_store %arg12[%swap3A_150], %swap3A_153 {strides = array<i32>} : memref<128xi32, #tpu.memory_space<vmem>>, vector<16xi32>,
        %get3A_154 = arith.index_cast %min3A_91 : i32 to index
        %get3A_155 = arith.constant 64 : index
        %get3A_156 = tpu.vector_load %arg7[%get3A_154, %get3A_155] {strides = array<i32>} : memref<80x128xi32, #tpu.memory_space<vmem>>, vector<1x16xi32>,
        %get3A_157 = vector.shape_cast %get3A_156 : vector<1x16xi32> to vector<16xi32>
        %swap3A_158 = arith.constant 64 : index
        %swap3A_159 = tpu.vector_load %arg11[%swap3A_158] {strides = array<i32>} : memref<128xi32, #tpu.memory_space<vmem>>, vector<16xi32>,
        %swap3A_160 = vector.shape_cast %swap3A_159 : vector<16xi32> to vector<16xi32>
        %swap3A_161 = vector.shape_cast %get3A_157 : vector<16xi32> to vector<16xi32>
        tpu.vector_store %arg11[%swap3A_158], %swap3A_161 {strides = array<i32>} : memref<128xi32, #tpu.memory_space<vmem>>, vector<16xi32>,
        %get3A_162 = arith.index_cast %min3A_91 : i32 to index
        %get3A_163 = arith.constant 64 : index
        %get3A_164 = tpu.vector_load %arg8[%get3A_162, %get3A_163] {strides = array<i32>} : memref<80x128xi32, #tpu.memory_space<vmem>>, vector<1x16xi32>,
        %get3A_165 = vector.shape_cast %get3A_164 : vector<1x16xi32> to vector<16xi32>
        %swap3A_166 = arith.constant 64 : index
        %swap3A_167 = tpu.vector_load %arg12[%swap3A_166] {strides = array<i32>} : memref<128xi32, #tpu.memory_space<vmem>>, vector<16xi32>,
        %swap3A_168 = vector.shape_cast %swap3A_167 : vector<16xi32> to vector<16xi32>
        %swap3A_169 = vector.shape_cast %get3A_165 : vector<16xi32> to vector<16xi32>
        tpu.vector_store %arg12[%swap3A_166], %swap3A_169 {strides = array<i32>} : memref<128xi32, #tpu.memory_space<vmem>>, vector<16xi32>,
        %get3A_170 = arith.index_cast %min3A_91 : i32 to index
        %get3A_171 = arith.constant 80 : index
        %get3A_172 = tpu.vector_load %arg7[%get3A_170, %get3A_171] {strides = array<i32>} : memref<80x128xi32, #tpu.memory_space<vmem>>, vector<1x16xi32>,
        %get3A_173 = vector.shape_cast %get3A_172 : vector<1x16xi32> to vector<16xi32>
        %swap3A_174 = arith.constant 80 : index
        %swap3A_175 = tpu.vector_load %arg11[%swap3A_174] {strides = array<i32>} : memref<128xi32, #tpu.memory_space<vmem>>, vector<16xi32>,
        %swap3A_176 = vector.shape_cast %swap3A_175 : vector<16xi32> to vector<16xi32>
        %swap3A_177 = vector.shape_cast %get3A_173 : vector<16xi32> to vector<16xi32>
        tpu.vector_store %arg11[%swap3A_174], %swap3A_177 {strides = array<i32>} : memref<128xi32, #tpu.memory_space<vmem>>, vector<16xi32>,
        %get3A_178 = arith.index_cast %min3A_91 : i32 to index
        %get3A_179 = arith.constant 80 : index
        %get3A_180 = tpu.vector_load %arg8[%get3A_178, %get3A_179] {strides = array<i32>} : memref<80x128xi32, #tpu.memory_space<vmem>>, vector<1x16xi32>,
        %get3A_181 = vector.shape_cast %get3A_180 : vector<1x16xi32> to vector<16xi32>
        %swap3A_182 = arith.constant 80 : index
        %swap3A_183 = tpu.vector_load %arg12[%swap3A_182] {strides = array<i32>} : memref<128xi32, #tpu.memory_space<vmem>>, vector<16xi32>,
        %swap3A_184 = vector.shape_cast %swap3A_183 : vector<16xi32> to vector<16xi32>
        %swap3A_185 = vector.shape_cast %get3A_181 : vector<16xi32> to vector<16xi32>
        tpu.vector_store %arg12[%swap3A_182], %swap3A_185 {strides = array<i32>} : memref<128xi32, #tpu.memory_space<vmem>>, vector<16xi32>,
        %get3A_186 = arith.index_cast %min3A_91 : i32 to index
        %get3A_187 = arith.constant 96 : index
        %get3A_188 = tpu.vector_load %arg7[%get3A_186, %get3A_187] {strides = array<i32>} : memref<80x128xi32, #tpu.memory_space<vmem>>, vector<1x16xi32>,
        %get3A_189 = vector.shape_cast %get3A_188 : vector<1x16xi32> to vector<16xi32>
        %swap3A_190 = arith.constant 96 : index
        %swap3A_191 = tpu.vector_load %arg11[%swap3A_190] {strides = array<i32>} : memref<128xi32, #tpu.memory_space<vmem>>, vector<16xi32>,
        %swap3A_192 = vector.shape_cast %swap3A_191 : vector<16xi32> to vector<16xi32>
        %swap3A_193 = vector.shape_cast %get3A_189 : vector<16xi32> to vector<16xi32>
        tpu.vector_store %arg11[%swap3A_190], %swap3A_193 {strides = array<i32>} : memref<128xi32, #tpu.memory_space<vmem>>, vector<16xi32>,
        %get3A_194 = arith.index_cast %min3A_91 : i32 to index
        %get3A_195 = arith.constant 96 : index
        %get3A_196 = tpu.vector_load %arg8[%get3A_194, %get3A_195] {strides = array<i32>} : memref<80x128xi32, #tpu.memory_space<vmem>>, vector<1x16xi32>,
        %get3A_197 = vector.shape_cast %get3A_196 : vector<1x16xi32> to vector<16xi32>
        %swap3A_198 = arith.constant 96 : index
        %swap3A_199 = tpu.vector_load %arg12[%swap3A_198] {strides = array<i32>} : memref<128xi32, #tpu.memory_space<vmem>>, vector<16xi32>,
        %swap3A_200 = vector.shape_cast %swap3A_199 : vector<16xi32> to vector<16xi32>
        %swap3A_201 = vector.shape_cast %get3A_197 : vector<16xi32> to vector<16xi32>
        tpu.vector_store %arg12[%swap3A_198], %swap3A_201 {strides = array<i32>} : memref<128xi32, #tpu.memory_space<vmem>>, vector<16xi32>,
        %get3A_202 = arith.index_cast %min3A_91 : i32 to index
        %get3A_203 = arith.constant 112 : index
        %get3A_204 = tpu.vector_load %arg7[%get3A_202, %get3A_203] {strides = array<i32>} : memref<80x128xi32, #tpu.memory_space<vmem>>, vector<1x16xi32>,
        %get3A_205 = vector.shape_cast %get3A_204 : vector<1x16xi32> to vector<16xi32>
        %swap3A_206 = arith.constant 112 : index
        %swap3A_207 = tpu.vector_load %arg11[%swap3A_206] {strides = array<i32>} : memref<128xi32, #tpu.memory_space<vmem>>, vector<16xi32>,
        %swap3A_208 = vector.shape_cast %swap3A_207 : vector<16xi32> to vector<16xi32>
        %swap3A_209 = vector.shape_cast %get3A_205 : vector<16xi32> to vector<16xi32>
        tpu.vector_store %arg11[%swap3A_206], %swap3A_209 {strides = array<i32>} : memref<128xi32, #tpu.memory_space<vmem>>, vector<16xi32>,
        %get3A_210 = arith.index_cast %min3A_91 : i32 to index
        %get3A_211 = arith.constant 112 : index
        %get3A_212 = tpu.vector_load %arg8[%get3A_210, %get3A_211] {strides = array<i32>} : memref<80x128xi32, #tpu.memory_space<vmem>>, vector<1x16xi32>,
        %get3A_213 = vector.shape_cast %get3A_212 : vector<1x16xi32> to vector<16xi32>
        %swap3A_214 = arith.constant 112 : index
        %swap3A_215 = tpu.vector_load %arg12[%swap3A_214] {strides = array<i32>} : memref<128xi32, #tpu.memory_space<vmem>>, vector<16xi32>,
        %swap3A_216 = vector.shape_cast %swap3A_215 : vector<16xi32> to vector<16xi32>
        %swap3A_217 = vector.shape_cast %get3A_213 : vector<16xi32> to vector<16xi32>
        tpu.vector_store %arg12[%swap3A_214], %swap3A_217 {strides = array<i32>} : memref<128xi32, #tpu.memory_space<vmem>>, vector<16xi32>,
        %dma_start3A = arith.constant 0 : i32
        %dma_start3A_218 = arith.constant 0 : i32
        %dma_start3A_219 = tpu.memref_slice %arg4[%dma_start3A, %dma_start3A_218] : memref<10000x128xf32, #tpu.memory_space<hbm>> -> memref<10000x128xf32, #tpu.memory_space<hbm>>
        tpu.enqueue_indirect_dma source(%dma_start3A_219 : memref<10000x128xf32, #tpu.memory_space<hbm>>) target(%arg16 : memref<128x128xf32, #tpu.memory_space<vmem>>) offsets(%arg11 : memref<128xi32, #tpu.memory_space<vmem>>) semaphore(%arg21 : memref<!tpu.dma_semaphore, #tpu.memory_space<semaphore_mem>>)
        %dma_start3A_220 = arith.constant 0 : i32
        %dma_start3A_221 = arith.constant 0 : i32
        %dma_start3A_222 = tpu.memref_slice %arg5[%dma_start3A_220, %dma_start3A_221] : memref<10000x128xf32, #tpu.memory_space<hbm>> -> memref<10000x128xf32, #tpu.memory_space<hbm>>
        tpu.enqueue_indirect_dma source(%dma_start3A_222 : memref<10000x128xf32, #tpu.memory_space<hbm>>) target(%arg17 : memref<128x128xf32, #tpu.memory_space<vmem>>) offsets(%arg12 : memref<128xi32, #tpu.memory_space<vmem>>) semaphore(%arg22 : memref<!tpu.dma_semaphore, #tpu.memory_space<semaphore_mem>>)
      } else {
      }
      %add3A_85 = arith.addi %mul3A_2, %add3A_67 : i32
      %lt3A_86 = arith.constant 2500 : i32
      %lt3A_87 = arith.cmpi slt, %add3A_85, %lt3A_86 : i32
      %convert_element_type3A_88 = arith.extui %lt3A_87 : i1 to i32
      %cond3A_89 = arith.constant 0 : i32
      %cond3A_90 = arith.cmpi ne, %convert_element_type3A_88, %cond3A_89 : i32
      scf.if %cond3A_90 {
        %add3A_91 = arith.addi %mul3A_2, %add3A_67 : i32
        %mul3A_92 = arith.constant 128 : i32
        %mul3A_93 = arith.muli %add3A_91, %mul3A_92 : i32
        %dma_start3A = arith.constant 0 : i32
        %dma_start3A_94 = tpu.memref_slice %arg6[%mul3A_93, %dma_start3A] : memref<320000x128xf32, #tpu.memory_space<hbm>> -> memref<128x128xf32, #tpu.memory_space<hbm>>
        %dma_start3A_95 = arith.constant 0 : i32
        %dma_start3A_96 = tpu.memref_slice %arg6[%mul3A_93, %dma_start3A_95] : memref<320000x128xf32, #tpu.memory_space<hbm>> -> memref<128x128xf32, #tpu.memory_space<hbm>>
        tpu.enqueue_dma source(%arg18 : memref<128x128xf32, #tpu.memory_space<vmem>>) target(%dma_start3A_96 : memref<128x128xf32, #tpu.memory_space<hbm>>) target_semaphore(%arg24 : memref<!tpu.dma_semaphore, #tpu.memory_space<semaphore_mem>>)
      } else {
      }
    }
    %scan3A_21 = arith.constant 40 : i32
    %add3A_22 = arith.constant 0 : i32
    %add3A_23 = arith.addi %mul3A_2, %add3A_22 : i32
    %lt3A_24 = arith.constant 2500 : i32
    %lt3A_25 = arith.cmpi slt, %add3A_23, %lt3A_24 : i32
    %convert_element_type3A_26 = arith.extui %lt3A_25 : i1 to i32
    %cond3A_27 = arith.constant 0 : i32
    %cond3A_28 = arith.cmpi ne, %convert_element_type3A_26, %cond3A_27 : i32
    scf.if %cond3A_28 {
      %dma_wait3A = arith.constant 0 : i32
      %dma_wait3A_36 = arith.constant 0 : i32
      %dma_wait3A_37 = tpu.memref_slice %arg6[%dma_wait3A, %dma_wait3A_36] : memref<320000x128xf32, #tpu.memory_space<hbm>> -> memref<128x128xf32, #tpu.memory_space<hbm>>
      %dma_wait3A_38 = arith.constant 0 : i32
      %dma_wait3A_39 = arith.constant 0 : i32
      %dma_wait3A_40 = tpu.memref_slice %arg6[%dma_wait3A_38, %dma_wait3A_39] : memref<320000x128xf32, #tpu.memory_space<hbm>> -> memref<128x128xf32, #tpu.memory_space<hbm>>
      tpu.wait_dma2 semaphore(%arg23 : memref<!tpu.dma_semaphore, #tpu.memory_space<semaphore_mem>>) src(%arg15 : memref<128x128xf32, #tpu.memory_space<vmem>>) dst(%dma_wait3A_40 : memref<128x128xf32, #tpu.memory_space<hbm>>)
    } else {
    }
    %add3A_29 = arith.constant 1 : i32
    %add3A_30 = arith.addi %mul3A_2, %add3A_29 : i32
    %lt3A_31 = arith.constant 2500 : i32
    %lt3A_32 = arith.cmpi slt, %add3A_30, %lt3A_31 : i32
    %convert_element_type3A_33 = arith.extui %lt3A_32 : i1 to i32
    %cond3A_34 = arith.constant 0 : i32
    %cond3A_35 = arith.cmpi ne, %convert_element_type3A_33, %cond3A_34 : i32
    scf.if %cond3A_35 {
      %dma_wait3A = arith.constant 0 : i32
      %dma_wait3A_36 = arith.constant 0 : i32
      %dma_wait3A_37 = tpu.memref_slice %arg6[%dma_wait3A, %dma_wait3A_36] : memref<320000x128xf32, #tpu.memory_space<hbm>> -> memref<128x128xf32, #tpu.memory_space<hbm>>
      %dma_wait3A_38 = arith.constant 0 : i32
      %dma_wait3A_39 = arith.constant 0 : i32
      %dma_wait3A_40 = tpu.memref_slice %arg6[%dma_wait3A_38, %dma_wait3A_39] : memref<320000x128xf32, #tpu.memory_space<hbm>> -> memref<128x128xf32, #tpu.memory_space<hbm>>
      tpu.wait_dma2 semaphore(%arg24 : memref<!tpu.dma_semaphore, #tpu.memory_space<semaphore_mem>>) src(%arg18 : memref<128x128xf32, #tpu.memory_space<vmem>>) dst(%dma_wait3A_40 : memref<128x128xf32, #tpu.memory_space<hbm>>)
    } else {
    }
    return
  }
}

#map = affine_map<(d0, d1) -> (0)>
#map1 = affine_map<(d0, d1) -> (0, 0)>
#map2 = affine_map<(d0, d1) -> (0, 0, 0)>
module attributes {stable_mosaic.version = 14 : i64} {
  func.func @run(%arg0: i32, %arg1: i32, %arg2: memref<320000xi32, #tpu.memory_space<hbm>>, %arg3: memref<320000x128xf32, #tpu.memory_space<hbm>>, %arg4: memref<10112x128xf32, #tpu.memory_space<hbm>>, %arg5: memref<2x10112x128xf32, #tpu.memory_space<hbm>>, %arg6: memref<128xi32, #tpu.memory_space<vmem>>, %arg7: memref<128xi32, #tpu.memory_space<vmem>>, %arg8: memref<128x128xf32, #tpu.memory_space<vmem>>, %arg9: memref<128x128xf32, #tpu.memory_space<vmem>>, %arg10: memref<10112x128xf32, #tpu.memory_space<vmem_shared>>, %arg11: memref<!tpu.dma_semaphore, #tpu.memory_space<semaphore_mem>>, %arg12: memref<!tpu.dma_semaphore, #tpu.memory_space<semaphore_mem>>, %arg13: memref<!tpu.dma_semaphore, #tpu.memory_space<semaphore_mem>>, %arg14: memref<!tpu.dma_semaphore, #tpu.memory_space<semaphore_mem>>) attributes {dimension_semantics = [#tpu.dimension_semantics<core_parallel>, #tpu.dimension_semantics<subcore_parallel>], iteration_bounds = array<i64: 2, 16>, scalar_prefetch = 0 : i64, scratch_operands = 9 : i64, tpu.core_type = #tpu.core_type<sc_vector_subcore>, window_params = [{transform_indices = #map}, {transform_indices = #map1}, {transform_indices = #map1}, {transform_indices = #map2}]} {
    %mul3A = arith.constant 632 : i32
    %mul3A_0 = arith.muli %arg1, %mul3A : i32
    "tpu.region"() ({
      %run_scoped3A = tpu.sem_alloc : memref<!tpu.dma_semaphore, #tpu.memory_space<semaphore_mem>>
      %dma_start3A = arith.constant 0 : i32
      %dma_start3A_17 = tpu.memref_slice %arg10[%mul3A_0, %dma_start3A] : memref<10112x128xf32, #tpu.memory_space<vmem_shared>> -> memref<632x128xf32, #tpu.memory_space<vmem_shared>>
      %dma_start3A_18 = arith.constant 0 : i32
      %dma_start3A_19 = tpu.memref_slice %arg4[%mul3A_0, %dma_start3A_18] : memref<10112x128xf32, #tpu.memory_space<hbm>> -> memref<632x128xf32, #tpu.memory_space<hbm>>
      tpu.enqueue_dma source(%dma_start3A_19 : memref<632x128xf32, #tpu.memory_space<hbm>>) target(%dma_start3A_17 : memref<632x128xf32, #tpu.memory_space<vmem_shared>>) target_semaphore(%run_scoped3A : memref<!tpu.dma_semaphore, #tpu.memory_space<semaphore_mem>>)
      %dma_wait3A = arith.constant 0 : i32
      %dma_wait3A_20 = tpu.memref_slice %arg10[%mul3A_0, %dma_wait3A] : memref<10112x128xf32, #tpu.memory_space<vmem_shared>> -> memref<632x128xf32, #tpu.memory_space<vmem_shared>>
      %dma_wait3A_21 = arith.constant 0 : i32
      %dma_wait3A_22 = tpu.memref_slice %arg4[%mul3A_0, %dma_wait3A_21] : memref<10112x128xf32, #tpu.memory_space<hbm>> -> memref<632x128xf32, #tpu.memory_space<hbm>>
      tpu.wait_dma2 semaphore(%run_scoped3A : memref<!tpu.dma_semaphore, #tpu.memory_space<semaphore_mem>>) src(%dma_wait3A_22 : memref<632x128xf32, #tpu.memory_space<hbm>>) dst(%dma_wait3A_20 : memref<632x128xf32, #tpu.memory_space<vmem_shared>>)
      tpu.yield
    }) : () -> ()
    %barrier3A = arith.constant 0 : index
    tpu.barrier barrier_id(%barrier3A)
    %add3A = arith.constant 0 : i32
    %add3A_1 = arith.addi %arg1, %add3A : i32
    %lt3A = arith.constant 1250 : i32
    %lt3A_2 = arith.cmpi slt, %add3A_1, %lt3A : i32
    %convert_element_type3A = arith.extui %lt3A_2 : i1 to i32
    %cond3A = arith.constant 0 : i32
    %cond3A_3 = arith.cmpi ne, %convert_element_type3A, %cond3A : i32
    scf.if %cond3A_3 {
      %mul3A_17 = arith.constant 1250 : i32
      %mul3A_18 = arith.muli %arg0, %mul3A_17 : i32
      %add3A_19 = arith.addi %mul3A_18, %add3A_1 : i32
      %mul3A_20 = arith.constant 128 : i32
      %mul3A_21 = arith.muli %add3A_19, %mul3A_20 : i32
      %dma_start3A = tpu.memref_slice %arg2[%mul3A_21] : memref<320000xi32, #tpu.memory_space<hbm>> -> memref<128xi32, #tpu.memory_space<hbm>>
      %dma_start3A_22 = tpu.memref_slice %arg2[%mul3A_21] : memref<320000xi32, #tpu.memory_space<hbm>> -> memref<128xi32, #tpu.memory_space<hbm>>
      tpu.enqueue_dma source(%dma_start3A_22 : memref<128xi32, #tpu.memory_space<hbm>>) target(%arg6 : memref<128xi32, #tpu.memory_space<vmem>>) target_semaphore(%arg11 : memref<!tpu.dma_semaphore, #tpu.memory_space<semaphore_mem>>)
      %dma_start3A_23 = arith.constant 0 : i32
      %dma_start3A_24 = tpu.memref_slice %arg3[%mul3A_21, %dma_start3A_23] : memref<320000x128xf32, #tpu.memory_space<hbm>> -> memref<128x128xf32, #tpu.memory_space<hbm>>
      %dma_start3A_25 = arith.constant 0 : i32
      %dma_start3A_26 = tpu.memref_slice %arg3[%mul3A_21, %dma_start3A_25] : memref<320000x128xf32, #tpu.memory_space<hbm>> -> memref<128x128xf32, #tpu.memory_space<hbm>>
      tpu.enqueue_dma source(%dma_start3A_26 : memref<128x128xf32, #tpu.memory_space<hbm>>) target(%arg8 : memref<128x128xf32, #tpu.memory_space<vmem>>) target_semaphore(%arg13 : memref<!tpu.dma_semaphore, #tpu.memory_space<semaphore_mem>>)
    } else {
    }
    %add3A_4 = arith.constant 16 : i32
    %add3A_5 = arith.addi %arg1, %add3A_4 : i32
    %lt3A_6 = arith.constant 1250 : i32
    %lt3A_7 = arith.cmpi slt, %add3A_5, %lt3A_6 : i32
    %convert_element_type3A_8 = arith.extui %lt3A_7 : i1 to i32
    %cond3A_9 = arith.constant 0 : i32
    %cond3A_10 = arith.cmpi ne, %convert_element_type3A_8, %cond3A_9 : i32
    scf.if %cond3A_10 {
      %mul3A_17 = arith.constant 1250 : i32
      %mul3A_18 = arith.muli %arg0, %mul3A_17 : i32
      %add3A_19 = arith.addi %mul3A_18, %add3A_5 : i32
      %mul3A_20 = arith.constant 128 : i32
      %mul3A_21 = arith.muli %add3A_19, %mul3A_20 : i32
      %dma_start3A = tpu.memref_slice %arg2[%mul3A_21] : memref<320000xi32, #tpu.memory_space<hbm>> -> memref<128xi32, #tpu.memory_space<hbm>>
      %dma_start3A_22 = tpu.memref_slice %arg2[%mul3A_21] : memref<320000xi32, #tpu.memory_space<hbm>> -> memref<128xi32, #tpu.memory_space<hbm>>
      tpu.enqueue_dma source(%dma_start3A_22 : memref<128xi32, #tpu.memory_space<hbm>>) target(%arg7 : memref<128xi32, #tpu.memory_space<vmem>>) target_semaphore(%arg12 : memref<!tpu.dma_semaphore, #tpu.memory_space<semaphore_mem>>)
      %dma_start3A_23 = arith.constant 0 : i32
      %dma_start3A_24 = tpu.memref_slice %arg3[%mul3A_21, %dma_start3A_23] : memref<320000x128xf32, #tpu.memory_space<hbm>> -> memref<128x128xf32, #tpu.memory_space<hbm>>
      %dma_start3A_25 = arith.constant 0 : i32
      %dma_start3A_26 = tpu.memref_slice %arg3[%mul3A_21, %dma_start3A_25] : memref<320000x128xf32, #tpu.memory_space<hbm>> -> memref<128x128xf32, #tpu.memory_space<hbm>>
      tpu.enqueue_dma source(%dma_start3A_26 : memref<128x128xf32, #tpu.memory_space<hbm>>) target(%arg9 : memref<128x128xf32, #tpu.memory_space<vmem>>) target_semaphore(%arg14 : memref<!tpu.dma_semaphore, #tpu.memory_space<semaphore_mem>>)
    } else {
    }
    %scan3A = arith.constant 0 : i32
    %scan3A_11 = arith.constant 0 : i32
    %scan3A_12 = arith.constant 40 : i32
    %scan3A_13 = arith.addi %scan3A_11, %scan3A_12 : i32
    %scan3A_14 = arith.constant 1 : i32
    scf.for %scan3A_17 = %scan3A_11 to %scan3A_13 step %scan3A_14  : i32 {
      %mul3A_18 = arith.constant 2 : i32
      %mul3A_19 = arith.muli %mul3A_18, %scan3A_17 : i32
      %add3A_20 = arith.constant 0 : i32
      %add3A_21 = arith.addi %mul3A_19, %add3A_20 : i32
      %mul3A_22 = arith.constant 16 : i32
      %mul3A_23 = arith.muli %mul3A_22, %add3A_21 : i32
      %add3A_24 = arith.addi %arg1, %mul3A_23 : i32
      %lt3A_25 = arith.constant 1250 : i32
      %lt3A_26 = arith.cmpi slt, %add3A_24, %lt3A_25 : i32
      %convert_element_type3A_27 = arith.extui %lt3A_26 : i1 to i32
      %cond3A_28 = arith.constant 0 : i32
      %cond3A_29 = arith.cmpi ne, %convert_element_type3A_27, %cond3A_28 : i32
      scf.if %cond3A_29 {
        %mul3A_62 = arith.constant 1250 : i32
        %mul3A_63 = arith.muli %arg0, %mul3A_62 : i32
        %add3A_64 = arith.addi %mul3A_63, %add3A_24 : i32
        %mul3A_65 = arith.constant 128 : i32
        %mul3A_66 = arith.muli %add3A_64, %mul3A_65 : i32
        %dma_wait3A = tpu.memref_slice %arg2[%mul3A_66] : memref<320000xi32, #tpu.memory_space<hbm>> -> memref<128xi32, #tpu.memory_space<hbm>>
        %dma_wait3A_67 = tpu.memref_slice %arg2[%mul3A_66] : memref<320000xi32, #tpu.memory_space<hbm>> -> memref<128xi32, #tpu.memory_space<hbm>>
        tpu.wait_dma2 semaphore(%arg11 : memref<!tpu.dma_semaphore, #tpu.memory_space<semaphore_mem>>) src(%dma_wait3A_67 : memref<128xi32, #tpu.memory_space<hbm>>) dst(%arg6 : memref<128xi32, #tpu.memory_space<vmem>>)
        %dma_wait3A_68 = arith.constant 0 : i32
        %dma_wait3A_69 = tpu.memref_slice %arg3[%mul3A_66, %dma_wait3A_68] : memref<320000x128xf32, #tpu.memory_space<hbm>> -> memref<128x128xf32, #tpu.memory_space<hbm>>
        %dma_wait3A_70 = arith.constant 0 : i32
        %dma_wait3A_71 = tpu.memref_slice %arg3[%mul3A_66, %dma_wait3A_70] : memref<320000x128xf32, #tpu.memory_space<hbm>> -> memref<128x128xf32, #tpu.memory_space<hbm>>
        tpu.wait_dma2 semaphore(%arg13 : memref<!tpu.dma_semaphore, #tpu.memory_space<semaphore_mem>>) src(%dma_wait3A_71 : memref<128x128xf32, #tpu.memory_space<hbm>>) dst(%arg8 : memref<128x128xf32, #tpu.memory_space<vmem>>)
        "tpu.region"() ({
          %run_scoped3A = tpu.sem_alloc : memref<!tpu.dma_semaphore, #tpu.memory_space<semaphore_mem>>
          %dma_start3A = arith.constant 0 : i32
          %dma_start3A_72 = arith.constant 0 : i32
          %dma_start3A_73 = tpu.memref_slice %arg10[%dma_start3A, %dma_start3A_72] : memref<10112x128xf32, #tpu.memory_space<vmem_shared>> -> memref<10112x128xf32, #tpu.memory_space<vmem_shared>>
          tpu.enqueue_indirect_dma source(%arg8 : memref<128x128xf32, #tpu.memory_space<vmem>>) target(%dma_start3A_73 : memref<10112x128xf32, #tpu.memory_space<vmem_shared>>) offsets(%arg6 : memref<128xi32, #tpu.memory_space<vmem>>) semaphore(%run_scoped3A : memref<!tpu.dma_semaphore, #tpu.memory_space<semaphore_mem>>) {add = true}
          %dma_wait3A_74 = arith.constant 0 : i32
          %dma_wait3A_75 = arith.constant 0 : i32
          %dma_wait3A_76 = tpu.memref_slice %arg10[%dma_wait3A_74, %dma_wait3A_75] : memref<10112x128xf32, #tpu.memory_space<vmem_shared>> -> memref<10112x128xf32, #tpu.memory_space<vmem_shared>>
          tpu.wait_indirect_dma semaphore(%run_scoped3A : memref<!tpu.dma_semaphore, #tpu.memory_space<semaphore_mem>>) src(%arg8 : memref<128x128xf32, #tpu.memory_space<vmem>>) dst(%dma_wait3A_76 : memref<10112x128xf32, #tpu.memory_space<vmem_shared>>)
          tpu.yield
        }) : () -> ()
      } else {
      }
      %add3A_30 = arith.constant 2 : i32
      %add3A_31 = arith.addi %add3A_21, %add3A_30 : i32
      %mul3A_32 = arith.constant 16 : i32
      %mul3A_33 = arith.muli %mul3A_32, %add3A_31 : i32
      %add3A_34 = arith.addi %arg1, %mul3A_33 : i32
      %lt3A_35 = arith.constant 1250 : i32
      %lt3A_36 = arith.cmpi slt, %add3A_34, %lt3A_35 : i32
      %convert_element_type3A_37 = arith.extui %lt3A_36 : i1 to i32
      %cond3A_38 = arith.constant 0 : i32
      %cond3A_39 = arith.cmpi ne, %convert_element_type3A_37, %cond3A_38 : i32
      scf.if %cond3A_39 {
        %mul3A_62 = arith.constant 1250 : i32
        %mul3A_63 = arith.muli %arg0, %mul3A_62 : i32
        %add3A_64 = arith.addi %mul3A_63, %add3A_34 : i32
        %mul3A_65 = arith.constant 128 : i32
        %mul3A_66 = arith.muli %add3A_64, %mul3A_65 : i32
        %dma_start3A = tpu.memref_slice %arg2[%mul3A_66] : memref<320000xi32, #tpu.memory_space<hbm>> -> memref<128xi32, #tpu.memory_space<hbm>>
        %dma_start3A_67 = tpu.memref_slice %arg2[%mul3A_66] : memref<320000xi32, #tpu.memory_space<hbm>> -> memref<128xi32, #tpu.memory_space<hbm>>
        tpu.enqueue_dma source(%dma_start3A_67 : memref<128xi32, #tpu.memory_space<hbm>>) target(%arg6 : memref<128xi32, #tpu.memory_space<vmem>>) target_semaphore(%arg11 : memref<!tpu.dma_semaphore, #tpu.memory_space<semaphore_mem>>)
        %dma_start3A_68 = arith.constant 0 : i32
        %dma_start3A_69 = tpu.memref_slice %arg3[%mul3A_66, %dma_start3A_68] : memref<320000x128xf32, #tpu.memory_space<hbm>> -> memref<128x128xf32, #tpu.memory_space<hbm>>
        %dma_start3A_70 = arith.constant 0 : i32
        %dma_start3A_71 = tpu.memref_slice %arg3[%mul3A_66, %dma_start3A_70] : memref<320000x128xf32, #tpu.memory_space<hbm>> -> memref<128x128xf32, #tpu.memory_space<hbm>>
        tpu.enqueue_dma source(%dma_start3A_71 : memref<128x128xf32, #tpu.memory_space<hbm>>) target(%arg8 : memref<128x128xf32, #tpu.memory_space<vmem>>) target_semaphore(%arg13 : memref<!tpu.dma_semaphore, #tpu.memory_space<semaphore_mem>>)
      } else {
      }
      %mul3A_40 = arith.constant 2 : i32
      %mul3A_41 = arith.muli %mul3A_40, %scan3A_17 : i32
      %add3A_42 = arith.constant 1 : i32
      %add3A_43 = arith.addi %mul3A_41, %add3A_42 : i32
      %mul3A_44 = arith.constant 16 : i32
      %mul3A_45 = arith.muli %mul3A_44, %add3A_43 : i32
      %add3A_46 = arith.addi %arg1, %mul3A_45 : i32
      %lt3A_47 = arith.constant 1250 : i32
      %lt3A_48 = arith.cmpi slt, %add3A_46, %lt3A_47 : i32
      %convert_element_type3A_49 = arith.extui %lt3A_48 : i1 to i32
      %cond3A_50 = arith.constant 0 : i32
      %cond3A_51 = arith.cmpi ne, %convert_element_type3A_49, %cond3A_50 : i32
      scf.if %cond3A_51 {
        %mul3A_62 = arith.constant 1250 : i32
        %mul3A_63 = arith.muli %arg0, %mul3A_62 : i32
        %add3A_64 = arith.addi %mul3A_63, %add3A_46 : i32
        %mul3A_65 = arith.constant 128 : i32
        %mul3A_66 = arith.muli %add3A_64, %mul3A_65 : i32
        %dma_wait3A = tpu.memref_slice %arg2[%mul3A_66] : memref<320000xi32, #tpu.memory_space<hbm>> -> memref<128xi32, #tpu.memory_space<hbm>>
        %dma_wait3A_67 = tpu.memref_slice %arg2[%mul3A_66] : memref<320000xi32, #tpu.memory_space<hbm>> -> memref<128xi32, #tpu.memory_space<hbm>>
        tpu.wait_dma2 semaphore(%arg12 : memref<!tpu.dma_semaphore, #tpu.memory_space<semaphore_mem>>) src(%dma_wait3A_67 : memref<128xi32, #tpu.memory_space<hbm>>) dst(%arg7 : memref<128xi32, #tpu.memory_space<vmem>>)
        %dma_wait3A_68 = arith.constant 0 : i32
        %dma_wait3A_69 = tpu.memref_slice %arg3[%mul3A_66, %dma_wait3A_68] : memref<320000x128xf32, #tpu.memory_space<hbm>> -> memref<128x128xf32, #tpu.memory_space<hbm>>
        %dma_wait3A_70 = arith.constant 0 : i32
        %dma_wait3A_71 = tpu.memref_slice %arg3[%mul3A_66, %dma_wait3A_70] : memref<320000x128xf32, #tpu.memory_space<hbm>> -> memref<128x128xf32, #tpu.memory_space<hbm>>
        tpu.wait_dma2 semaphore(%arg14 : memref<!tpu.dma_semaphore, #tpu.memory_space<semaphore_mem>>) src(%dma_wait3A_71 : memref<128x128xf32, #tpu.memory_space<hbm>>) dst(%arg9 : memref<128x128xf32, #tpu.memory_space<vmem>>)
        "tpu.region"() ({
          %run_scoped3A = tpu.sem_alloc : memref<!tpu.dma_semaphore, #tpu.memory_space<semaphore_mem>>
          %dma_start3A = arith.constant 0 : i32
          %dma_start3A_72 = arith.constant 0 : i32
          %dma_start3A_73 = tpu.memref_slice %arg10[%dma_start3A, %dma_start3A_72] : memref<10112x128xf32, #tpu.memory_space<vmem_shared>> -> memref<10112x128xf32, #tpu.memory_space<vmem_shared>>
          tpu.enqueue_indirect_dma source(%arg9 : memref<128x128xf32, #tpu.memory_space<vmem>>) target(%dma_start3A_73 : memref<10112x128xf32, #tpu.memory_space<vmem_shared>>) offsets(%arg7 : memref<128xi32, #tpu.memory_space<vmem>>) semaphore(%run_scoped3A : memref<!tpu.dma_semaphore, #tpu.memory_space<semaphore_mem>>) {add = true}
          %dma_wait3A_74 = arith.constant 0 : i32
          %dma_wait3A_75 = arith.constant 0 : i32
          %dma_wait3A_76 = tpu.memref_slice %arg10[%dma_wait3A_74, %dma_wait3A_75] : memref<10112x128xf32, #tpu.memory_space<vmem_shared>> -> memref<10112x128xf32, #tpu.memory_space<vmem_shared>>
          tpu.wait_indirect_dma semaphore(%run_scoped3A : memref<!tpu.dma_semaphore, #tpu.memory_space<semaphore_mem>>) src(%arg9 : memref<128x128xf32, #tpu.memory_space<vmem>>) dst(%dma_wait3A_76 : memref<10112x128xf32, #tpu.memory_space<vmem_shared>>)
          tpu.yield
        }) : () -> ()
      } else {
      }
      %add3A_52 = arith.constant 2 : i32
      %add3A_53 = arith.addi %add3A_43, %add3A_52 : i32
      %mul3A_54 = arith.constant 16 : i32
      %mul3A_55 = arith.muli %mul3A_54, %add3A_53 : i32
      %add3A_56 = arith.addi %arg1, %mul3A_55 : i32
      %lt3A_57 = arith.constant 1250 : i32
      %lt3A_58 = arith.cmpi slt, %add3A_56, %lt3A_57 : i32
      %convert_element_type3A_59 = arith.extui %lt3A_58 : i1 to i32
      %cond3A_60 = arith.constant 0 : i32
      %cond3A_61 = arith.cmpi ne, %convert_element_type3A_59, %cond3A_60 : i32
      scf.if %cond3A_61 {
        %mul3A_62 = arith.constant 1250 : i32
        %mul3A_63 = arith.muli %arg0, %mul3A_62 : i32
        %add3A_64 = arith.addi %mul3A_63, %add3A_56 : i32
        %mul3A_65 = arith.constant 128 : i32
        %mul3A_66 = arith.muli %add3A_64, %mul3A_65 : i32
        %dma_start3A = tpu.memref_slice %arg2[%mul3A_66] : memref<320000xi32, #tpu.memory_space<hbm>> -> memref<128xi32, #tpu.memory_space<hbm>>
        %dma_start3A_67 = tpu.memref_slice %arg2[%mul3A_66] : memref<320000xi32, #tpu.memory_space<hbm>> -> memref<128xi32, #tpu.memory_space<hbm>>
        tpu.enqueue_dma source(%dma_start3A_67 : memref<128xi32, #tpu.memory_space<hbm>>) target(%arg7 : memref<128xi32, #tpu.memory_space<vmem>>) target_semaphore(%arg12 : memref<!tpu.dma_semaphore, #tpu.memory_space<semaphore_mem>>)
        %dma_start3A_68 = arith.constant 0 : i32
        %dma_start3A_69 = tpu.memref_slice %arg3[%mul3A_66, %dma_start3A_68] : memref<320000x128xf32, #tpu.memory_space<hbm>> -> memref<128x128xf32, #tpu.memory_space<hbm>>
        %dma_start3A_70 = arith.constant 0 : i32
        %dma_start3A_71 = tpu.memref_slice %arg3[%mul3A_66, %dma_start3A_70] : memref<320000x128xf32, #tpu.memory_space<hbm>> -> memref<128x128xf32, #tpu.memory_space<hbm>>
        tpu.enqueue_dma source(%dma_start3A_71 : memref<128x128xf32, #tpu.memory_space<hbm>>) target(%arg9 : memref<128x128xf32, #tpu.memory_space<vmem>>) target_semaphore(%arg14 : memref<!tpu.dma_semaphore, #tpu.memory_space<semaphore_mem>>)
      } else {
      }
    }
    %scan3A_15 = arith.constant 40 : i32
    %barrier3A_16 = arith.constant 0 : index
    tpu.barrier barrier_id(%barrier3A_16)
    "tpu.region"() ({
      %run_scoped3A = tpu.sem_alloc : memref<!tpu.dma_semaphore, #tpu.memory_space<semaphore_mem>>
      %dma_start3A = arith.constant 0 : i32
      %dma_start3A_17 = tpu.memref_slice %arg5[%arg0, %mul3A_0, %dma_start3A] : memref<2x10112x128xf32, #tpu.memory_space<hbm>> -> memref<1x632x128xf32, #tpu.memory_space<hbm>>
      %dma_start3A_18 = tpu.memref_squeeze %dma_start3A_17 : memref<1x632x128xf32, #tpu.memory_space<hbm>> -> memref<632x128xf32, #tpu.memory_space<hbm>>
      %dma_start3A_19 = arith.constant 0 : i32
      %dma_start3A_20 = tpu.memref_slice %arg10[%mul3A_0, %dma_start3A_19] : memref<10112x128xf32, #tpu.memory_space<vmem_shared>> -> memref<632x128xf32, #tpu.memory_space<vmem_shared>>
      tpu.enqueue_dma source(%dma_start3A_20 : memref<632x128xf32, #tpu.memory_space<vmem_shared>>) target(%dma_start3A_18 : memref<632x128xf32, #tpu.memory_space<hbm>>) target_semaphore(%run_scoped3A : memref<!tpu.dma_semaphore, #tpu.memory_space<semaphore_mem>>)
      %dma_wait3A = arith.constant 0 : i32
      %dma_wait3A_21 = tpu.memref_slice %arg5[%arg0, %mul3A_0, %dma_wait3A] : memref<2x10112x128xf32, #tpu.memory_space<hbm>> -> memref<1x632x128xf32, #tpu.memory_space<hbm>>
      %dma_wait3A_22 = tpu.memref_squeeze %dma_wait3A_21 : memref<1x632x128xf32, #tpu.memory_space<hbm>> -> memref<632x128xf32, #tpu.memory_space<hbm>>
      %dma_wait3A_23 = arith.constant 0 : i32
      %dma_wait3A_24 = tpu.memref_slice %arg10[%mul3A_0, %dma_wait3A_23] : memref<10112x128xf32, #tpu.memory_space<vmem_shared>> -> memref<632x128xf32, #tpu.memory_space<vmem_shared>>
      tpu.wait_dma2 semaphore(%run_scoped3A : memref<!tpu.dma_semaphore, #tpu.memory_space<semaphore_mem>>) src(%dma_wait3A_24 : memref<632x128xf32, #tpu.memory_space<vmem_shared>>) dst(%dma_wait3A_22 : memref<632x128xf32, #tpu.memory_space<hbm>>)
      tpu.yield
    }) : () -> ()
    return
  }
}

module attributes {stable_mosaic.version = 14 : i64} {
  func.func @body(%arg0: i32, %arg1: memref<2000x128xf32, #tpu.memory_space<vmem>>, %arg2: memref<304x128xf32, #tpu.memory_space<vmem>>, %arg3: memref<1x32xf32, #tpu.memory_space<vmem>>, %arg4: memref<1x128xf32, #tpu.memory_space<vmem>>, %arg5: memref<2000x128xf32, #tpu.memory_space<vmem>>, %arg6: memref<2000x128xf32, #tpu.memory_space<vmem>>) attributes {dimension_semantics = [#tpu.dimension_semantics<arbitrary>], iteration_bounds = array<i64: 5>, scalar_prefetch = 0 : i64, scratch_operands = 0 : i64, tpu.core_type = #tpu.core_type<tc>, window_params = [{transform_indices = @transform_0, window_bounds = array<i64: 2000, 128>}, {pipeline_mode = #tpu.pipeline_mode<synchronous>, transform_indices = @transform_1, window_bounds = array<i64: 304, 128>}, {pipeline_mode = #tpu.pipeline_mode<synchronous>, transform_indices = @transform_2, window_bounds = array<i64: 1, 32>}, {pipeline_mode = #tpu.pipeline_mode<synchronous>, transform_indices = @transform_3, window_bounds = array<i64: 1, 128>}, {transform_indices = @transform_4, window_bounds = array<i64: 2000, 128>}, {transform_indices = @transform_5, window_bounds = array<i64: 2000, 128>}]} {
    %get3A = arith.constant 0 : index
    %get3A_0 = arith.constant 0 : index
    %get3A_1 = vector.load %arg1[%get3A, %get3A_0] : memref<2000x128xf32, #tpu.memory_space<vmem>>, vector<2000x128xf32>
    %get3A_2 = arith.constant 0 : index
    %get3A_3 = arith.constant 0 : index
    %get3A_4 = vector.load %arg2[%get3A_2, %get3A_3] : memref<304x128xf32, #tpu.memory_space<vmem>>, vector<128x128xf32>
    %dot_general3A = arith.constant dense<0.000000e+00> : vector<2000x128xf32>
    %dot_general3A_5 = tpu.matmul %get3A_1, %get3A_4, %dot_general3A {dimension_numbers = #tpu.dot_dimension_numbers<[1], [0], [0], [1], [0, 0, 1, 1], [], []>, transpose_lhs_hint = false} : vector<2000x128xf32>, vector<128x128xf32>, vector<2000x128xf32> -> vector<2000x128xf32>
    %swap3A = arith.constant 0 : index
    %swap3A_6 = arith.constant 0 : index
    %swap3A_7 = vector.load %arg5[%swap3A, %swap3A_6] : memref<2000x128xf32, #tpu.memory_space<vmem>>, vector<2000x128xf32>
    tpu.vector_store %arg5[%swap3A, %swap3A_6], %dot_general3A_5 {strides = array<i32>} : memref<2000x128xf32, #tpu.memory_space<vmem>>, vector<2000x128xf32>,
    %get3A_8 = arith.constant 0 : index
    %get3A_9 = arith.constant 0 : index
    %get3A_10 = vector.load %arg3[%get3A_8, %get3A_9] : memref<1x32xf32, #tpu.memory_space<vmem>>, vector<1x32xf32>
    %get3A_11 = arith.constant 272 : index
    %get3A_12 = arith.constant 0 : index
    %get3A_13 = vector.load %arg2[%get3A_11, %get3A_12] : memref<304x128xf32, #tpu.memory_space<vmem>>, vector<32x128xf32>
    %dot_general3A_14 = arith.constant dense<0.000000e+00> : vector<1x128xf32>
    %dot_general3A_15 = tpu.matmul %get3A_10, %get3A_13, %dot_general3A_14 {dimension_numbers = #tpu.dot_dimension_numbers<[1], [0], [0], [1], [0, 0, 1, 1], [], []>, transpose_lhs_hint = false} : vector<1x32xf32>, vector<32x128xf32>, vector<1x128xf32> -> vector<1x128xf32>
    %get3A_16 = arith.constant 0 : index
    %get3A_17 = arith.constant 0 : index
    %get3A_18 = vector.load %arg4[%get3A_16, %get3A_17] : memref<1x128xf32, #tpu.memory_space<vmem>>, vector<1x128xf32>
    %add3A = arith.addf %dot_general3A_15, %get3A_18 : vector<1x128xf32>
    %get3A_19 = arith.constant 128 : index
    %get3A_20 = arith.constant 0 : index
    %get3A_21 = vector.load %arg2[%get3A_19, %get3A_20] : memref<304x128xf32, #tpu.memory_space<vmem>>, vector<128x128xf32>
    %dot_general3A_22 = arith.constant dense<0.000000e+00> : vector<2000x128xf32>
    %dot_general3A_23 = tpu.matmul %get3A_1, %get3A_21, %dot_general3A_22 {dimension_numbers = #tpu.dot_dimension_numbers<[1], [0], [0], [1], [0, 0, 1, 1], [], []>, transpose_lhs_hint = false} : vector<2000x128xf32>, vector<128x128xf32>, vector<2000x128xf32> -> vector<2000x128xf32>
    %add3A_24 = vector.broadcast %add3A : vector<1x128xf32> to vector<2000x128xf32>
    %add3A_25 = arith.addf %dot_general3A_23, %add3A_24 : vector<2000x128xf32>
    %swap3A_26 = arith.constant 0 : index
    %swap3A_27 = arith.constant 0 : index
    %swap3A_28 = vector.load %arg6[%swap3A_26, %swap3A_27] : memref<2000x128xf32, #tpu.memory_space<vmem>>, vector<2000x128xf32>
    tpu.vector_store %arg6[%swap3A_26, %swap3A_27], %add3A_25 {strides = array<i32>} : memref<2000x128xf32, #tpu.memory_space<vmem>>, vector<2000x128xf32>,
    return
  }
  func.func @transform_0(%arg0: i32) -> (i32, i32) {
    %c0_i32 = arith.constant 0 : i32
    %c0_i32_0 = arith.constant 0 : i32
    return %arg0, %c0_i32 : i32, i32
  }
  func.func @transform_1(%arg0: i32) -> (i32, i32) {
    %c0_i32 = arith.constant 0 : i32
    %c0_i32_0 = arith.constant 0 : i32
    %c0_i32_1 = arith.constant 0 : i32
    return %c0_i32, %c0_i32_0 : i32, i32
  }
  func.func @transform_2(%arg0: i32) -> (i32, i32) {
    %c0_i32 = arith.constant 0 : i32
    %c0_i32_0 = arith.constant 0 : i32
    %c0_i32_1 = arith.constant 0 : i32
    return %c0_i32, %c0_i32_0 : i32, i32
  }
  func.func @transform_3(%arg0: i32) -> (i32, i32) {
    %c0_i32 = arith.constant 0 : i32
    %c0_i32_0 = arith.constant 0 : i32
    %c0_i32_1 = arith.constant 0 : i32
    return %c0_i32, %c0_i32_0 : i32, i32
  }
  func.func @transform_4(%arg0: i32) -> (i32, i32) {
    %c0_i32 = arith.constant 0 : i32
    %c0_i32_0 = arith.constant 0 : i32
    return %arg0, %c0_i32 : i32, i32
  }
  func.func @transform_5(%arg0: i32) -> (i32, i32) {
    %c0_i32 = arith.constant 0 : i32
    %c0_i32_0 = arith.constant 0 : i32
    return %arg0, %c0_i32 : i32, i32
  }
}

module attributes {stable_mosaic.version = 14 : i64} {
  func.func @body(%arg0: i32, %arg1: memref<2560x128xf32, #tpu.memory_space<vmem>>, %arg2: memref<2560x16xf32, #tpu.memory_space<vmem>>, %arg3: memref<16x128xf32, #tpu.memory_space<vmem>>, %arg4: memref<128x128xbf16, #tpu.memory_space<vmem>>, %arg5: memref<1x128xf32, #tpu.memory_space<vmem>>, %arg6: memref<2560x128xf32, #tpu.memory_space<vmem>>) attributes {dimension_semantics = [#tpu.dimension_semantics<arbitrary>], iteration_bounds = array<i64: 125>, scalar_prefetch = 0 : i64, scratch_operands = 0 : i64, tpu.core_type = #tpu.core_type<tc>, window_params = [{transform_indices = @transform_0, window_bounds = array<i64: 2560, 128>}, {transform_indices = @transform_1, window_bounds = array<i64: 2560, 16>}, {pipeline_mode = #tpu.pipeline_mode<synchronous>, transform_indices = @transform_2, window_bounds = array<i64: 16, 128>}, {pipeline_mode = #tpu.pipeline_mode<synchronous>, transform_indices = @transform_3, window_bounds = array<i64: 128, 128>}, {pipeline_mode = #tpu.pipeline_mode<synchronous>, transform_indices = @transform_4, window_bounds = array<i64: 1, 128>}, {transform_indices = @transform_5, window_bounds = array<i64: 2560, 128>}]} {
    %get3A = arith.constant 0 : index
    %get3A_0 = arith.constant 0 : index
    %get3A_1 = vector.load %arg1[%get3A, %get3A_0] : memref<2560x128xf32, #tpu.memory_space<vmem>>, vector<2560x128xf32>
    %get3A_2 = arith.constant 0 : index
    %get3A_3 = arith.constant 0 : index
    %get3A_4 = vector.load %arg2[%get3A_2, %get3A_3] : memref<2560x16xf32, #tpu.memory_space<vmem>>, vector<2560x16xf32>
    %get3A_5 = arith.constant 0 : index
    %get3A_6 = arith.constant 0 : index
    %get3A_7 = vector.load %arg3[%get3A_5, %get3A_6] : memref<16x128xf32, #tpu.memory_space<vmem>>, vector<16x128xf32>
    %dot_general3A = arith.constant dense<0.000000e+00> : vector<2560x128xf32>
    %dot_general3A_8 = tpu.matmul %get3A_4, %get3A_7, %dot_general3A {dimension_numbers = #tpu.dot_dimension_numbers<[1], [0], [0], [1], [0, 0, 1, 1], [], []>, transpose_lhs_hint = false} : vector<2560x16xf32>, vector<16x128xf32>, vector<2560x128xf32> -> vector<2560x128xf32>
    %add3A = arith.addf %get3A_1, %dot_general3A_8 : vector<2560x128xf32>
    %max3A = arith.constant 0.000000e+00 : f32
    %max3A_9 = vector.broadcast %max3A : f32 to vector<2560x128xf32>
    %max3A_10 = arith.maximumf %add3A, %max3A_9 : vector<2560x128xf32>
    %convert_element_type3A = arith.truncf %max3A_10 : vector<2560x128xf32> to vector<2560x128xbf16>
    %get3A_11 = arith.constant 0 : index
    %get3A_12 = arith.constant 0 : index
    %get3A_13 = vector.load %arg4[%get3A_11, %get3A_12] : memref<128x128xbf16, #tpu.memory_space<vmem>>, vector<128x128xbf16>
    %dot_general3A_14 = arith.constant dense<0.000000e+00> : vector<2560x128xf32>
    %dot_general3A_15 = tpu.matmul %convert_element_type3A, %get3A_13, %dot_general3A_14 {dimension_numbers = #tpu.dot_dimension_numbers<[1], [0], [0], [1], [0, 0, 1, 1], [], []>, transpose_lhs_hint = false} : vector<2560x128xbf16>, vector<128x128xbf16>, vector<2560x128xf32> -> vector<2560x128xf32>
    %get3A_16 = arith.constant 0 : index
    %get3A_17 = arith.constant 0 : index
    %get3A_18 = vector.load %arg5[%get3A_16, %get3A_17] : memref<1x128xf32, #tpu.memory_space<vmem>>, vector<1x128xf32>
    %add3A_19 = vector.broadcast %get3A_18 : vector<1x128xf32> to vector<2560x128xf32>
    %add3A_20 = arith.addf %dot_general3A_15, %add3A_19 : vector<2560x128xf32>
    %swap3A = arith.constant 0 : index
    %swap3A_21 = arith.constant 0 : index
    %swap3A_22 = vector.load %arg6[%swap3A, %swap3A_21] : memref<2560x128xf32, #tpu.memory_space<vmem>>, vector<2560x128xf32>
    tpu.vector_store %arg6[%swap3A, %swap3A_21], %add3A_20 {strides = array<i32>} : memref<2560x128xf32, #tpu.memory_space<vmem>>, vector<2560x128xf32>,
    return
  }
  func.func @transform_0(%arg0: i32) -> (i32, i32) {
    %c0_i32 = arith.constant 0 : i32
    %c0_i32_0 = arith.constant 0 : i32
    return %arg0, %c0_i32 : i32, i32
  }
  func.func @transform_1(%arg0: i32) -> (i32, i32) {
    %c0_i32 = arith.constant 0 : i32
    %c0_i32_0 = arith.constant 0 : i32
    return %arg0, %c0_i32 : i32, i32
  }
  func.func @transform_2(%arg0: i32) -> (i32, i32) {
    %c0_i32 = arith.constant 0 : i32
    %c0_i32_0 = arith.constant 0 : i32
    %c0_i32_1 = arith.constant 0 : i32
    return %c0_i32, %c0_i32_0 : i32, i32
  }
  func.func @transform_3(%arg0: i32) -> (i32, i32) {
    %c0_i32 = arith.constant 0 : i32
    %c0_i32_0 = arith.constant 0 : i32
    %c0_i32_1 = arith.constant 0 : i32
    return %c0_i32, %c0_i32_0 : i32, i32
  }
  func.func @transform_4(%arg0: i32) -> (i32, i32) {
    %c0_i32 = arith.constant 0 : i32
    %c0_i32_0 = arith.constant 0 : i32
    %c0_i32_1 = arith.constant 0 : i32
    return %c0_i32, %c0_i32_0 : i32, i32
  }
  func.func @transform_5(%arg0: i32) -> (i32, i32) {
    %c0_i32 = arith.constant 0 : i32
    %c0_i32_0 = arith.constant 0 : i32
    return %arg0, %c0_i32 : i32, i32
  }
}

module attributes {stable_mosaic.version = 14 : i64} {
  func.func @body(%arg0: i32, %arg1: memref<2000x128xf32, #tpu.memory_space<vmem>>, %arg2: memref<2x2000x128xf32, #tpu.memory_space<vmem>>, %arg3: memref<1x32xf32, #tpu.memory_space<vmem>>, %arg4: memref<288x128xf32, #tpu.memory_space<vmem>>, %arg5: memref<1x128xf32, #tpu.memory_space<vmem>>, %arg6: memref<128x128xf32, #tpu.memory_space<vmem>>, %arg7: memref<1x128xf32, #tpu.memory_space<vmem>>, %arg8: memref<288x128xf32, #tpu.memory_space<vmem>>, %arg9: memref<1x128xf32, #tpu.memory_space<vmem>>, %arg10: memref<128x32xf32, #tpu.memory_space<vmem>>, %arg11: memref<1x32xf32, #tpu.memory_space<vmem>>, %arg12: memref<2000x128xf32, #tpu.memory_space<vmem>>, %arg13: memref<1x32xf32, #tpu.memory_space<vmem>>, %arg14: memref<1x128xf32, #tpu.memory_space<vmem>>, %arg15: memref<1x128xf32, #tpu.memory_space<vmem>>) attributes {dimension_semantics = [#tpu.dimension_semantics<arbitrary>], iteration_bounds = array<i64: 5>, scalar_prefetch = 0 : i64, scratch_operands = 0 : i64, tpu.core_type = #tpu.core_type<tc>, window_params = [{transform_indices = @transform_0, window_bounds = array<i64: 2000, 128>}, {transform_indices = @transform_1, window_bounds = array<i64: 2, 2000, 128>}, {pipeline_mode = #tpu.pipeline_mode<synchronous>, transform_indices = @transform_2, window_bounds = array<i64: 1, 32>}, {pipeline_mode = #tpu.pipeline_mode<synchronous>, transform_indices = @transform_3, window_bounds = array<i64: 288, 128>}, {pipeline_mode = #tpu.pipeline_mode<synchronous>, transform_indices = @transform_4, window_bounds = array<i64: 1, 128>}, {pipeline_mode = #tpu.pipeline_mode<synchronous>, transform_indices = @transform_5, window_bounds = array<i64: 128, 128>}, {pipeline_mode = #tpu.pipeline_mode<synchronous>, transform_indices = @transform_6, window_bounds = array<i64: 1, 128>}, {pipeline_mode = #tpu.pipeline_mode<synchronous>, transform_indices = @transform_7, window_bounds = array<i64: 288, 128>}, {pipeline_mode = #tpu.pipeline_mode<synchronous>, transform_indices = @transform_8, window_bounds = array<i64: 1, 128>}, {pipeline_mode = #tpu.pipeline_mode<synchronous>, transform_indices = @transform_9, window_bounds = array<i64: 128, 32>}, {pipeline_mode = #tpu.pipeline_mode<synchronous>, transform_indices = @transform_10, window_bounds = array<i64: 1, 32>}, {transform_indices = @transform_11, window_bounds = array<i64: 2000, 128>}, {pipeline_mode = #tpu.pipeline_mode<synchronous>, transform_indices = @transform_12, window_bounds = array<i64: 1, 32>}, {pipeline_mode = #tpu.pipeline_mode<synchronous>, transform_indices = @transform_13, window_bounds = array<i64: 1, 128>}, {pipeline_mode = #tpu.pipeline_mode<synchronous>, transform_indices = @transform_14, window_bounds = array<i64: 1, 128>}]} {
    %get3A = arith.constant 0 : index
    %get3A_0 = arith.constant 0 : index
    %get3A_1 = arith.constant 0 : index
    %get3A_2 = vector.load %arg2[%get3A, %get3A_0, %get3A_1] : memref<2x2000x128xf32, #tpu.memory_space<vmem>>, vector<1x2000x128xf32>
    %get3A_3 = vector.shape_cast %get3A_2 : vector<1x2000x128xf32> to vector<2000x128xf32>
    %get3A_4 = arith.constant 1 : index
    %get3A_5 = arith.constant 0 : index
    %get3A_6 = arith.constant 0 : index
    %get3A_7 = vector.load %arg2[%get3A_4, %get3A_5, %get3A_6] : memref<2x2000x128xf32, #tpu.memory_space<vmem>>, vector<1x2000x128xf32>
    %get3A_8 = vector.shape_cast %get3A_7 : vector<1x2000x128xf32> to vector<2000x128xf32>
    %add3A = arith.addf %get3A_3, %get3A_8 : vector<2000x128xf32>
    %get3A_9 = arith.constant 0 : index
    %get3A_10 = arith.constant 0 : index
    %get3A_11 = vector.load %arg3[%get3A_9, %get3A_10] : memref<1x32xf32, #tpu.memory_space<vmem>>, vector<1x32xf32>
    %get3A_12 = arith.constant 256 : index
    %get3A_13 = arith.constant 0 : index
    %get3A_14 = vector.load %arg4[%get3A_12, %get3A_13] : memref<288x128xf32, #tpu.memory_space<vmem>>, vector<32x128xf32>
    %dot_general3A = arith.constant dense<0.000000e+00> : vector<1x128xf32>
    %dot_general3A_15 = tpu.matmul %get3A_11, %get3A_14, %dot_general3A {dimension_numbers = #tpu.dot_dimension_numbers<[1], [0], [0], [1], [0, 0, 1, 1], [], []>, transpose_lhs_hint = false} : vector<1x32xf32>, vector<32x128xf32>, vector<1x128xf32> -> vector<1x128xf32>
    %get3A_16 = arith.constant 0 : index
    %get3A_17 = arith.constant 0 : index
    %get3A_18 = vector.load %arg5[%get3A_16, %get3A_17] : memref<1x128xf32, #tpu.memory_space<vmem>>, vector<1x128xf32>
    %add3A_19 = arith.addf %dot_general3A_15, %get3A_18 : vector<1x128xf32>
    %get3A_20 = arith.constant 0 : index
    %get3A_21 = arith.constant 0 : index
    %get3A_22 = vector.load %arg1[%get3A_20, %get3A_21] : memref<2000x128xf32, #tpu.memory_space<vmem>>, vector<2000x128xf32>
    %get3A_23 = arith.constant 0 : index
    %get3A_24 = arith.constant 0 : index
    %get3A_25 = vector.load %arg4[%get3A_23, %get3A_24] : memref<288x128xf32, #tpu.memory_space<vmem>>, vector<128x128xf32>
    %dot_general3A_26 = arith.constant dense<0.000000e+00> : vector<2000x128xf32>
    %dot_general3A_27 = tpu.matmul %get3A_22, %get3A_25, %dot_general3A_26 {dimension_numbers = #tpu.dot_dimension_numbers<[1], [0], [0], [1], [0, 0, 1, 1], [], []>, transpose_lhs_hint = false} : vector<2000x128xf32>, vector<128x128xf32>, vector<2000x128xf32> -> vector<2000x128xf32>
    %get3A_28 = arith.constant 128 : index
    %get3A_29 = arith.constant 0 : index
    %get3A_30 = vector.load %arg4[%get3A_28, %get3A_29] : memref<288x128xf32, #tpu.memory_space<vmem>>, vector<128x128xf32>
    %dot_general3A_31 = arith.constant dense<0.000000e+00> : vector<2000x128xf32>
    %dot_general3A_32 = tpu.matmul %add3A, %get3A_30, %dot_general3A_31 {dimension_numbers = #tpu.dot_dimension_numbers<[1], [0], [0], [1], [0, 0, 1, 1], [], []>, transpose_lhs_hint = false} : vector<2000x128xf32>, vector<128x128xf32>, vector<2000x128xf32> -> vector<2000x128xf32>
    %add3A_33 = arith.addf %dot_general3A_27, %dot_general3A_32 : vector<2000x128xf32>
    %add3A_34 = vector.broadcast %add3A_19 : vector<1x128xf32> to vector<2000x128xf32>
    %add3A_35 = arith.addf %add3A_33, %add3A_34 : vector<2000x128xf32>
    %max3A = arith.constant 0.000000e+00 : f32
    %max3A_36 = vector.broadcast %max3A : f32 to vector<2000x128xf32>
    %max3A_37 = arith.maximumf %add3A_35, %max3A_36 : vector<2000x128xf32>
    %get3A_38 = arith.constant 0 : index
    %get3A_39 = arith.constant 0 : index
    %get3A_40 = vector.load %arg6[%get3A_38, %get3A_39] : memref<128x128xf32, #tpu.memory_space<vmem>>, vector<128x128xf32>
    %dot_general3A_41 = arith.constant dense<0.000000e+00> : vector<2000x128xf32>
    %dot_general3A_42 = tpu.matmul %max3A_37, %get3A_40, %dot_general3A_41 {dimension_numbers = #tpu.dot_dimension_numbers<[1], [0], [0], [1], [0, 0, 1, 1], [], []>, transpose_lhs_hint = false} : vector<2000x128xf32>, vector<128x128xf32>, vector<2000x128xf32> -> vector<2000x128xf32>
    %get3A_43 = arith.constant 0 : index
    %get3A_44 = arith.constant 0 : index
    %get3A_45 = vector.load %arg7[%get3A_43, %get3A_44] : memref<1x128xf32, #tpu.memory_space<vmem>>, vector<1x128xf32>
    %add3A_46 = vector.broadcast %get3A_45 : vector<1x128xf32> to vector<2000x128xf32>
    %add3A_47 = arith.addf %dot_general3A_42, %add3A_46 : vector<2000x128xf32>
    %swap3A = arith.constant 0 : index
    %swap3A_48 = arith.constant 0 : index
    %swap3A_49 = vector.load %arg12[%swap3A, %swap3A_48] : memref<2000x128xf32, #tpu.memory_space<vmem>>, vector<2000x128xf32>
    tpu.vector_store %arg12[%swap3A, %swap3A_48], %add3A_47 {strides = array<i32>} : memref<2000x128xf32, #tpu.memory_space<vmem>>, vector<2000x128xf32>,
    %eq3A = arith.constant 0 : i32
    %eq3A_50 = arith.cmpi eq, %arg0, %eq3A : i32
    %convert_element_type3A = arith.extui %eq3A_50 : i1 to i32
    %cond3A = arith.constant 0 : i32
    %cond3A_51 = arith.cmpi ne, %convert_element_type3A, %cond3A : i32
    scf.if %cond3A_51 {
      %broadcast_in_dim3A_75 = arith.constant 0.000000e+00 : f32
      %broadcast_in_dim3A_76 = vector.broadcast %broadcast_in_dim3A_75 : f32 to vector<1x128xf32>
      %swap3A_77 = arith.constant 0 : index
      %swap3A_78 = arith.constant 0 : index
      %swap3A_79 = vector.load %arg14[%swap3A_77, %swap3A_78] : memref<1x128xf32, #tpu.memory_space<vmem>>, vector<1x128xf32>
      tpu.vector_store %arg14[%swap3A_77, %swap3A_78], %broadcast_in_dim3A_76 {strides = array<i32>} : memref<1x128xf32, #tpu.memory_space<vmem>>, vector<1x128xf32>,
      %broadcast_in_dim3A_80 = arith.constant 0.000000e+00 : f32
      %broadcast_in_dim3A_81 = vector.broadcast %broadcast_in_dim3A_80 : f32 to vector<1x128xf32>
      %swap3A_82 = arith.constant 0 : index
      %swap3A_83 = arith.constant 0 : index
      %swap3A_84 = vector.load %arg15[%swap3A_82, %swap3A_83] : memref<1x128xf32, #tpu.memory_space<vmem>>, vector<1x128xf32>
      tpu.vector_store %arg15[%swap3A_82, %swap3A_83], %broadcast_in_dim3A_81 {strides = array<i32>} : memref<1x128xf32, #tpu.memory_space<vmem>>, vector<1x128xf32>,
    } else {
    }
    %get3A_52 = arith.constant 0 : index
    %get3A_53 = arith.constant 0 : index
    %get3A_54 = vector.load %arg14[%get3A_52, %get3A_53] : memref<1x128xf32, #tpu.memory_space<vmem>>, vector<1x128xf32>
    %reduce_sum3A = arith.constant dense<0.000000e+00> : vector<128xf32>
    %reduce_sum3A_55 = vector.multi_reduction <add>, %add3A_47, %reduce_sum3A [0] : vector<2000x128xf32> to vector<128xf32>
    %broadcast_in_dim3A = vector.shape_cast %reduce_sum3A_55 : vector<128xf32> to vector<1x128xf32>
    %add3A_56 = arith.addf %get3A_54, %broadcast_in_dim3A : vector<1x128xf32>
    %swap3A_57 = arith.constant 0 : index
    %swap3A_58 = arith.constant 0 : index
    %swap3A_59 = vector.load %arg14[%swap3A_57, %swap3A_58] : memref<1x128xf32, #tpu.memory_space<vmem>>, vector<1x128xf32>
    tpu.vector_store %arg14[%swap3A_57, %swap3A_58], %add3A_56 {strides = array<i32>} : memref<1x128xf32, #tpu.memory_space<vmem>>, vector<1x128xf32>,
    %get3A_60 = arith.constant 0 : index
    %get3A_61 = arith.constant 0 : index
    %get3A_62 = vector.load %arg15[%get3A_60, %get3A_61] : memref<1x128xf32, #tpu.memory_space<vmem>>, vector<1x128xf32>
    %reduce_sum3A_63 = arith.constant dense<0.000000e+00> : vector<128xf32>
    %reduce_sum3A_64 = vector.multi_reduction <add>, %add3A, %reduce_sum3A_63 [0] : vector<2000x128xf32> to vector<128xf32>
    %broadcast_in_dim3A_65 = vector.shape_cast %reduce_sum3A_64 : vector<128xf32> to vector<1x128xf32>
    %add3A_66 = arith.addf %get3A_62, %broadcast_in_dim3A_65 : vector<1x128xf32>
    %swap3A_67 = arith.constant 0 : index
    %swap3A_68 = arith.constant 0 : index
    %swap3A_69 = vector.load %arg15[%swap3A_67, %swap3A_68] : memref<1x128xf32, #tpu.memory_space<vmem>>, vector<1x128xf32>
    tpu.vector_store %arg15[%swap3A_67, %swap3A_68], %add3A_66 {strides = array<i32>} : memref<1x128xf32, #tpu.memory_space<vmem>>, vector<1x128xf32>,
    %eq3A_70 = arith.constant 4 : i32
    %eq3A_71 = arith.cmpi eq, %arg0, %eq3A_70 : i32
    %convert_element_type3A_72 = arith.extui %eq3A_71 : i1 to i32
    %cond3A_73 = arith.constant 0 : i32
    %cond3A_74 = arith.cmpi ne, %convert_element_type3A_72, %cond3A_73 : i32
    scf.if %cond3A_74 {
      %get3A_75 = arith.constant 0 : index
      %get3A_76 = arith.constant 0 : index
      %get3A_77 = vector.load %arg14[%get3A_75, %get3A_76] : memref<1x128xf32, #tpu.memory_space<vmem>>, vector<1x128xf32>
      %mul3A = arith.constant 9.99999974E-5 : f32
      %mul3A_78 = vector.broadcast %mul3A : f32 to vector<1x128xf32>
      %mul3A_79 = arith.mulf %get3A_77, %mul3A_78 : vector<1x128xf32>
      %get3A_80 = arith.constant 0 : index
      %get3A_81 = arith.constant 0 : index
      %get3A_82 = vector.load %arg8[%get3A_80, %get3A_81] : memref<288x128xf32, #tpu.memory_space<vmem>>, vector<128x128xf32>
      %dot_general3A_83 = arith.constant dense<0.000000e+00> : vector<1x128xf32>
      %dot_general3A_84 = tpu.matmul %mul3A_79, %get3A_82, %dot_general3A_83 {dimension_numbers = #tpu.dot_dimension_numbers<[1], [0], [0], [1], [0, 0, 1, 1], [], []>, transpose_lhs_hint = false} : vector<1x128xf32>, vector<128x128xf32>, vector<1x128xf32> -> vector<1x128xf32>
      %get3A_85 = arith.constant 0 : index
      %get3A_86 = arith.constant 0 : index
      %get3A_87 = vector.load %arg15[%get3A_85, %get3A_86] : memref<1x128xf32, #tpu.memory_space<vmem>>, vector<1x128xf32>
      %mul3A_88 = arith.constant 3.125000e-06 : f32
      %mul3A_89 = vector.broadcast %mul3A_88 : f32 to vector<1x128xf32>
      %mul3A_90 = arith.mulf %get3A_87, %mul3A_89 : vector<1x128xf32>
      %get3A_91 = arith.constant 128 : index
      %get3A_92 = arith.constant 0 : index
      %get3A_93 = vector.load %arg8[%get3A_91, %get3A_92] : memref<288x128xf32, #tpu.memory_space<vmem>>, vector<128x128xf32>
      %dot_general3A_94 = arith.constant dense<0.000000e+00> : vector<1x128xf32>
      %dot_general3A_95 = tpu.matmul %mul3A_90, %get3A_93, %dot_general3A_94 {dimension_numbers = #tpu.dot_dimension_numbers<[1], [0], [0], [1], [0, 0, 1, 1], [], []>, transpose_lhs_hint = false} : vector<1x128xf32>, vector<128x128xf32>, vector<1x128xf32> -> vector<1x128xf32>
      %add3A_96 = arith.addf %dot_general3A_84, %dot_general3A_95 : vector<1x128xf32>
      %get3A_97 = arith.constant 0 : index
      %get3A_98 = arith.constant 0 : index
      %get3A_99 = vector.load %arg3[%get3A_97, %get3A_98] : memref<1x32xf32, #tpu.memory_space<vmem>>, vector<1x32xf32>
      %get3A_100 = arith.constant 256 : index
      %get3A_101 = arith.constant 0 : index
      %get3A_102 = vector.load %arg8[%get3A_100, %get3A_101] : memref<288x128xf32, #tpu.memory_space<vmem>>, vector<32x128xf32>
      %dot_general3A_103 = arith.constant dense<0.000000e+00> : vector<1x128xf32>
      %dot_general3A_104 = tpu.matmul %get3A_99, %get3A_102, %dot_general3A_103 {dimension_numbers = #tpu.dot_dimension_numbers<[1], [0], [0], [1], [0, 0, 1, 1], [], []>, transpose_lhs_hint = false} : vector<1x32xf32>, vector<32x128xf32>, vector<1x128xf32> -> vector<1x128xf32>
      %add3A_105 = arith.addf %add3A_96, %dot_general3A_104 : vector<1x128xf32>
      %get3A_106 = arith.constant 0 : index
      %get3A_107 = arith.constant 0 : index
      %get3A_108 = vector.load %arg9[%get3A_106, %get3A_107] : memref<1x128xf32, #tpu.memory_space<vmem>>, vector<1x128xf32>
      %add3A_109 = arith.addf %add3A_105, %get3A_108 : vector<1x128xf32>
      %max3A_110 = arith.constant 0.000000e+00 : f32
      %max3A_111 = vector.broadcast %max3A_110 : f32 to vector<1x128xf32>
      %max3A_112 = arith.maximumf %add3A_109, %max3A_111 : vector<1x128xf32>
      %get3A_113 = arith.constant 0 : index
      %get3A_114 = arith.constant 0 : index
      %get3A_115 = vector.load %arg10[%get3A_113, %get3A_114] : memref<128x32xf32, #tpu.memory_space<vmem>>, vector<128x32xf32>
      %dot_general3A_116 = arith.constant dense<0.000000e+00> : vector<1x32xf32>
      %dot_general3A_117 = tpu.matmul %max3A_112, %get3A_115, %dot_general3A_116 {dimension_numbers = #tpu.dot_dimension_numbers<[1], [0], [0], [1], [0, 0, 1, 1], [], []>, transpose_lhs_hint = false} : vector<1x128xf32>, vector<128x32xf32>, vector<1x32xf32> -> vector<1x32xf32>
      %get3A_118 = arith.constant 0 : index
      %get3A_119 = arith.constant 0 : index
      %get3A_120 = vector.load %arg11[%get3A_118, %get3A_119] : memref<1x32xf32, #tpu.memory_space<vmem>>, vector<1x32xf32>
      %add3A_121 = arith.addf %dot_general3A_117, %get3A_120 : vector<1x32xf32>
      %swap3A_122 = arith.constant 0 : index
      %swap3A_123 = arith.constant 0 : index
      %swap3A_124 = vector.load %arg13[%swap3A_122, %swap3A_123] : memref<1x32xf32, #tpu.memory_space<vmem>>, vector<1x32xf32>
      tpu.vector_store %arg13[%swap3A_122, %swap3A_123], %add3A_121 {strides = array<i32>} : memref<1x32xf32, #tpu.memory_space<vmem>>, vector<1x32xf32>,
    } else {
    }
    return
  }
  func.func @transform_0(%arg0: i32) -> (i32, i32) {
    %c0_i32 = arith.constant 0 : i32
    %c0_i32_0 = arith.constant 0 : i32
    return %arg0, %c0_i32 : i32, i32
  }
  func.func @transform_1(%arg0: i32) -> (i32, i32, i32) {
    %c0_i32 = arith.constant 0 : i32
    %c0_i32_0 = arith.constant 0 : i32
    %c0_i32_1 = arith.constant 0 : i32
    return %c0_i32, %arg0, %c0_i32_0 : i32, i32, i32
  }
  func.func @transform_2(%arg0: i32) -> (i32, i32) {
    %c0_i32 = arith.constant 0 : i32
    %c0_i32_0 = arith.constant 0 : i32
    %c0_i32_1 = arith.constant 0 : i32
    return %c0_i32, %c0_i32_0 : i32, i32
  }
  func.func @transform_3(%arg0: i32) -> (i32, i32) {
    %c0_i32 = arith.constant 0 : i32
    %c0_i32_0 = arith.constant 0 : i32
    %c0_i32_1 = arith.constant 0 : i32
    return %c0_i32, %c0_i32_0 : i32, i32
  }
  func.func @transform_4(%arg0: i32) -> (i32, i32) {
    %c0_i32 = arith.constant 0 : i32
    %c0_i32_0 = arith.constant 0 : i32
    %c0_i32_1 = arith.constant 0 : i32
    return %c0_i32, %c0_i32_0 : i32, i32
  }
  func.func @transform_5(%arg0: i32) -> (i32, i32) {
    %c0_i32 = arith.constant 0 : i32
    %c0_i32_0 = arith.constant 0 : i32
    %c0_i32_1 = arith.constant 0 : i32
    return %c0_i32, %c0_i32_0 : i32, i32
  }
  func.func @transform_6(%arg0: i32) -> (i32, i32) {
    %c0_i32 = arith.constant 0 : i32
    %c0_i32_0 = arith.constant 0 : i32
    %c0_i32_1 = arith.constant 0 : i32
    return %c0_i32, %c0_i32_0 : i32, i32
  }
  func.func @transform_7(%arg0: i32) -> (i32, i32) {
    %c0_i32 = arith.constant 0 : i32
    %c0_i32_0 = arith.constant 0 : i32
    %c0_i32_1 = arith.constant 0 : i32
    return %c0_i32, %c0_i32_0 : i32, i32
  }
  func.func @transform_8(%arg0: i32) -> (i32, i32) {
    %c0_i32 = arith.constant 0 : i32
    %c0_i32_0 = arith.constant 0 : i32
    %c0_i32_1 = arith.constant 0 : i32
    return %c0_i32, %c0_i32_0 : i32, i32
  }
  func.func @transform_9(%arg0: i32) -> (i32, i32) {
    %c0_i32 = arith.constant 0 : i32
    %c0_i32_0 = arith.constant 0 : i32
    %c0_i32_1 = arith.constant 0 : i32
    return %c0_i32, %c0_i32_0 : i32, i32
  }
  func.func @transform_10(%arg0: i32) -> (i32, i32) {
    %c0_i32 = arith.constant 0 : i32
    %c0_i32_0 = arith.constant 0 : i32
    %c0_i32_1 = arith.constant 0 : i32
    return %c0_i32, %c0_i32_0 : i32, i32
  }
  func.func @transform_11(%arg0: i32) -> (i32, i32) {
    %c0_i32 = arith.constant 0 : i32
    %c0_i32_0 = arith.constant 0 : i32
    return %arg0, %c0_i32 : i32, i32
  }
  func.func @transform_12(%arg0: i32) -> (i32, i32) {
    %c0_i32 = arith.constant 0 : i32
    %c0_i32_0 = arith.constant 0 : i32
    %c0_i32_1 = arith.constant 0 : i32
    return %c0_i32, %c0_i32_0 : i32, i32
  }
  func.func @transform_13(%arg0: i32) -> (i32, i32) {
    %c0_i32 = arith.constant 0 : i32
    %c0_i32_0 = arith.constant 0 : i32
    %c0_i32_1 = arith.constant 0 : i32
    return %c0_i32, %c0_i32_0 : i32, i32
  }
  func.func @transform_14(%arg0: i32) -> (i32, i32) {
    %c0_i32 = arith.constant 0 : i32
    %c0_i32_0 = arith.constant 0 : i32
    %c0_i32_1 = arith.constant 0 : i32
    return %c0_i32, %c0_i32_0 : i32, i32
  }
}

</mosaic_0001>

<sc_bundles>
// kernel: kernel.10.cloned.1.call-start
scs
__scs_entry_jumppad:
0x0: {  	(pc) =	sbr.rel $0x88, $3  }
0x1: {  	(tag) =	ssettag $0x0;
	lr =	simm.s32 $0x1  }
0x2: {  	[smem:$0x3F91] =	sst lr;
	_ =	strace $0xD0000000  }
0x3: {  	_ = 	snop  }
0x4: {  	_ = 	snop  }
0x5: {  	_ = 	snop  }
0x6: {  	_ = 	snop  }
0x7: {  	_ = 	snop  }
__scs_overlays_trampoline_lowered:
0x8: {  	[smem:$0x3FA0] =	sst s0  }
0x9: {  	[smem:$0x3FA1] =	sst s1  }
0xa: {  	[smem:$0x3FA2] =	sst s2  }
0xb: {  	[smem:$0x3FA3] =	sst s3  }
0xc: {  	[smem:$0x3FA4] =	sst s4  }
0xd: {  	[smem:$0x3FA5] =	sst s5  }
0xe: {  	[smem:$0x3FA6] =	sst s6  }
0xf: {  	[smem:$0x3FA7] =	sst s7  }
0x10: {  	[smem:$0x3FA8] =	sst s8  }
0x11: {  	[smem:$0x3FA9] =	sst s9;
	s0 =	simm.s32 @!p0 $0x0  }
0x12: {  	s1 =	sld [smem:$0x3F8F];
	s0 =	simm.s32 @p0 $0x1  }
0x13: {  	[smem:$0x3FAA] =	sst s0;
	s0 =	simm.s32 @!p1 $0x0  }
0x14: {  	s2 =	sld [smem:$0x3F8E];
	s0 =	simm.s32 @p1 $0x1  }
0x15: {  	[smem:$0x3FAB] =	sst s0;
	s0 =	simm.s32 @!p2 $0x0  }
0x16: {  	s3 =	sld [smem:$0x3FDB];
	s0 =	simm.s32 @p2 $0x1  }
0x17: {  	s4 =	simm.s32 $0x1BF5;
	[smem:$0x3FAD] =	sst s0  }
0x18: {  	s0 =	sld [smem:$0x3F90];
	_ =	swait.ge [sflag:s4], $0x0  }
0x19: {  	s7 =	sld [smem:$0x3F91]  }
0x1a: {  	s8 =	sadd.s32 $0xFFFFE003, lr  }
0x1b: {  	s9 =	sadd.s32 $0xFFFFFEF7, lr;
	s5 =	simm.s32 $0xFFFFFFFF;
	p2 =	slt.u32 s8, $0xFFFFF086  }
0x1c: {  	p1 =	slt.u32 s9, $0xF7A;
	s5 =	simm.s32 @!p2 $0x0  }
0x1d: {  	s5 =	simm.s32 @p1 $0x1;
	p0 =	seq.s32 s7, s2  }
0x1e: {  	s7 =	smul.u32 @!p0 $0xF7A, s2;
	p2 =	seq.s32 @!p0 s5, $0x0  }
0x1f: {  	s9 =	smul.u32 $0xF7A, s1;
	s8 =	simm.s32 @!p0 $0x1BF5;
	p2 =	por !p2, p0  }
0x20: {  	[sflag:s8] =	ssyncset.s32 @!p0 $0xFFFFF086;
	s6 =	sadd.s32 @!p0 s3, s7;
	s7 =	simm.s32 @!p0 $0x108  }
0x21: {  	s3 =	sadd.s32 s3, s9;
	s6 =	sadd.s32 @!p0 $0x88, s6;
	s7 =	simm.s32 @p2 $0x1082  }
0x22: {  	[simem:s7], [sflag:s8] =	dma.local @!p0 [hbm:s6], $0xF7A  }
0x23: {  	s9 =	sor.u32 $0xD0000000, s2;
	s6 =	simm.s32 $0x108;
	_ =	swait.ge @!p0 [sflag:s8], $0x0  }
0x24: {  	s3 =	sadd.s32 $0x88, s3;
	s6 =	simm.s32 @!p1 $0x1082;
	[sflag:s4] =	ssyncset.s32 $0xFFFFF086  }
0x25: {  	[simem:s6], [sflag:s4] =	dma.local [hbm:s3], $0xF7A  }
0x26: {  	[smem:$0x3F91] =	sst s1;
	(tag) =	ssettag s2;
	_ =	strace s9  }
0x27: {  	s1 =	sld [smem:$0x3FA1]  }
0x28: {  	s2 =	sld [smem:$0x3FA2]  }
0x29: {  	s4 =	sld [smem:$0x3FA4]  }
0x2a: {  	p0 =	seq.s32 s5, $0x0;
	s5 =	sld [smem:$0x3FA5]  }
0x2b: {  	s6 =	sld [smem:$0x3FA6]  }
0x2c: {  	s7 =	sld [smem:$0x3FA7]  }
0x2d: {  	s3 =	simm.s32 $0x108;
	s8 =	sld [smem:$0x3FA8]  }
0x2e: {  	s3 =	simm.s32 @!p0 $0x1082;
	s9 =	sld [smem:$0x3FA9]  }
0x2f: {  	lr =	sadd.s32 s0, s3;
	s0 =	sld [smem:$0x3FA0]  }
0x30: {  	s3 =	sld [smem:$0x3FA3]  }
0x31: {  	[smem:$0x3FAC] =	sst s10  }
0x32: {  	s10 =	sld [smem:$0x3FAA];
	_ =	sdelay $0x3  }
0x33: {  	p0 =	seq.s32 s10, $0x1;
	s10 =	sld [smem:$0x3FAC];
	_ =	sdelay $0x3  }
0x34: {  	[smem:$0x3FAC] =	sst s10  }
0x35: {  	s10 =	sld [smem:$0x3FAB];
	_ =	sdelay $0x3  }
0x36: {  	p1 =	seq.s32 s10, $0x1;
	s10 =	sld [smem:$0x3FAC];
	_ =	sdelay $0x3  }
0x37: {  	[smem:$0x3FAC] =	sst s10  }
0x38: {  	s10 =	sld [smem:$0x3FAD]  }
0x39: {  	_ = 	snop;
	(pc) =	sbr.ind lr, $3  }
0x3a: {  	_ = 	snop  }
0x3b: {  	_ = 	snop  }
0x3c: {  	p2 =	seq.s32 s10, $0x1;
	s10 =	sld [smem:$0x3FAC]  }
0x3d: {  	_ =	shalt  }
0x3e: {  	_ =	shalt  }
0x3f: {  	_ =	shalt  }
0x40: {  	_ =	shalt  }
0x41: {  	_ =	shalt  }
0x42: {  	_ =	shalt  }
0x43: {  	_ =	shalt  }
0x44: {  	_ =	shalt  }
0x45: {  	_ =	shalt  }
0x46: {  	_ =	shalt  }
0x47: {  	_ =	shalt  }
0x48: {  	_ =	shalt  }
0x49: {  	_ =	shalt  }
0x4a: {  	_ =	shalt  }
0x4b: {  	_ =	shalt  }
0x4c: {  	_ =	shalt  }
0x4d: {  	_ =	shalt  }
0x4e: {  	_ =	shalt  }
0x4f: {  	_ =	shalt  }
0x50: {  	_ =	shalt  }
0x51: {  	_ =	shalt  }
0x52: {  	_ =	shalt  }
0x53: {  	_ =	shalt  }
0x54: {  	_ =	shalt  }
0x55: {  	_ =	shalt  }
0x56: {  	_ =	shalt  }
0x57: {  	_ =	shalt  }
0x58: {  	_ =	shalt  }
0x59: {  	_ =	shalt  }
0x5a: {  	_ =	shalt  }
0x5b: {  	_ =	shalt  }
0x5c: {  	_ =	shalt  }
0x5d: {  	_ =	shalt  }
0x5e: {  	_ =	shalt  }
0x5f: {  	_ =	shalt  }
0x60: {  	_ =	shalt  }
0x61: {  	_ =	shalt  }
0x62: {  	_ =	shalt  }
0x63: {  	_ =	shalt  }
0x64: {  	_ =	shalt  }
0x65: {  	_ =	shalt  }
0x66: {  	_ =	shalt  }
0x67: {  	_ =	shalt  }
0x68: {  	_ =	shalt  }
0x69: {  	_ =	shalt  }
0x6a: {  	_ =	shalt  }
0x6b: {  	_ =	shalt  }
0x6c: {  	_ =	shalt  }
0x6d: {  	_ =	shalt  }
0x6e: {  	_ =	shalt  }
0x6f: {  	_ =	shalt  }
0x70: {  	_ =	shalt  }
0x71: {  	_ =	shalt  }
0x72: {  	_ =	shalt  }
0x73: {  	_ =	shalt  }
0x74: {  	_ =	shalt  }
0x75: {  	_ =	shalt  }
0x76: {  	_ =	shalt  }
0x77: {  	_ =	shalt  }
0x78: {  	_ =	shalt  }
0x79: {  	_ =	shalt  }
0x7a: {  	_ =	shalt  }
0x7b: {  	_ =	shalt  }
0x7c: {  	_ =	shalt  }
0x7d: {  	_ =	shalt  }
0x7e: {  	_ =	shalt  }
0x7f: {  	_ =	shalt  }
0x80: {  	_ =	shalt  }
0x81: {  	_ =	shalt  }
0x82: {  	_ =	shalt  }
0x83: {  	_ =	shalt  }
0x84: {  	_ =	shalt  }
0x85: {  	_ =	shalt  }
0x86: {  	_ =	shalt  }
0x87: {  	_ =	shalt  }
.Lfunc_end0:
.L_simem_size_0:
called_computation.1_lowered:
.L_overlay_start_0:
0x88: {  	s2 =	sld [smem:$0x3FD9]  }
0x89: {  	s3 =	sld [smem:$0x3FFE];
	_ =	sdelay $0x1  }
0x8a: {  	s1 =	srdreg.scid  }
0x8b: {  	s0 =	sand.u32 $0x1, s1  }
0x8c: {  	s14 =	sshll.u32 s0, $0xA;
	s2 =	sadd.s32 s3, s2  }
0x8d: {  	s2 =	sadd.s32 s2, s14  }
0x8e: {  	[smem:$0x3FB8] =	sst s2  }
0x8f: {  	_ = 	snop  }
0x90: {  	s2 =	sld [smem:$0x3FD0];
	_ =	sdelay $0x2  }
0x91: {  	s15 =	simm.s32 $0xA;
	s4 =	simm.s32 $0x10  }
0x92: {  	[smem:s4], [sflag:s15] =	dma.local [hbm:s2], $0x1  }
0x93: {  	_ =	swait.eq [sflag:s15], $0x1  }
0x94: {  	[sflag:s15] =	ssyncset.done $0x0  }
0x95: {  	[sflag:s15] =	ssyncadd.s32 $0xFFFFFFFF  }
0x96: {  	s16 =	sld [smem:$0x11];
	(tm) =	ssettm $0x1  }
0x97: {  	s17 =	sld [smem:$0x3FFB];
	_ =	sdelay $0x3  }
0x98: {  	_ =	strace s17  }
0x99: {  	s3 =	sld [smem:$0x3FFC];
	_ =	sdelay $0x3  }
0x9a: {  	_ =	strace s3  }
0x9b: {  	s3 =	sld [smem:$0x3FFD];
	_ =	sdelay $0x3  }
0x9c: {  	_ =	strace s3  }
0x9d: {  	_ =	strace $0x8FFFFFFF  }
0x9e: {  	s18 =	sld [smem:$0x3FDB];
	_ =	sdelay $0x1  }
0x9f: {  	s19 =	simm.s32 $_scs_section_size  }
0xa0: {  	s5 =	simm.s32 $_size__tile_overlayer_lowered;
	s6 =	simm.s32 $_tile_overlayer_lowered  }
0xa1: {  	s22 =	simm.s32 $0x1BFF;
	s21 =	sshll.u32 s6, $0x1;
	s3 =	sadd.s32 s19, s18  }
0xa2: {  	s7 =	simm.s32 $0x0;
	s20 =	sshll.u32 s5, $0x1;
	s5 =	sadd.s32 s21, s3  }
0xa3: {  	[timem:s7], [sflag:s22] =	dma.local [hbm:s5], s20  }
0xa4: {  	_ =	swait.ge [sflag:s22], s20  }
0xa5: {  	s4 =	ssub.s32 $0x0, s20;
	[sflag:s22] =	ssyncset.done $0x0  }
0xa6: {  	[sflag:s22] =	ssyncadd.s32 s4;
	_ =	sdelay $0x1  }
0xa7: {  	s23 =	simm.s32 $0x1B8B  }
0xa8: {  	_ =	swait.ge [sflag:s23], $0x1  }
0xa9: {  	[sflag:s23] =	ssyncset.done $0x0  }
0xaa: {  	s25 =	simm.s32 $0x1B8E;
	s24 =	sld [smem:$0x3FFE];
	[sflag:s23] =	ssyncadd.s32 $0xFFFFFFFF  }
0xab: {  	s26 =	simm.s32 $execute0_lowered;
	[smem:$0x3FD2] =	sst s25  }
0xac: {  	s5 =	sshll.u32 s26, $0x1;
	_ =	strace $0x80000049;
	[dreg:$0x1] =	wrdreg $0xFFFFFFFF  }
0xad: {  	s28 =	simm.s32 $_size_execute0_lowered;
	s3 =	sadd.s32 s3, s5;
	[dreg:$0x0] =	wrdreg $0x0  }
0xae: {  	s5 =	sshll.u32 s28, $0x1;
	[dreg:$0x2] =	wrdreg s3  }
0xaf: {  	[dreg:$0x3] =	wrdreg s5  }
0xb0: {  	[dreg:$0x4] =	wrdreg $0xC0  }
0xb1: {  	_ =	task [dreg:s7], $0x5FFFF  }
0xb2: {  	[dreg:$0x1] =	wrdreg $0xFFFFFFFF  }
0xb3: {  	[dreg:$0x0] =	wrdreg $0x60  }
0xb4: {  	[dreg:$0x2] =	wrdreg s24  }
0xb5: {  	[dreg:$0x3] =	wrdreg s16  }
0xb6: {  	[dreg:$0x4] =	wrdreg $0x81000  }
0xb7: {  	[dreg:$0x5] =	wrdreg $0x9  }
0xb8: {  	_ =	task.clear_ibuf [dreg:s7], $0x6FFFF;
	_ =	strace $0x90000049  }
0xb9: {  	s29 =	simm.s32 $0x9;
	_ =	strace $0x8000004B  }
0xba: {  	_ =	swait.ge [sflag:s29], $0x1  }
0xbb: {  	[sflag:s29] =	ssyncadd.s32 $0xFFFFFFFF  }
0xbc: {  	_ =	strace $0x9000004B  }
0xbd: {  	_ =	sfence  }
0xbe: {  	s30 =	sld [smem:$0x0];
	_ =	sdelay $0x2  }
0xbf: {  	s31 =	sshll.u32 s1, $0xD;
	s1 =	sshrl.u32 s1, $0x2  }
0xc0: {  	s3 =	sand.u32 $0x4000, s31;
	s1 =	sadd.s32 s1, s30  }
0xc1: {  	s0 =	sor.u32 s3, s0;
	s1 =	sshll.u32 s1, $0x11  }
0xc2: {  	s0 =	sor.u32 s1, s0  }
0xc3: {  	s0 =	sadd.s32 $0x8F2B, s0  }
0xc4: {  	[sflag:s0] =	ssyncadd.remote.s32 $0x1  }
0xc5: {  	_ =	sfence.sel $0xFFFF  }
0xc6: {  	[dreg:$0x0] =	wrdreg $0xFFFFFFFF;
	(pc) =	sbr.abs _section_cstart, $3  }
0xc7: {  	[dreg:$0x1] =	wrdreg $0xFFFFFFFF  }
0xc8: {  	_ =	task.clear_ibuf [dreg:s7], $0x2FFFF;
	_ =	strace $0x9FFFFFFF  }
0xc9: {  	(tm) =	ssettm $0x7FFFFFFF  }
tec
execute0_lowered:
.L_overlay_start_1:
0x0: {  	(tag) =	ssettag $0x1  }
0x1: {  	s4 =	rddreg [dreg:$0x0]  }
0x2: {  	s13 =	rddreg [dreg:$0x1]  }
0x3: {  	s2 =	rddreg [dreg:$0x2]  }
0x4: {  	s0 =	rddreg [dreg:$0x3]  }
0x5: {  	s1 =	stileid.u32;
	s5 =	srdreg.scid;
	s3 =	simm.s32 $0x0  }
0x6: {  	s20 =	simm.s32 $0x4100;
	s6 =	smul.u32 $0x13C00, s1;
	s14 =	sand.u32 $0x1, s5  }
0x7: {  	[smem:$0x7FF] =	sst s3;
	s15 =	sadd.s32 $0x3200, s4;
	s21 =	smul.u32 $0x4F000, s1  }
0x8: {  	s22 =	sshll.u32 s1, $0x6;
	s30 =	sshll.u32 s1, $0xB;
	s5 =	smul.u32 $0x13C000, s14  }
0x9: {  	s31 =	sshll.u32 s1, $0x4;
	p1 =	sgt.u32 s1, $0x1;
	s10 =	smul.u32 $0x4E2, s14  }
0xa: {  	_ =	strace $0x8000004A;
	s8 =	ssub.s32 $0x2, s14;
	s19 =	smul.u32 $0x271000, s14  }
0xb: {  	s14 =	smul.u32 $0x4E20, s14;
	s7 =	sshrl.u32 s6, $0x3;
	s9 =	sshrl.u32 s8, $0x1  }
0xc: {  	s5 =	sadd.s32 s6, s5;
	s7 =	sadd.s32 s7, s4;
	s6 =	sshrl.u32 s21, $0x2  }
0xd: {  	s12 =	ssub.s32 s8, s9;
	s23 =	sadd.s32 s1, s10;
	s29 =	sadd.s32 s19, s13  }
0xe: {  	s14 =	sadd.s32 s14, s15;
	s19 =	simm.s32 $0x80;
	s21 =	simm.s32 $0x1  }
0xf: {  	s5 =	sshrl.u32 s5, $0x3;
	s16 =	sadd.s32 s6, s2;
	s24 =	sshll.u32 s23, $0x4  }
0x10: {  	s25 =	sshll.u32 s23, $0xB;
	s8 =	sadd.s32 $0x10, s23;
	s14 =	sadd.s32 s31, s14  }
0x11: {  	s23 =	simm.s32 $0x2;
	s11 =	sadd.s32 s5, s4;
	s4 =	sadd.s32 $0xD000, s7  }
0x12: {  	s5 =	sor.u32 $0x1C05, s22;
	s6 =	sadd.s32 s15, s24;
	s7 =	sadd.s32 s13, s25  }
0x13: {  	s26 =	sshll.u32 s8, $0x4;
	s17 =	sshll.u32 s8, $0xB;
	s25 =	sor.u32 $0x4E0, s1  }
0x14: {  	s16 =	sshrl.u32 s16, $0x3;
	s22 =	simm.s32 $0x3;
	s24 =	simm.s32 $0x4  }
0x15: {  	s8 =	sadd.s32 s15, s26;
	s9 =	sadd.s32 s13, s17;
	s28 =	sadd.s32 s10, s25  }
0x16: {  	s10 =	sadd.s32 $0x34800, s11;
	s11 =	smax.u32 s12, $0x1;
	p0 =	sgt.u32 s25, $0x4E1  }
0x17: {  	s25 =	simm.s32 $0x0;
	s18 =	sshll.u32 s28, $0x4;
	s17 =	sshll.u32 s28, $0xB  }
0x18: {  	s12 =	sadd.s32 s15, s18;
	s18 =	sadd.s32 s30, s29;
	s13 =	sadd.s32 s13, s17  }
0x19: {  	s17 =	simm.s32 $0x5;
	s15 =	sadd.s32 $0x18000, s18;
	s18 =	simm.s32 $0x100  }
.LBB2_1:
0x1a: {  	[spmem:s16], [sflag:s5] =	dma.local [hbm:s4], $0x2780  }
0x1b: {  	_ =	swait.ge [sflag:s17], $0x2780  }
0x1c: {  	[sflag:s17] =	ssyncset.done $0x0  }
0x1d: {  	[sflag:s17] =	ssyncadd.s32 $0xFFFFD880  }
0x1e: {  	[bflag:$0x0] =	sbarrier.arrive $0xFFFF  }
0x1f: {  	[tilespmem:s3], [sflag:$0x1] =	stream.linear.gather [hbm4b:s6+s3], $0x80, $0x38;
	[tilespmem:$0x1BD00] =	vst v63  }
0x20: {  	_ = 	snop  }
0x21: {  	[tilespmem:s18], [sflag:$0x3] =	stream.linear.gather [hbm4b:s7+s3], $0x4000, $0x38;
	[tilespmem:$0x1BD00] =	vst v63  }
0x22: {  	_ = 	snop  }
0x23: {  	[tilespmem:s19], [sflag:$0x2] =	stream.linear.gather [hbm4b:s8+s3], $0x80, $0x38;
	[tilespmem:$0x1BD00] =	vst v63  }
0x24: {  	_ = 	snop  }
0x25: {  	[tilespmem:s20], [sflag:$0x4] =	stream.linear.gather [hbm4b:s9+s3], $0x4000, $0x38;
	[tilespmem:$0x1BD00] =	vst v63  }
0x26: {  	_ =	swait.ge [sflag:s21], $0x80  }
0x27: {  	[sflag:s21] =	ssyncset.done $0x0  }
0x28: {  	[sflag:s21] =	ssyncadd.s32 $0xFFFFFF80  }
0x29: {  	_ =	swait.ge [sflag:s22], $0x4000  }
0x2a: {  	[sflag:s22] =	ssyncset.done $0x0  }
0x2b: {  	[sflag:s22] =	ssyncadd.s32 $0xFFFFC000  }
0x2c: {  	[spmem:s2] =	stream.indirect.scatter.add.f32 [tilespmem:s18], [sflag:$0x5], $0x80, s3, s19, $0xb8;
	[tilespmem:$0x1BD00] =	vst v63  }
0x2d: {  	_ =	swait.ge [sflag:s17], $0x4000  }
0x2e: {  	s26 =	sadd.s32 $0x0, s14;
	[sflag:s17] =	ssyncset.done $0x0  }
0x2f: {  	s28 =	sadd.s32 $0x200, s26;
	[sflag:s17] =	ssyncadd.s32 $0xFFFFC000  }
0x30: {  	[tilespmem:s3], [sflag:$0x1] =	stream.linear.gather [hbm4b:s28+s3], $0x80, $0x38;
	[tilespmem:$0x1BD00] =	vst v63  }
0x31: {  	s28 =	sadd.s32 $0xFFFF8000, s15  }
0x32: {  	[tilespmem:s18], [sflag:$0x3] =	stream.linear.gather [hbm4b:s28+s3], $0x4000, $0x38;
	[tilespmem:$0x1BD00] =	vst v63  }
0x33: {  	_ =	swait.ge [sflag:s23], $0x80  }
0x34: {  	[sflag:s23] =	ssyncset.done $0x0  }
0x35: {  	[sflag:s23] =	ssyncadd.s32 $0xFFFFFF80  }
0x36: {  	_ =	swait.ge [sflag:s24], $0x4000  }
0x37: {  	[sflag:s24] =	ssyncset.done $0x0  }
0x38: {  	[sflag:s24] =	ssyncadd.s32 $0xFFFFC000  }
0x39: {  	[spmem:s2] =	stream.indirect.scatter.add.f32 [tilespmem:s20], [sflag:$0x5], $0x80, s19, s19, $0xb8;
	[tilespmem:$0x1BD00] =	vst v63  }
0x3a: {  	_ =	swait.ge [sflag:s17], $0x4000  }
0x3b: {  	[sflag:s17] =	ssyncset.done $0x0  }
0x3c: {  	s26 =	sadd.s32 $0x300, s26;
	[sflag:s17] =	ssyncadd.s32 $0xFFFFC000  }
0x3d: {  	[tilespmem:s19], [sflag:$0x2] =	stream.linear.gather [hbm4b:s26+s3], $0x80, $0x38;
	[tilespmem:$0x1BD00] =	vst v63  }
0x3e: {  	s29 =	smov.u32 s15;
	s28 =	sadd.s32 $0x10000, s15;
	s26 =	simm.s32 $0x200  }
.LBB2_2:
0x3f: {  	[tilespmem:s20], [sflag:$0x4] =	stream.linear.gather [hbm4b:s29+s3], $0x4000, $0x38;
	[tilespmem:$0x1BD00] =	vst v63  }
0x40: {  	s30 =	smov.u32 s26;
	s29 =	smov.u32 s28  }
0x41: {  	p2 =	sne.s32 s26, $0x4A00;
	s26 =	sadd.s32 $0x200, s26;
	_ =	swait.ge [sflag:s21], $0x80  }
0x42: {  	[sflag:s21] =	ssyncset.done $0x0  }
0x43: {  	[sflag:s21] =	ssyncadd.s32 $0xFFFFFF80  }
0x44: {  	_ =	swait.ge [sflag:s22], $0x4000  }
0x45: {  	[sflag:s22] =	ssyncset.done $0x0  }
0x46: {  	[sflag:s22] =	ssyncadd.s32 $0xFFFFC000  }
0x47: {  	[spmem:s2] =	stream.indirect.scatter.add.f32 [tilespmem:s18], [sflag:$0x5], $0x80, s3, s19, $0xb8;
	[tilespmem:$0x1BD00] =	vst v63  }
0x48: {  	_ =	swait.ge [sflag:s17], $0x4000  }
0x49: {  	s30 =	sadd.s32 s30, s14;
	[sflag:s17] =	ssyncset.done $0x0  }
0x4a: {  	s31 =	sadd.s32 $0x200, s30;
	[sflag:s17] =	ssyncadd.s32 $0xFFFFC000  }
0x4b: {  	[tilespmem:s3], [sflag:$0x1] =	stream.linear.gather [hbm4b:s31+s3], $0x80, $0x38;
	[tilespmem:$0x1BD00] =	vst v63  }
0x4c: {  	s31 =	sadd.s32 $0xFFFF8000, s28  }
0x4d: {  	[tilespmem:s18], [sflag:$0x3] =	stream.linear.gather [hbm4b:s31+s3], $0x4000, $0x38;
	[tilespmem:$0x1BD00] =	vst v63  }
0x4e: {  	_ =	swait.ge [sflag:s23], $0x80  }
0x4f: {  	[sflag:s23] =	ssyncset.done $0x0  }
0x50: {  	[sflag:s23] =	ssyncadd.s32 $0xFFFFFF80  }
0x51: {  	_ =	swait.ge [sflag:s24], $0x4000  }
0x52: {  	[sflag:s24] =	ssyncset.done $0x0  }
0x53: {  	[sflag:s24] =	ssyncadd.s32 $0xFFFFC000  }
0x54: {  	[spmem:s2] =	stream.indirect.scatter.add.f32 [tilespmem:s20], [sflag:$0x5], $0x80, s19, s19, $0xb8;
	[tilespmem:$0x1BD00] =	vst v63  }
.Ltmp0:
0x55: {  	_ =	swait.ge [sflag:s17], $0x4000;
	(pc) =	sbr.rel @p2 .LBB2_2-.Ltmp0, $4  }
0x56: {  	[sflag:s17] =	ssyncset.done $0x0  }
0x57: {  	s30 =	sadd.s32 $0x300, s30;
	[sflag:s17] =	ssyncadd.s32 $0xFFFFC000  }
0x58: {  	[tilespmem:s19], [sflag:$0x2] =	stream.linear.gather [hbm4b:s30+s3], $0x80, $0x38;
	[tilespmem:$0x1BD00] =	vst v63  }
0x59: {  	s28 =	sadd.s32 $0x10000, s28  }
0x5a: {  	[tilespmem:s20], [sflag:$0x4] =	stream.linear.gather [hbm4b:s29+s3], $0x4000, $0x38;
	[tilespmem:$0x1BD00] =	vst v63  }
0x5b: {  	_ =	swait.ge [sflag:s21], $0x80  }
0x5c: {  	[sflag:s21] =	ssyncset.done $0x0  }
0x5d: {  	[sflag:s21] =	ssyncadd.s32 $0xFFFFFF80  }
0x5e: {  	_ =	swait.ge [sflag:s22], $0x4000  }
0x5f: {  	[sflag:s22] =	ssyncset.done $0x0  }
0x60: {  	[sflag:s22] =	ssyncadd.s32 $0xFFFFC000  }
0x61: {  	[spmem:s2] =	stream.indirect.scatter.add.f32 [tilespmem:s18], [sflag:$0x5], $0x80, s3, s19, $0xb8;
	[tilespmem:$0x1BD00] =	vst v63  }
0x62: {  	_ =	swait.ge [sflag:s17], $0x4000  }
0x63: {  	[sflag:s17] =	ssyncset.done $0x0  }
0x64: {  	s26 =	simm.s32 @!p0 $0x0;
	[sflag:s17] =	ssyncadd.s32 $0xFFFFC000  }
0x65: {  	[tilespmem:s26], [sflag:$0x1] =	stream.linear.gather @!p0 [hbm4b:s12+s26], $0x80, $0x38;
	[tilespmem:$0x1BD00] =	vst v63  }
0x66: {  	s28 =	simm.s32 @!p0 $0x100  }
0x67: {  	[tilespmem:s28], [sflag:$0x3] =	stream.linear.gather @!p0 [hbm4b:s13+s26], $0x4000, $0x38;
	[tilespmem:$0x1BD00] =	vst v63  }
0x68: {  	_ =	swait.ge [sflag:s23], $0x80  }
0x69: {  	[sflag:s23] =	ssyncset.done $0x0  }
0x6a: {  	[sflag:s23] =	ssyncadd.s32 $0xFFFFFF80  }
0x6b: {  	_ =	swait.ge [sflag:s24], $0x4000  }
0x6c: {  	[sflag:s24] =	ssyncset.done $0x0  }
0x6d: {  	[sflag:s24] =	ssyncadd.s32 $0xFFFFC000  }
0x6e: {  	[spmem:s2] =	stream.indirect.scatter.add.f32 [tilespmem:s20], [sflag:$0x5], $0x80, s19, s19, $0xb8;
	[tilespmem:$0x1BD00] =	vst v63  }
0x6f: {  	_ =	swait.ge [sflag:s17], $0x4000  }
0x70: {  	[sflag:s17] =	ssyncset.done $0x0  }
0x71: {  	s26 =	simm.s32 @!p1 $0x1;
	[sflag:s17] =	ssyncadd.s32 $0xFFFFC000  }
0x72: {  	_ =	swait.ge @!p1 [sflag:s26], $0x80  }
0x73: {  	[sflag:s26] =	ssyncset.done @!p1 $0x0  }
0x74: {  	[sflag:s26] =	ssyncadd.s32 @!p1 $0xFFFFFF80;
	s26 =	simm.s32 @!p1 $0x3  }
0x75: {  	_ =	swait.ge @!p1 [sflag:s26], $0x4000  }
0x76: {  	s29 =	simm.s32 @!p1 $0x100;
	[sflag:s26] =	ssyncset.done @!p1 $0x0  }
0x77: {  	s28 =	simm.s32 @!p1 $0x0;
	[sflag:s26] =	ssyncadd.s32 @!p1 $0xFFFFC000;
	s26 =	simm.s32 @!p1 $0x80  }
0x78: {  	[spmem:s2] =	stream.indirect.scatter.add.f32 @!p1 [tilespmem:s29], [sflag:$0x5], $0x80, s28, s26, $0xb8;
	[tilespmem:$0x1BD00] =	vst v63  }
0x79: {  	s26 =	simm.s32 @!p1 $0x5  }
0x7a: {  	_ =	swait.ge @!p1 [sflag:s26], $0x4000  }
0x7b: {  	s25 =	sadd.s32 $0x1, s25;
	[sflag:s26] =	ssyncset.done @!p1 $0x0  }
0x7c: {  	p2 =	sne.s32 s25, s11;
	[sflag:s26] =	ssyncadd.s32 @!p1 $0xFFFFC000  }
.Ltmp1:
0x7d: {  	[bflag:$0x0] =	sbarrier.arrive $0xFFFF;
	(pc) =	sbr.rel @p2 .LBB2_1-.Ltmp1, $4  }
0x7e: {  	[hbm:s10], [sflag:s5] =	dma.local [spmem:s16], $0x2780  }
0x7f: {  	_ =	swait.ge [sflag:s17], $0x2780  }
0x80: {  	[sflag:s17] =	ssyncset.done $0x0  }
0x81: {  	[sflag:s17] =	ssyncadd.s32 $0xFFFFD880  }
0x82: {  	_ =	sfence.sel $0x180000  }
0x83: {  	[bflag:$0x0] =	sbarrier.arrive $0xFFFF  }
0x84: {  	p0 =	sne.s32 s1, $0x0;
	_ =	strace $0x9000004A  }
0x85: {  	s0 =	sadd.s32 @!p0 $0x100000, s0;
	[bflag:$0x2] =	sbarrier.arrive $0xFFFF  }
0x86: {  	[sflag:s0] =	ssyncadd.tile.s32 @!p0 $0x1;
	_ =	shalt  }
.Lfunc_end2:
_tile_overlayer_lowered:
.L_overlay_start_2:
0x87: {  	(tag) =	ssettag $0x2  }
0x88: {  	s0 =	rddreg [dreg:$0x0];
	s2 =	stileid.u32  }
0x89: {  	s1 =	rddreg [dreg:$0x1];
	p0 =	sne.s32 s2, $0x0  }
0x8a: {  	s3 =	rddreg [dreg:$0x2];
	[bflag:$0x3] =	sbarrier.arrive $0xFFFF;
	s2 =	simm.s32 @!p0 $0x1C05  }
0x8b: {  	[timem:s3], [sflag:s2] =	dma.local @!p0 [hbm:s0], s1  }
0x8c: {  	s0 =	simm.s32 @!p0 $0x5  }
0x8d: {  	_ =	swait.ge @!p0 [sflag:s0], s1  }
0x8e: {  	s1 =	ssub.s32 @!p0 $0x0, s1;
	[sflag:s0] =	ssyncset.done @!p0 $0x0  }
0x8f: {  	[sflag:s0] =	ssyncadd.s32 @!p0 s1  }
0x90: {  	[bflag:$0x3] =	sbarrier.arrive $0xFFFF  }
0x91: {  	_ =	shalt  }

// kernel: kernel.7.cloned.1.call-start
scs
__scs_entry_jumppad:
0x0: {  	(pc) =	sbr.rel $0x88, $3  }
0x1: {  	(tag) =	ssettag $0x0;
	lr =	simm.s32 $0x1  }
0x2: {  	[smem:$0x3F91] =	sst lr;
	_ =	strace $0xD0000000  }
0x3: {  	_ = 	snop  }
0x4: {  	_ = 	snop  }
0x5: {  	_ = 	snop  }
0x6: {  	_ = 	snop  }
0x7: {  	_ = 	snop  }
__scs_overlays_trampoline_lowered:
0x8: {  	[smem:$0x3FA0] =	sst s0  }
0x9: {  	[smem:$0x3FA1] =	sst s1  }
0xa: {  	[smem:$0x3FA2] =	sst s2  }
0xb: {  	[smem:$0x3FA3] =	sst s3  }
0xc: {  	[smem:$0x3FA4] =	sst s4  }
0xd: {  	[smem:$0x3FA5] =	sst s5  }
0xe: {  	[smem:$0x3FA6] =	sst s6  }
0xf: {  	[smem:$0x3FA7] =	sst s7  }
0x10: {  	[smem:$0x3FA8] =	sst s8  }
0x11: {  	[smem:$0x3FA9] =	sst s9;
	s0 =	simm.s32 @!p0 $0x0  }
0x12: {  	s1 =	sld [smem:$0x3F8F];
	s0 =	simm.s32 @p0 $0x1  }
0x13: {  	[smem:$0x3FAA] =	sst s0;
	s0 =	simm.s32 @!p1 $0x0  }
0x14: {  	s2 =	sld [smem:$0x3F8E];
	s0 =	simm.s32 @p1 $0x1  }
0x15: {  	[smem:$0x3FAB] =	sst s0;
	s0 =	simm.s32 @!p2 $0x0  }
0x16: {  	s3 =	sld [smem:$0x3FDB];
	s0 =	simm.s32 @p2 $0x1  }
0x17: {  	s4 =	simm.s32 $0x1BF5;
	[smem:$0x3FAD] =	sst s0  }
0x18: {  	s0 =	sld [smem:$0x3F90];
	_ =	swait.ge [sflag:s4], $0x0  }
0x19: {  	s7 =	sld [smem:$0x3F91]  }
0x1a: {  	s8 =	sadd.s32 $0xFFFFE003, lr  }
0x1b: {  	s9 =	sadd.s32 $0xFFFFFEF7, lr;
	s5 =	simm.s32 $0xFFFFFFFF;
	p2 =	slt.u32 s8, $0xFFFFF086  }
0x1c: {  	p1 =	slt.u32 s9, $0xF7A;
	s5 =	simm.s32 @!p2 $0x0  }
0x1d: {  	s5 =	simm.s32 @p1 $0x1;
	p0 =	seq.s32 s7, s2  }
0x1e: {  	s7 =	smul.u32 @!p0 $0xF7A, s2;
	p2 =	seq.s32 @!p0 s5, $0x0  }
0x1f: {  	s9 =	smul.u32 $0xF7A, s1;
	s8 =	simm.s32 @!p0 $0x1BF5;
	p2 =	por !p2, p0  }
0x20: {  	[sflag:s8] =	ssyncset.s32 @!p0 $0xFFFFF086;
	s6 =	sadd.s32 @!p0 s3, s7;
	s7 =	simm.s32 @!p0 $0x108  }
0x21: {  	s3 =	sadd.s32 s3, s9;
	s6 =	sadd.s32 @!p0 $0x88, s6;
	s7 =	simm.s32 @p2 $0x1082  }
0x22: {  	[simem:s7], [sflag:s8] =	dma.local @!p0 [hbm:s6], $0xF7A  }
0x23: {  	s9 =	sor.u32 $0xD0000000, s2;
	s6 =	simm.s32 $0x108;
	_ =	swait.ge @!p0 [sflag:s8], $0x0  }
0x24: {  	s3 =	sadd.s32 $0x88, s3;
	s6 =	simm.s32 @!p1 $0x1082;
	[sflag:s4] =	ssyncset.s32 $0xFFFFF086  }
0x25: {  	[simem:s6], [sflag:s4] =	dma.local [hbm:s3], $0xF7A  }
0x26: {  	[smem:$0x3F91] =	sst s1;
	(tag) =	ssettag s2;
	_ =	strace s9  }
0x27: {  	s1 =	sld [smem:$0x3FA1]  }
0x28: {  	s2 =	sld [smem:$0x3FA2]  }
0x29: {  	s4 =	sld [smem:$0x3FA4]  }
0x2a: {  	p0 =	seq.s32 s5, $0x0;
	s5 =	sld [smem:$0x3FA5]  }
0x2b: {  	s6 =	sld [smem:$0x3FA6]  }
0x2c: {  	s7 =	sld [smem:$0x3FA7]  }
0x2d: {  	s3 =	simm.s32 $0x108;
	s8 =	sld [smem:$0x3FA8]  }
0x2e: {  	s3 =	simm.s32 @!p0 $0x1082;
	s9 =	sld [smem:$0x3FA9]  }
0x2f: {  	lr =	sadd.s32 s0, s3;
	s0 =	sld [smem:$0x3FA0]  }
0x30: {  	s3 =	sld [smem:$0x3FA3]  }
0x31: {  	[smem:$0x3FAC] =	sst s10  }
0x32: {  	s10 =	sld [smem:$0x3FAA];
	_ =	sdelay $0x3  }
0x33: {  	p0 =	seq.s32 s10, $0x1;
	s10 =	sld [smem:$0x3FAC];
	_ =	sdelay $0x3  }
0x34: {  	[smem:$0x3FAC] =	sst s10  }
0x35: {  	s10 =	sld [smem:$0x3FAB];
	_ =	sdelay $0x3  }
0x36: {  	p1 =	seq.s32 s10, $0x1;
	s10 =	sld [smem:$0x3FAC];
	_ =	sdelay $0x3  }
0x37: {  	[smem:$0x3FAC] =	sst s10  }
0x38: {  	s10 =	sld [smem:$0x3FAD]  }
0x39: {  	_ = 	snop;
	(pc) =	sbr.ind lr, $3  }
0x3a: {  	_ = 	snop  }
0x3b: {  	_ = 	snop  }
0x3c: {  	p2 =	seq.s32 s10, $0x1;
	s10 =	sld [smem:$0x3FAC]  }
0x3d: {  	_ =	shalt  }
0x3e: {  	_ =	shalt  }
0x3f: {  	_ =	shalt  }
0x40: {  	_ =	shalt  }
0x41: {  	_ =	shalt  }
0x42: {  	_ =	shalt  }
0x43: {  	_ =	shalt  }
0x44: {  	_ =	shalt  }
0x45: {  	_ =	shalt  }
0x46: {  	_ =	shalt  }
0x47: {  	_ =	shalt  }
0x48: {  	_ =	shalt  }
0x49: {  	_ =	shalt  }
0x4a: {  	_ =	shalt  }
0x4b: {  	_ =	shalt  }
0x4c: {  	_ =	shalt  }
0x4d: {  	_ =	shalt  }
0x4e: {  	_ =	shalt  }
0x4f: {  	_ =	shalt  }
0x50: {  	_ =	shalt  }
0x51: {  	_ =	shalt  }
0x52: {  	_ =	shalt  }
0x53: {  	_ =	shalt  }
0x54: {  	_ =	shalt  }
0x55: {  	_ =	shalt  }
0x56: {  	_ =	shalt  }
0x57: {  	_ =	shalt  }
0x58: {  	_ =	shalt  }
0x59: {  	_ =	shalt  }
0x5a: {  	_ =	shalt  }
0x5b: {  	_ =	shalt  }
0x5c: {  	_ =	shalt  }
0x5d: {  	_ =	shalt  }
0x5e: {  	_ =	shalt  }
0x5f: {  	_ =	shalt  }
0x60: {  	_ =	shalt  }
0x61: {  	_ =	shalt  }
0x62: {  	_ =	shalt  }
0x63: {  	_ =	shalt  }
0x64: {  	_ =	shalt  }
0x65: {  	_ =	shalt  }
0x66: {  	_ =	shalt  }
0x67: {  	_ =	shalt  }
0x68: {  	_ =	shalt  }
0x69: {  	_ =	shalt  }
0x6a: {  	_ =	shalt  }
0x6b: {  	_ =	shalt  }
0x6c: {  	_ =	shalt  }
0x6d: {  	_ =	shalt  }
0x6e: {  	_ =	shalt  }
0x6f: {  	_ =	shalt  }
0x70: {  	_ =	shalt  }
0x71: {  	_ =	shalt  }
0x72: {  	_ =	shalt  }
0x73: {  	_ =	shalt  }
0x74: {  	_ =	shalt  }
0x75: {  	_ =	shalt  }
0x76: {  	_ =	shalt  }
0x77: {  	_ =	shalt  }
0x78: {  	_ =	shalt  }
0x79: {  	_ =	shalt  }
0x7a: {  	_ =	shalt  }
0x7b: {  	_ =	shalt  }
0x7c: {  	_ =	shalt  }
0x7d: {  	_ =	shalt  }
0x7e: {  	_ =	shalt  }
0x7f: {  	_ =	shalt  }
0x80: {  	_ =	shalt  }
0x81: {  	_ =	shalt  }
0x82: {  	_ =	shalt  }
0x83: {  	_ =	shalt  }
0x84: {  	_ =	shalt  }
0x85: {  	_ =	shalt  }
0x86: {  	_ =	shalt  }
0x87: {  	_ =	shalt  }
.Lfunc_end0:
.L_simem_size_0:
called_computation_lowered:
.L_overlay_start_0:
0x88: {  	s2 =	sld [smem:$0x3FD9]  }
0x89: {  	s3 =	sld [smem:$0x3FFE];
	_ =	sdelay $0x1  }
0x8a: {  	s1 =	srdreg.scid  }
0x8b: {  	s0 =	sand.u32 $0x1, s1  }
0x8c: {  	s14 =	sshll.u32 s0, $0xA;
	s2 =	sadd.s32 s3, s2  }
0x8d: {  	s2 =	sadd.s32 s2, s14  }
0x8e: {  	[smem:$0x3FB8] =	sst s2  }
0x8f: {  	_ = 	snop  }
0x90: {  	s2 =	sld [smem:$0x3FD0];
	_ =	sdelay $0x2  }
0x91: {  	s15 =	simm.s32 $0xA;
	s4 =	simm.s32 $0x10  }
0x92: {  	[smem:s4], [sflag:s15] =	dma.local [hbm:s2], $0x1  }
0x93: {  	_ =	swait.eq [sflag:s15], $0x1  }
0x94: {  	[sflag:s15] =	ssyncset.done $0x0  }
0x95: {  	s16 =	sld [smem:$0x10];
	[sflag:s15] =	ssyncadd.s32 $0xFFFFFFFF  }
0x96: {  	s17 =	sld [smem:$0x11];
	(tm) =	ssettm $0x1  }
0x97: {  	s18 =	sld [smem:$0x3FFB];
	_ =	sdelay $0x3  }
0x98: {  	_ =	strace s18  }
0x99: {  	s4 =	sld [smem:$0x3FFC];
	_ =	sdelay $0x3  }
0x9a: {  	_ =	strace s4  }
0x9b: {  	s4 =	sld [smem:$0x3FFD];
	_ =	sdelay $0x3  }
0x9c: {  	_ =	strace s4  }
0x9d: {  	_ =	strace $0x8FFFFFFF  }
0x9e: {  	s19 =	sld [smem:$0x3FDB];
	_ =	sdelay $0x1  }
0x9f: {  	s5 =	simm.s32 $_scs_section_size  }
0xa0: {  	s6 =	simm.s32 $_size__tile_overlayer_lowered;
	s7 =	simm.s32 $_tile_overlayer_lowered  }
0xa1: {  	s22 =	simm.s32 $0x1BFF;
	s21 =	sshll.u32 s7, $0x1;
	s4 =	sadd.s32 s5, s19  }
0xa2: {  	s8 =	simm.s32 $0x0;
	s20 =	sshll.u32 s6, $0x1;
	s6 =	sadd.s32 s21, s4  }
0xa3: {  	[timem:s8], [sflag:s22] =	dma.local [hbm:s6], s20  }
0xa4: {  	_ =	swait.ge [sflag:s22], s20  }
0xa5: {  	s5 =	ssub.s32 $0x0, s20;
	[sflag:s22] =	ssyncset.done $0x0  }
0xa6: {  	[sflag:s22] =	ssyncadd.s32 s5;
	_ =	sdelay $0x1  }
0xa7: {  	s23 =	simm.s32 $0x1B8B  }
0xa8: {  	_ =	swait.ge [sflag:s23], $0x1  }
0xa9: {  	[sflag:s23] =	ssyncset.done $0x0  }
0xaa: {  	s25 =	simm.s32 $0x1B8E;
	s24 =	sld [smem:$0x3FFE];
	[sflag:s23] =	ssyncadd.s32 $0xFFFFFFFF  }
0xab: {  	s26 =	simm.s32 $execute0_lowered;
	[smem:$0x3FD2] =	sst s25  }
0xac: {  	s6 =	sshll.u32 s26, $0x1;
	_ =	strace $0x80000046;
	[dreg:$0x1] =	wrdreg $0xFFFFFFFF  }
0xad: {  	s28 =	simm.s32 $_size_execute0_lowered;
	s4 =	sadd.s32 s4, s6;
	[dreg:$0x0] =	wrdreg $0x0  }
0xae: {  	s6 =	sshll.u32 s28, $0x1;
	[dreg:$0x2] =	wrdreg s4  }
0xaf: {  	[dreg:$0x3] =	wrdreg s6  }
0xb0: {  	[dreg:$0x4] =	wrdreg $0xC0  }
0xb1: {  	_ =	task [dreg:s8], $0x5FFFF  }
0xb2: {  	[dreg:$0x1] =	wrdreg $0xFFFFFFFF  }
0xb3: {  	[dreg:$0x0] =	wrdreg $0x60  }
0xb4: {  	[dreg:$0x2] =	wrdreg s24  }
0xb5: {  	[dreg:$0x3] =	wrdreg s16  }
0xb6: {  	[dreg:$0x4] =	wrdreg s17  }
0xb7: {  	[dreg:$0x5] =	wrdreg $0x9  }
0xb8: {  	_ =	task.clear_ibuf [dreg:s8], $0x6FFFF;
	_ =	strace $0x90000046  }
0xb9: {  	s29 =	simm.s32 $0x9;
	_ =	strace $0x80000048  }
0xba: {  	_ =	swait.ge [sflag:s29], $0x1  }
0xbb: {  	[sflag:s29] =	ssyncadd.s32 $0xFFFFFFFF  }
0xbc: {  	_ =	strace $0x90000048  }
0xbd: {  	_ =	sfence  }
0xbe: {  	s30 =	sld [smem:$0x0];
	_ =	sdelay $0x2  }
0xbf: {  	s31 =	sshll.u32 s1, $0xD;
	s1 =	sshrl.u32 s1, $0x2  }
0xc0: {  	s3 =	sand.u32 $0x4000, s31;
	s1 =	sadd.s32 s1, s30  }
0xc1: {  	s0 =	sor.u32 s3, s0;
	s1 =	sshll.u32 s1, $0x11  }
0xc2: {  	s0 =	sor.u32 s1, s0  }
0xc3: {  	s0 =	sadd.s32 $0x8F2B, s0  }
0xc4: {  	[sflag:s0] =	ssyncadd.remote.s32 $0x1  }
0xc5: {  	_ =	sfence.sel $0xFFFF  }
0xc6: {  	[dreg:$0x0] =	wrdreg $0xFFFFFFFF;
	(pc) =	sbr.abs _section_cstart, $3  }
0xc7: {  	[dreg:$0x1] =	wrdreg $0xFFFFFFFF  }
0xc8: {  	_ =	task.clear_ibuf [dreg:s8], $0x2FFFF;
	_ =	strace $0x9FFFFFFF  }
0xc9: {  	(tm) =	ssettm $0x7FFFFFFF  }
tec
execute0_lowered:
.L_overlay_start_1:
0x0: {  	(tag) =	ssettag $0x1  }
0x1: {  	s0 =	rddreg [dreg:$0x0]  }
0x2: {  	s1 =	srdreg.scid;
	s3 =	stileid.u32  }
0x3: {  	s2 =	rddreg [dreg:$0x1];
	s10 =	simm.s32 $0x7;
	s12 =	simm.s32 $0x80  }
0x4: {  	s13 =	simm.s32 $0x5000;
	s14 =	simm.s32 $0x5200;
	s15 =	simm.s32 $0x5080  }
0x5: {  	s16 =	simm.s32 $0x9200;
	s17 =	simm.s32 $0x5100;
	s18 =	simm.s32 $0x11200  }
0x6: {  	s19 =	simm.s32 $0x5180;
	s20 =	simm.s32 $0x15200;
	s21 =	simm.s32 $0x1  }
0x7: {  	s22 =	simm.s32 $0x2;
	s23 =	simm.s32 $0x3;
	s24 =	simm.s32 $0x4  }
0x8: {  	s25 =	simm.s32 $0x5;
	s26 =	simm.s32 $0x6;
	s28 =	simm.s32 $0x0  }
0x9: {  	s1 =	sand.u32 $0x1, s1;
	s4 =	sshll.u32 s3, $0x1;
	s3 =	rddreg [dreg:$0x2]  }
.Ltmp0:
0xa: {  	s6 =	sor.u32 s1, s4;
	s4 =	simm.s32 $0x0;
	(pc) =	sbr.rel .LBB2_1-.Ltmp0, $4  }
0xb: {  	s1 =	ssub.s32 $0x2, s1;
	s5 =	smul.u32 $0x500, s6;
	[smem:$0x7FF] =	sst s4  }
0xc: {  	s7 =	sshrl.u32 s1, $0x1;
	s6 =	smul.u32 $0x50, s6;
	_ =	strace $0x80000047  }
0xd: {  	s31 =	ssub.s32 s1, s7;
	s8 =	sadd.s32 s5, s0;
	s5 =	sadd.s32 $0x21000, s0  }
0xe: {  	s9 =	smax.u32 s31, $0x1;
	s7 =	sadd.s32 $0x17000, s8;
	s8 =	sadd.s32 $0xD000, s8  }
.LBB2_11:
0xf: {  	s28 =	sadd.s32 $0x1, s28  }
0x10: {  	_ =	swait.ge [sflag:s25], $0x4000;
	p0 =	sne.s32 s28, s9  }
.Ltmp1:
0x11: {  	[sflag:s25] =	ssyncset.done $0x0;
	(pc) =	sbr.rel @!p0 .LBB2_12-.Ltmp1, $4  }
0x12: {  	[sflag:s25] =	ssyncadd.s32 $0xFFFFC000  }
0x13: {  	_ =	swait.ge [sflag:s26], $0x4000  }
0x14: {  	[sflag:s26] =	ssyncset.done $0x0  }
0x15: {  	[sflag:s26] =	ssyncadd.s32 $0xFFFFC000  }
.LBB2_1:
0x16: {  	[tilespmem:s4], [sflag:$0x7] =	stream.linear.gather [hbm4b:s7+s4], $0x2800, $0x38;
	[tilespmem:$0x1D200] =	vst v63  }
0x17: {  	_ =	swait.ge [sflag:s10], $0x2800  }
0x18: {  	[sflag:s10] =	ssyncset.done $0x0  }
0x19: {  	s0 =	simm.s32 $0x2800;
	[sflag:s10] =	ssyncadd.s32 $0xFFFFD800  }
0x1a: {  	[tilespmem:s0], [sflag:$0x7] =	stream.linear.gather [hbm4b:s8+s4], $0x2800, $0x38;
	[tilespmem:$0x1D200] =	vst v63  }
0x1b: {  	_ =	swait.ge [sflag:s10], $0x2800  }
0x1c: {  	[sflag:s10] =	ssyncset.done $0x0  }
0x1d: {  	[sflag:s10] =	ssyncadd.s32 $0xFFFFD800  }
0x1e: {  	v0 =	vld [tilespmem:$0x0]  }
0x1f: {  	v1 =	vld [tilespmem:$0x2800]  }
0x20: {  	v2 =	vld [tilespmem:$0x10]  }
0x21: {  	v3 =	vld [tilespmem:$0x2810]  }
0x22: {  	v4 =	vld [tilespmem:$0x20]  }
0x23: {  	v37 =	vld [tilespmem:$0x2820];
	[tilespmem:$0x5000] =	vst v0  }
0x24: {  	v38 =	vld [tilespmem:$0x30];
	[tilespmem:$0x5080] =	vst v1  }
0x25: {  	v39 =	vld [tilespmem:$0x2830];
	[tilespmem:$0x5010] =	vst v2  }
0x26: {  	v40 =	vld [tilespmem:$0x40];
	[tilespmem:$0x5090] =	vst v3  }
0x27: {  	v41 =	vld [tilespmem:$0x2840];
	[tilespmem:$0x5020] =	vst v4  }
0x28: {  	v42 =	vld [tilespmem:$0x50];
	[tilespmem:$0x50A0] =	vst v37  }
0x29: {  	v43 =	vld [tilespmem:$0x2850];
	[tilespmem:$0x5030] =	vst v38  }
0x2a: {  	v44 =	vld [tilespmem:$0x60];
	[tilespmem:$0x50B0] =	vst v39  }
0x2b: {  	v45 =	vld [tilespmem:$0x2860];
	[tilespmem:$0x5040] =	vst v40  }
0x2c: {  	v46 =	vld [tilespmem:$0x70];
	[tilespmem:$0x50C0] =	vst v41  }
0x2d: {  	v47 =	vld [tilespmem:$0x2870];
	[tilespmem:$0x5050] =	vst v42  }
0x2e: {  	[tilespmem:$0x50D0] =	vst v43  }
0x2f: {  	[tilespmem:$0x5060] =	vst v44  }
0x30: {  	[tilespmem:$0x50E0] =	vst v45  }
0x31: {  	[tilespmem:$0x5070] =	vst v46  }
0x32: {  	[tilespmem:$0x50F0] =	vst v47  }
0x33: {  	[tilespmem:s14], [sflag:$0x1] =	stream.indirect.gather [hbm4b:s2+s12], $0x80, s13, s12, $0xb8;
	[tilespmem:$0x1D200] =	vst v63  }
0x34: {  	_ = 	snop  }
0x35: {  	[tilespmem:s16], [sflag:$0x2] =	stream.indirect.gather [hbm4b:s3+s12], $0x80, s15, s12, $0xb8;
	[tilespmem:$0x1D200] =	vst v63  }
0x36: {  	v48 =	vld [tilespmem:$0x80]  }
0x37: {  	v49 =	vld [tilespmem:$0x2880]  }
0x38: {  	v50 =	vld [tilespmem:$0x90]  }
0x39: {  	v51 =	vld [tilespmem:$0x2890]  }
0x3a: {  	v52 =	vld [tilespmem:$0xA0]  }
0x3b: {  	v53 =	vld [tilespmem:$0x28A0];
	[tilespmem:$0x5100] =	vst v48  }
0x3c: {  	v54 =	vld [tilespmem:$0xB0];
	[tilespmem:$0x5180] =	vst v49  }
0x3d: {  	v55 =	vld [tilespmem:$0x28B0];
	[tilespmem:$0x5110] =	vst v50  }
0x3e: {  	v56 =	vld [tilespmem:$0xC0];
	[tilespmem:$0x5190] =	vst v51  }
0x3f: {  	v57 =	vld [tilespmem:$0x28C0];
	[tilespmem:$0x5120] =	vst v52  }
0x40: {  	v58 =	vld [tilespmem:$0xD0];
	[tilespmem:$0x51A0] =	vst v53  }
0x41: {  	v59 =	vld [tilespmem:$0x28D0];
	[tilespmem:$0x5130] =	vst v54  }
0x42: {  	v60 =	vld [tilespmem:$0xE0];
	[tilespmem:$0x51B0] =	vst v55  }
0x43: {  	v61 =	vld [tilespmem:$0x28E0];
	[tilespmem:$0x5140] =	vst v56  }
0x44: {  	v62 =	vld [tilespmem:$0xF0];
	[tilespmem:$0x51C0] =	vst v57  }
0x45: {  	v63 =	vld [tilespmem:$0x28F0];
	[tilespmem:$0x5150] =	vst v58  }
0x46: {  	[tilespmem:$0x51D0] =	vst v59  }
0x47: {  	[tilespmem:$0x5160] =	vst v60  }
0x48: {  	[tilespmem:$0x51E0] =	vst v61  }
.Ltmp2:
0x49: {  	[tilespmem:$0x5170] =	vst v62;
	(pc) =	sbr.rel .LBB2_2-.Ltmp2, $4  }
0x4a: {  	[tilespmem:$0x51F0] =	vst v63  }
0x4b: {  	[tilespmem:s18], [sflag:$0x3] =	stream.indirect.gather [hbm4b:s2+s12], $0x80, s17, s12, $0xb8;
	[tilespmem:$0x1D200] =	vst v63  }
0x4c: {  	s29 =	simm.s32 $0x0  }
0x4d: {  	[tilespmem:s20], [sflag:$0x4] =	stream.indirect.gather [hbm4b:s3+s12], $0x80, s19, s12, $0xb8;
	[tilespmem:$0x1D200] =	vst v63  }
.LBB2_10:
0x4e: {  	s0 =	sadd.s32 $0x3, s30  }
0x4f: {  	s1 =	sadd.s32 s6, s0  }
0x50: {  	p2 =	sgt.u32 @!p0 s1, $0x9C3  }
0x51: {  	p0 =	por p2, p0  }
0x52: {  	s0 =	sshll.u32 @!p0 s0, $0x7  }
0x53: {  	v0 =	vld @!p0 [tilespmem:s0+$0x0];
	_ =	sdelay $0x4  }
0x54: {  	[tilespmem:$0x5100] =	vst @!p0 v0  }
0x55: {  	v0 =	vld @!p0 [tilespmem:s0+$0x2800];
	_ =	sdelay $0x4  }
0x56: {  	[tilespmem:$0x5180] =	vst @!p0 v0  }
0x57: {  	v0 =	vld @!p0 [tilespmem:s0+$0x10];
	_ =	sdelay $0x4  }
0x58: {  	[tilespmem:$0x5110] =	vst @!p0 v0  }
0x59: {  	v0 =	vld @!p0 [tilespmem:s0+$0x2810];
	_ =	sdelay $0x4  }
0x5a: {  	[tilespmem:$0x5190] =	vst @!p0 v0  }
0x5b: {  	v0 =	vld @!p0 [tilespmem:s0+$0x20];
	_ =	sdelay $0x4  }
0x5c: {  	[tilespmem:$0x5120] =	vst @!p0 v0  }
0x5d: {  	v0 =	vld @!p0 [tilespmem:s0+$0x2820];
	_ =	sdelay $0x4  }
0x5e: {  	[tilespmem:$0x51A0] =	vst @!p0 v0  }
0x5f: {  	v0 =	vld @!p0 [tilespmem:s0+$0x30];
	_ =	sdelay $0x4  }
0x60: {  	[tilespmem:$0x5130] =	vst @!p0 v0  }
0x61: {  	v0 =	vld @!p0 [tilespmem:s0+$0x2830];
	_ =	sdelay $0x4  }
0x62: {  	[tilespmem:$0x51B0] =	vst @!p0 v0  }
0x63: {  	v0 =	vld @!p0 [tilespmem:s0+$0x40];
	_ =	sdelay $0x4  }
0x64: {  	[tilespmem:$0x5140] =	vst @!p0 v0  }
0x65: {  	v0 =	vld @!p0 [tilespmem:s0+$0x2840];
	_ =	sdelay $0x4  }
0x66: {  	[tilespmem:$0x51C0] =	vst @!p0 v0  }
0x67: {  	v0 =	vld @!p0 [tilespmem:s0+$0x50];
	_ =	sdelay $0x4  }
0x68: {  	[tilespmem:$0x5150] =	vst @!p0 v0  }
0x69: {  	v0 =	vld @!p0 [tilespmem:s0+$0x2850];
	_ =	sdelay $0x4  }
0x6a: {  	[tilespmem:$0x51D0] =	vst @!p0 v0  }
0x6b: {  	v0 =	vld @!p0 [tilespmem:s0+$0x60];
	_ =	sdelay $0x4  }
0x6c: {  	[tilespmem:$0x5160] =	vst @!p0 v0  }
0x6d: {  	v0 =	vld @!p0 [tilespmem:s0+$0x2860];
	_ =	sdelay $0x4  }
0x6e: {  	[tilespmem:$0x51E0] =	vst @!p0 v0  }
0x6f: {  	v0 =	vld @!p0 [tilespmem:s0+$0x70];
	_ =	sdelay $0x4  }
0x70: {  	[tilespmem:$0x5170] =	vst @!p0 v0  }
0x71: {  	v0 =	vld @!p0 [tilespmem:s0+$0x2870];
	_ =	sdelay $0x4  }
0x72: {  	s1 =	simm.s32 @!p0 $0x5100;
	s11 =	simm.s32 @!p0 $0x11200;
	s0 =	simm.s32 @!p0 $0x80;
	[tilespmem:$0x51F0] =	vst @!p0 v0  }
0x73: {  	[tilespmem:s11], [sflag:$0x3] =	stream.indirect.gather @!p0 [hbm4b:s2+s0], $0x80, s1, s0, $0xb8;
	[tilespmem:$0x1D200] =	vst v63  }
0x74: {  	s29 =	sadd.s32 $0x1, s29;
	s1 =	simm.s32 @!p0 $0x5180;
	s11 =	simm.s32 @!p0 $0x15200  }
0x75: {  	[tilespmem:s11], [sflag:$0x4] =	stream.indirect.gather @!p0 [hbm4b:s3+s0], $0x80, s1, s0, $0xb8;
	[tilespmem:$0x1D200] =	vst v63  }
0x76: {  	p0 =	sne.s32 s29, $0x28  }
.Ltmp3:
0x77: {  	_ = 	snop;
	(pc) =	sbr.rel @!p0 .LBB2_11-.Ltmp3, $4  }
0x78: {  	_ = 	snop  }
0x79: {  	s0 =	sshll.u32 @!p1 s31, $0xB  }
0x7a: {  	s1 =	simm.s32 @!p1 $0x0;
	s11 =	simm.s32 @!p1 $0x19200;
	s0 =	sadd.s32 @!p1 s5, s0  }
0x7b: {  	[hbm4b:s0+s1] =	stream.linear.scatter @!p1 [tilespmem:s11], [sflag:$0x6], $0x4000, $0x38;
	[tilespmem:$0x1D200] =	vst v63  }
.LBB2_2:
0x7c: {  	s30 =	sshll.u32 s29, $0x1  }
0x7d: {  	s31 =	sadd.s32 s6, s30  }
0x7e: {  	p1 =	sgt.u32 s31, $0x9C3  }
.Ltmp4:
0x7f: {  	_ = 	snop;
	(pc) =	sbr.rel @p1 .LBB2_6-.Ltmp4, $1  }
0x80: {  	_ =	sdelay $0x3  }
0x81: {  	_ =	swait.ge [sflag:s21], $0x4000  }
0x82: {  	[sflag:s21] =	ssyncset.done $0x0  }
0x83: {  	[sflag:s21] =	ssyncadd.s32 $0xFFFFC000  }
0x84: {  	_ =	swait.ge [sflag:s22], $0x4000  }
0x85: {  	p0 =	seq.s32 s29, $0x0;
	[sflag:s22] =	ssyncset.done $0x0  }
0x86: {  	s0 =	simm.s32 @!p0 $0x5;
	[sflag:s22] =	ssyncadd.s32 $0xFFFFC000  }
0x87: {  	_ =	swait.ge @!p0 [sflag:s0], $0x4000  }
0x88: {  	[sflag:s0] =	ssyncset.done @!p0 $0x0  }
0x89: {  	s1 =	simm.s32 $0x0;
	[sflag:s0] =	ssyncadd.s32 @!p0 $0xFFFFC000  }
0x8a: {  	v0 =	vld [tilespmem:s1+$0x53F0]  }
0x8b: {  	v1 =	vld [tilespmem:s1+$0x93F0]  }
0x8c: {  	v2 =	vld [tilespmem:s1+$0x5200]  }
0x8d: {  	v3 =	vld [tilespmem:s1+$0x9200]  }
0x8e: {  	v4 =	vld [tilespmem:s1+$0x5210]  }
0x8f: {  	v5 =	vld [tilespmem:s1+$0x9210]  }
0x90: {  	v6 =	vld [tilespmem:s1+$0x5220]  }
0x91: {  	v7 =	vld [tilespmem:s1+$0x5230];
	v0 =	vadd.f32 v1, v0  }
0x92: {  	v1 =	vld [tilespmem:s1+$0x9220]  }
0x93: {  	v2 =	vadd.f32 v3, v2;
	[tilespmem:s1+$0xD3F0] =	vst v0;
	v0 =	vld [tilespmem:s1+$0x9230]  }
0x94: {  	v3 =	vld [tilespmem:s1+$0x5240]  }
0x95: {  	[tilespmem:s1+$0xD200] =	vst v2;
	v2 =	vadd.f32 v5, v4;
	v4 =	vld [tilespmem:s1+$0x9240]  }
0x96: {  	v5 =	vld [tilespmem:s1+$0x9250]  }
0x97: {  	[tilespmem:s1+$0xD210] =	vst v2;
	v2 =	vld [tilespmem:s1+$0x5250];
	v1 =	vadd.f32 v1, v6  }
0x98: {  	v6 =	vld [tilespmem:s1+$0x9260];
	v0 =	vadd.f32 v0, v7  }
0x99: {  	[tilespmem:s1+$0xD220] =	vst v1;
	v1 =	vld [tilespmem:s1+$0x5260]  }
0x9a: {  	[tilespmem:s1+$0xD230] =	vst v0;
	v0 =	vadd.f32 v4, v3;
	v3 =	vld [tilespmem:s1+$0x5270]  }
0x9b: {  	v4 =	vld [tilespmem:s1+$0x9270]  }
0x9c: {  	[tilespmem:s1+$0xD240] =	vst v0;
	v0 =	vadd.f32 v5, v2;
	v2 =	vld [tilespmem:s1+$0x5280]  }
0x9d: {  	v5 =	vld [tilespmem:s1+$0x9280]  }
0x9e: {  	[tilespmem:s1+$0xD250] =	vst v0;
	v0 =	vadd.f32 v6, v1;
	v1 =	vld [tilespmem:s1+$0x5290]  }
0x9f: {  	v6 =	vld [tilespmem:s1+$0x9290]  }
0xa0: {  	[tilespmem:s1+$0xD260] =	vst v0;
	v0 =	vadd.f32 v4, v3;
	v3 =	vld [tilespmem:s1+$0x52A0]  }
0xa1: {  	v4 =	vld [tilespmem:s1+$0x92A0]  }
0xa2: {  	[tilespmem:s1+$0xD270] =	vst v0;
	v0 =	vadd.f32 v5, v2;
	v2 =	vld [tilespmem:s1+$0x52B0]  }
0xa3: {  	v5 =	vld [tilespmem:s1+$0x92B0]  }
0xa4: {  	[tilespmem:s1+$0xD280] =	vst v0;
	v0 =	vadd.f32 v6, v1;
	v1 =	vld [tilespmem:s1+$0x52C0]  }
0xa5: {  	v6 =	vld [tilespmem:s1+$0x92C0]  }
0xa6: {  	[tilespmem:s1+$0xD290] =	vst v0;
	v0 =	vadd.f32 v4, v3;
	v3 =	vld [tilespmem:s1+$0x52D0]  }
0xa7: {  	v4 =	vld [tilespmem:s1+$0x92D0]  }
0xa8: {  	[tilespmem:s1+$0xD2A0] =	vst v0;
	v0 =	vadd.f32 v5, v2;
	v2 =	vld [tilespmem:s1+$0x52E0]  }
0xa9: {  	v5 =	vld [tilespmem:s1+$0x92E0]  }
0xaa: {  	[tilespmem:s1+$0xD2B0] =	vst v0;
	v0 =	vadd.f32 v6, v1;
	v1 =	vld [tilespmem:s1+$0x52F0]  }
0xab: {  	v6 =	vld [tilespmem:s1+$0x92F0]  }
0xac: {  	[tilespmem:s1+$0xD2C0] =	vst v0;
	v0 =	vadd.f32 v4, v3;
	v3 =	vld [tilespmem:s1+$0x5300]  }
0xad: {  	v4 =	vld [tilespmem:s1+$0x9300]  }
0xae: {  	[tilespmem:s1+$0xD2D0] =	vst v0;
	v0 =	vadd.f32 v5, v2;
	v2 =	vld [tilespmem:s1+$0x5310]  }
0xaf: {  	v5 =	vld [tilespmem:s1+$0x9310]  }
0xb0: {  	[tilespmem:s1+$0xD2E0] =	vst v0;
	v0 =	vadd.f32 v6, v1;
	v1 =	vld [tilespmem:s1+$0x5320]  }
0xb1: {  	v6 =	vld [tilespmem:s1+$0x9320]  }
0xb2: {  	[tilespmem:s1+$0xD2F0] =	vst v0;
	v0 =	vadd.f32 v4, v3;
	v3 =	vld [tilespmem:s1+$0x5330]  }
0xb3: {  	v4 =	vld [tilespmem:s1+$0x9330]  }
0xb4: {  	[tilespmem:s1+$0xD300] =	vst v0;
	v0 =	vadd.f32 v5, v2;
	v2 =	vld [tilespmem:s1+$0x5340]  }
0xb5: {  	v5 =	vld [tilespmem:s1+$0x9340]  }
0xb6: {  	[tilespmem:s1+$0xD310] =	vst v0;
	v0 =	vadd.f32 v6, v1;
	v1 =	vld [tilespmem:s1+$0x5350]  }
0xb7: {  	v6 =	vld [tilespmem:s1+$0x9350]  }
0xb8: {  	[tilespmem:s1+$0xD320] =	vst v0;
	v0 =	vadd.f32 v4, v3;
	v3 =	vld [tilespmem:s1+$0x5360]  }
0xb9: {  	v4 =	vld [tilespmem:s1+$0x9360]  }
0xba: {  	[tilespmem:s1+$0xD330] =	vst v0;
	v0 =	vadd.f32 v5, v2;
	v2 =	vld [tilespmem:s1+$0x5370]  }
0xbb: {  	v5 =	vld [tilespmem:s1+$0x9370]  }
0xbc: {  	[tilespmem:s1+$0xD340] =	vst v0;
	v0 =	vadd.f32 v6, v1;
	v1 =	vld [tilespmem:s1+$0x5380]  }
0xbd: {  	v6 =	vld [tilespmem:s1+$0x9380]  }
0xbe: {  	[tilespmem:s1+$0xD350] =	vst v0;
	v0 =	vadd.f32 v4, v3;
	v3 =	vld [tilespmem:s1+$0x5390]  }
0xbf: {  	v4 =	vld [tilespmem:s1+$0x9390]  }
0xc0: {  	[tilespmem:s1+$0xD360] =	vst v0;
	v0 =	vadd.f32 v5, v2;
	v2 =	vld [tilespmem:s1+$0x53A0]  }
0xc1: {  	v5 =	vld [tilespmem:s1+$0x93A0]  }
0xc2: {  	[tilespmem:s1+$0xD370] =	vst v0;
	v0 =	vadd.f32 v6, v1;
	v1 =	vld [tilespmem:s1+$0x53B0]  }
0xc3: {  	v6 =	vld [tilespmem:s1+$0x93B0]  }
0xc4: {  	v8 =	vld [tilespmem:s1+$0x93C0]  }
0xc5: {  	v7 =	vld [tilespmem:s1+$0x53C0];
	[tilespmem:s1+$0xD380] =	vst v0;
	v0 =	vadd.f32 v4, v3  }
0xc6: {  	v3 =	vld [tilespmem:s1+$0x93D0]  }
0xc7: {  	[tilespmem:s1+$0xD390] =	vst v0;
	v0 =	vadd.f32 v5, v2;
	v2 =	vld [tilespmem:s1+$0x53D0]  }
0xc8: {  	v4 =	vld [tilespmem:s1+$0x93E0];
	v5 =	vadd.f32 v6, v1  }
0xc9: {  	s11 =	simm.s32 $0x200;
	[tilespmem:s1+$0xD3A0] =	vst v0;
	v0 =	vld [tilespmem:s1+$0x53E0]  }
0xca: {  	s0 =	simm.s32 $0x1000;
	v1 =	vld [tilespmem:s11+$0x53F0];
	[tilespmem:s1+$0xD3B0] =	vst v5;
	v5 =	vadd.f32 v8, v7  }
.LBB2_4:
0xcb: {  	p0 =	sne.s32 s0, $0xF800;
	v6 =	vld [tilespmem:s11+$0x93F0]  }
0xcc: {  	v7 =	vld [tilespmem:s11+$0x5200];
	[tilespmem:s1+$0xD3C0] =	vst v5;
	v2 =	vadd.f32 v3, v2  }
0xcd: {  	v3 =	vld [tilespmem:s11+$0x9200]  }
0xce: {  	v5 =	vld [tilespmem:s11+$0x5210];
	[tilespmem:s1+$0xD3D0] =	vst v2;
	v0 =	vadd.f32 v4, v0  }
0xcf: {  	v2 =	vld [tilespmem:s11+$0x9210]  }
0xd0: {  	v4 =	vld [tilespmem:s11+$0x5220];
	v1 =	vadd.f32 v6, v1;
	[tilespmem:s1+$0xD3E0] =	vst v0;
	s1 =	smov.u32 s11  }
0xd1: {  	v0 =	vld [tilespmem:s1+$0x9220]  }
0xd2: {  	v3 =	vadd.f32 v3, v7;
	v6 =	vld [tilespmem:s1+$0x5230];
	[tilespmem:s1+$0xD3F0] =	vst v1  }
0xd3: {  	v1 =	vld [tilespmem:s1+$0x9230]  }
0xd4: {  	[tilespmem:s1+$0xD200] =	vst v3;
	v2 =	vadd.f32 v2, v5;
	v3 =	vld [tilespmem:s1+$0x5240]  }
0xd5: {  	v5 =	vld [tilespmem:s1+$0x9240]  }
0xd6: {  	[tilespmem:s1+$0xD210] =	vst v2;
	v0 =	vadd.f32 v0, v4;
	v2 =	vld [tilespmem:s1+$0x5250]  }
0xd7: {  	v4 =	vld [tilespmem:s1+$0x9250]  }
0xd8: {  	[tilespmem:s1+$0xD220] =	vst v0;
	v0 =	vadd.f32 v1, v6;
	v1 =	vld [tilespmem:s1+$0x5260]  }
0xd9: {  	v6 =	vld [tilespmem:s1+$0x9260]  }
0xda: {  	[tilespmem:s1+$0xD230] =	vst v0;
	v0 =	vadd.f32 v5, v3;
	v3 =	vld [tilespmem:s1+$0x5270]  }
0xdb: {  	v5 =	vld [tilespmem:s1+$0x9270]  }
0xdc: {  	[tilespmem:s1+$0xD240] =	vst v0;
	v0 =	vadd.f32 v4, v2;
	v2 =	vld [tilespmem:s1+$0x5280]  }
0xdd: {  	v4 =	vld [tilespmem:s1+$0x9280]  }
0xde: {  	[tilespmem:s1+$0xD250] =	vst v0;
	v0 =	vadd.f32 v6, v1;
	v1 =	vld [tilespmem:s1+$0x5290]  }
0xdf: {  	v6 =	vld [tilespmem:s1+$0x9290]  }
0xe0: {  	[tilespmem:s1+$0xD260] =	vst v0;
	v0 =	vadd.f32 v5, v3;
	v3 =	vld [tilespmem:s1+$0x52A0]  }
0xe1: {  	v5 =	vld [tilespmem:s1+$0x92A0]  }
0xe2: {  	[tilespmem:s1+$0xD270] =	vst v0;
	v0 =	vadd.f32 v4, v2;
	v2 =	vld [tilespmem:s1+$0x52B0]  }
0xe3: {  	v4 =	vld [tilespmem:s1+$0x92B0]  }
0xe4: {  	[tilespmem:s1+$0xD280] =	vst v0;
	v0 =	vadd.f32 v6, v1;
	v1 =	vld [tilespmem:s1+$0x52C0]  }
0xe5: {  	v6 =	vld [tilespmem:s1+$0x92C0]  }
0xe6: {  	[tilespmem:s1+$0xD290] =	vst v0;
	v0 =	vadd.f32 v5, v3;
	v3 =	vld [tilespmem:s1+$0x52D0]  }
0xe7: {  	v5 =	vld [tilespmem:s1+$0x92D0]  }
0xe8: {  	[tilespmem:s1+$0xD2A0] =	vst v0;
	v0 =	vadd.f32 v4, v2;
	v2 =	vld [tilespmem:s1+$0x52E0]  }
0xe9: {  	v4 =	vld [tilespmem:s1+$0x92E0]  }
0xea: {  	[tilespmem:s1+$0xD2B0] =	vst v0;
	v0 =	vadd.f32 v6, v1;
	v1 =	vld [tilespmem:s1+$0x52F0]  }
0xeb: {  	v6 =	vld [tilespmem:s1+$0x92F0]  }
0xec: {  	[tilespmem:s1+$0xD2C0] =	vst v0;
	v0 =	vadd.f32 v5, v3;
	v3 =	vld [tilespmem:s1+$0x5300]  }
0xed: {  	v5 =	vld [tilespmem:s1+$0x9300]  }
0xee: {  	[tilespmem:s1+$0xD2D0] =	vst v0;
	v0 =	vadd.f32 v4, v2;
	v2 =	vld [tilespmem:s1+$0x5310]  }
0xef: {  	v4 =	vld [tilespmem:s1+$0x9310]  }
0xf0: {  	[tilespmem:s1+$0xD2E0] =	vst v0;
	v0 =	vadd.f32 v6, v1;
	v1 =	vld [tilespmem:s1+$0x5320]  }
0xf1: {  	v6 =	vld [tilespmem:s1+$0x9320]  }
0xf2: {  	[tilespmem:s1+$0xD2F0] =	vst v0;
	v0 =	vadd.f32 v5, v3;
	v3 =	vld [tilespmem:s1+$0x5330]  }
0xf3: {  	v5 =	vld [tilespmem:s1+$0x9330]  }
0xf4: {  	[tilespmem:s1+$0xD300] =	vst v0;
	v0 =	vadd.f32 v4, v2;
	v2 =	vld [tilespmem:s1+$0x5340]  }
0xf5: {  	v4 =	vld [tilespmem:s1+$0x9340]  }
0xf6: {  	[tilespmem:s1+$0xD310] =	vst v0;
	v0 =	vadd.f32 v6, v1;
	v1 =	vld [tilespmem:s1+$0x5350]  }
0xf7: {  	v6 =	vld [tilespmem:s1+$0x9350]  }
0xf8: {  	[tilespmem:s1+$0xD320] =	vst v0;
	v0 =	vadd.f32 v5, v3;
	v3 =	vld [tilespmem:s1+$0x5360]  }
0xf9: {  	v5 =	vld [tilespmem:s1+$0x9360]  }
0xfa: {  	[tilespmem:s1+$0xD330] =	vst v0;
	v0 =	vadd.f32 v4, v2;
	v2 =	vld [tilespmem:s1+$0x5370]  }
0xfb: {  	v4 =	vld [tilespmem:s1+$0x9370]  }
0xfc: {  	[tilespmem:s1+$0xD340] =	vst v0;
	v0 =	vadd.f32 v6, v1;
	v1 =	vld [tilespmem:s1+$0x5380]  }
0xfd: {  	v6 =	vld [tilespmem:s1+$0x9380]  }
0xfe: {  	[tilespmem:s1+$0xD350] =	vst v0;
	v0 =	vadd.f32 v5, v3;
	v3 =	vld [tilespmem:s1+$0x5390]  }
0xff: {  	v5 =	vld [tilespmem:s1+$0x9390]  }
0x100: {  	[tilespmem:s1+$0xD360] =	vst v0;
	v0 =	vadd.f32 v4, v2;
	v2 =	vld [tilespmem:s1+$0x53A0]  }
0x101: {  	v4 =	vld [tilespmem:s1+$0x93A0]  }
0x102: {  	[tilespmem:s1+$0xD370] =	vst v0;
	v0 =	vadd.f32 v6, v1;
	v1 =	vld [tilespmem:s1+$0x53B0]  }
0x103: {  	v6 =	vld [tilespmem:s1+$0x93B0]  }
0x104: {  	[tilespmem:s1+$0xD380] =	vst v0;
	v0 =	vadd.f32 v5, v3;
	v5 =	vld [tilespmem:s1+$0x53C0]  }
0x105: {  	v7 =	vld [tilespmem:s1+$0x93C0]  }
.Ltmp5:
0x106: {  	[tilespmem:s1+$0xD390] =	vst v0;
	v0 =	vadd.f32 v4, v2;
	v2 =	vld [tilespmem:s1+$0x53D0];
	(pc) =	sbr.rel @p0 .LBB2_4-.Ltmp5, $4  }
0x107: {  	v3 =	vld [tilespmem:s1+$0x93D0]  }
0x108: {  	[tilespmem:s1+$0xD3A0] =	vst v0;
	v6 =	vadd.f32 v6, v1;
	v0 =	vld [tilespmem:s1+$0x53E0]  }
0x109: {  	s11 =	sshra.s32 s0, $0x2;
	v4 =	vld [tilespmem:s1+$0x93E0]  }
0x10a: {  	s0 =	sadd.s32 $0x800, s0;
	v1 =	vld [tilespmem:s11+$0x53F0];
	[tilespmem:s1+$0xD3B0] =	vst v6;
	v5 =	vadd.f32 v7, v5  }
0x10b: {  	v6 =	vld [tilespmem:s11+$0x93F0]  }
0x10c: {  	v7 =	vld [tilespmem:s11+$0x5200];
	[tilespmem:s1+$0xD3C0] =	vst v5;
	v2 =	vadd.f32 v3, v2  }
0x10d: {  	v35 =	vld [tilespmem:s11+$0x9200]  }
0x10e: {  	v5 =	vld [tilespmem:s11+$0x5210];
	[tilespmem:s1+$0xD3D0] =	vst v2;
	v0 =	vadd.f32 v4, v0  }
0x10f: {  	v2 =	vld [tilespmem:s11+$0x9210]  }
0x110: {  	v36 =	vld [tilespmem:s11+$0x5220];
	[tilespmem:s1+$0xD3E0] =	vst v0  }
0x111: {  	v38 =	vld [tilespmem:s11+$0x9220]  }
0x112: {  	v39 =	vld [tilespmem:s11+$0x5230]  }
0x113: {  	v40 =	vld [tilespmem:s11+$0x9230]  }
0x114: {  	v41 =	vld [tilespmem:s11+$0x5240]  }
0x115: {  	v42 =	vld [tilespmem:s11+$0x9240]  }
0x116: {  	v43 =	vld [tilespmem:s11+$0x5250]  }
0x117: {  	v44 =	vld [tilespmem:s11+$0x9250]  }
0x118: {  	v45 =	vld [tilespmem:s11+$0x5260]  }
0x119: {  	v46 =	vld [tilespmem:s11+$0x9260]  }
0x11a: {  	v48 =	vld [tilespmem:s11+$0x5270]  }
0x11b: {  	v49 =	vld [tilespmem:s11+$0x9270]  }
0x11c: {  	v51 =	vld [tilespmem:s11+$0x5280]  }
0x11d: {  	v52 =	vld [tilespmem:s11+$0x9280]  }
0x11e: {  	v54 =	vld [tilespmem:s11+$0x5290]  }
0x11f: {  	v55 =	vld [tilespmem:s11+$0x9290]  }
0x120: {  	v57 =	vld [tilespmem:s11+$0x52A0]  }
0x121: {  	v58 =	vld [tilespmem:s11+$0x92A0]  }
0x122: {  	v60 =	vld [tilespmem:s11+$0x52B0]  }
0x123: {  	v61 =	vld [tilespmem:s11+$0x92B0]  }
0x124: {  	v63 =	vld [tilespmem:s11+$0x52C0]  }
0x125: {  	v9 =	vld [tilespmem:s11+$0x92C0]  }
0x126: {  	v11 =	vld [tilespmem:s11+$0x52D0]  }
0x127: {  	v12 =	vld [tilespmem:s11+$0x92D0]  }
0x128: {  	v14 =	vld [tilespmem:s11+$0x52E0]  }
0x129: {  	v15 =	vld [tilespmem:s11+$0x92E0]  }
0x12a: {  	v17 =	vld [tilespmem:s11+$0x52F0]  }
0x12b: {  	v18 =	vld [tilespmem:s11+$0x92F0]  }
0x12c: {  	v20 =	vld [tilespmem:s11+$0x5300]  }
0x12d: {  	v21 =	vld [tilespmem:s11+$0x9300]  }
0x12e: {  	v23 =	vld [tilespmem:s11+$0x5310]  }
0x12f: {  	v37 =	vadd.f32 v6, v1;
	v24 =	vld [tilespmem:s11+$0x9310]  }
0x130: {  	v26 =	vld [tilespmem:s11+$0x5320];
	v3 =	vadd.f32 v35, v7  }
0x131: {  	v27 =	vld [tilespmem:s11+$0x9320];
	[tilespmem:s11+$0xD3F0] =	vst v37;
	v2 =	vadd.f32 v2, v5  }
0x132: {  	v29 =	vld [tilespmem:s11+$0x5330];
	[tilespmem:s11+$0xD200] =	vst v3;
	v1 =	vadd.f32 v38, v36  }
0x133: {  	v30 =	vld [tilespmem:s11+$0x9330];
	[tilespmem:s11+$0xD210] =	vst v2;
	v0 =	vadd.f32 v40, v39  }
0x134: {  	v32 =	vld [tilespmem:s11+$0x5340];
	v47 =	vadd.f32 v42, v41;
	[tilespmem:s11+$0xD220] =	vst v1  }
0x135: {  	v33 =	vld [tilespmem:s11+$0x9340];
	v50 =	vadd.f32 v44, v43;
	[tilespmem:s11+$0xD230] =	vst v0  }
0x136: {  	v35 =	vld [tilespmem:s11+$0x5350];
	v53 =	vadd.f32 v46, v45;
	[tilespmem:s11+$0xD240] =	vst v47  }
0x137: {  	v56 =	vadd.f32 v49, v48;
	v36 =	vld [tilespmem:s11+$0x9350];
	[tilespmem:s11+$0xD250] =	vst v50  }
0x138: {  	v59 =	vadd.f32 v52, v51;
	v38 =	vld [tilespmem:s11+$0x5360];
	[tilespmem:s11+$0xD260] =	vst v53  }
0x139: {  	v62 =	vadd.f32 v55, v54;
	v39 =	vld [tilespmem:s11+$0x9360];
	[tilespmem:s11+$0xD270] =	vst v56  }
0x13a: {  	v10 =	vadd.f32 v58, v57;
	v41 =	vld [tilespmem:s11+$0x5370];
	[tilespmem:s11+$0xD280] =	vst v59  }
0x13b: {  	v13 =	vadd.f32 v61, v60;
	v42 =	vld [tilespmem:s11+$0x9370];
	[tilespmem:s11+$0xD290] =	vst v62  }
0x13c: {  	v16 =	vadd.f32 v9, v63;
	v44 =	vld [tilespmem:s11+$0x5380];
	[tilespmem:s11+$0xD2A0] =	vst v10  }
0x13d: {  	v19 =	vadd.f32 v12, v11;
	v45 =	vld [tilespmem:s11+$0x9380];
	[tilespmem:s11+$0xD2B0] =	vst v13  }
0x13e: {  	v22 =	vadd.f32 v15, v14;
	v48 =	vld [tilespmem:s11+$0x9390];
	[tilespmem:s11+$0xD2C0] =	vst v16  }
0x13f: {  	v25 =	vadd.f32 v18, v17;
	v51 =	vld [tilespmem:s11+$0x93A0];
	[tilespmem:s11+$0xD2D0] =	vst v19  }
0x140: {  	v28 =	vadd.f32 v21, v20;
	v54 =	vld [tilespmem:s11+$0x93B0];
	[tilespmem:s11+$0xD2E0] =	vst v22  }
0x141: {  	v31 =	vadd.f32 v24, v23;
	v57 =	vld [tilespmem:s11+$0x93C0];
	[tilespmem:s11+$0xD2F0] =	vst v25  }
0x142: {  	v34 =	vadd.f32 v27, v26;
	v60 =	vld [tilespmem:s11+$0x93D0];
	[tilespmem:s11+$0xD300] =	vst v28  }
0x143: {  	v37 =	vadd.f32 v30, v29;
	v61 =	vld [tilespmem:s11+$0x53E0];
	[tilespmem:s11+$0xD310] =	vst v31  }
0x144: {  	v40 =	vadd.f32 v33, v32;
	[tilespmem:s11+$0xD320] =	vst v34;
	v47 =	vld [tilespmem:s11+$0x5390]  }
0x145: {  	[tilespmem:s11+$0xD330] =	vst v37;
	v50 =	vld [tilespmem:s11+$0x53A0];
	v43 =	vadd.f32 v36, v35  }
0x146: {  	[tilespmem:s11+$0xD340] =	vst v40;
	v53 =	vld [tilespmem:s11+$0x53B0];
	v46 =	vadd.f32 v39, v38  }
0x147: {  	v56 =	vld [tilespmem:s11+$0x53C0];
	v49 =	vadd.f32 v42, v41;
	[tilespmem:s11+$0xD350] =	vst v43  }
0x148: {  	v59 =	vld [tilespmem:s11+$0x53D0];
	v52 =	vadd.f32 v45, v44;
	[tilespmem:s11+$0xD360] =	vst v46  }
0x149: {  	v62 =	vld [tilespmem:s11+$0x93E0];
	[tilespmem:s11+$0xD370] =	vst v49;
	v55 =	vadd.f32 v48, v47  }
0x14a: {  	[tilespmem:s11+$0xD380] =	vst v52;
	v58 =	vadd.f32 v51, v50  }
0x14b: {  	v1 =	vadd.f32 v54, v53;
	[tilespmem:s11+$0xD390] =	vst v55  }
0x14c: {  	v3 =	vadd.f32 v57, v56;
	[tilespmem:s11+$0xD3A0] =	vst v58  }
0x14d: {  	v63 =	vadd.f32 v60, v59;
	[tilespmem:s11+$0xD3B0] =	vst v1  }
0x14e: {  	v0 =	vadd.f32 v62, v61;
	[tilespmem:s11+$0xD3C0] =	vst v3  }
0x14f: {  	[tilespmem:s11+$0xD3D0] =	vst v63  }
0x150: {  	[tilespmem:s11+$0xD3E0] =	vst v0  }
.LBB2_6:
0x151: {  	s0 =	sadd.s32 $0x2, s30  }
0x152: {  	p0 =	seq.s32 s29, $0x27;
	s1 =	sadd.s32 s6, s0  }
0x153: {  	p2 =	sgt.u32 @!p0 s1, $0x9C3  }
0x154: {  	p2 =	por p2, p0  }
0x155: {  	s0 =	sshll.u32 @!p2 s0, $0x7  }
0x156: {  	v0 =	vld @!p2 [tilespmem:s0+$0x0];
	_ =	sdelay $0x4  }
0x157: {  	[tilespmem:$0x5000] =	vst @!p2 v0  }
0x158: {  	v0 =	vld @!p2 [tilespmem:s0+$0x2800];
	_ =	sdelay $0x4  }
0x159: {  	[tilespmem:$0x5080] =	vst @!p2 v0  }
0x15a: {  	v0 =	vld @!p2 [tilespmem:s0+$0x10];
	_ =	sdelay $0x4  }
0x15b: {  	[tilespmem:$0x5010] =	vst @!p2 v0  }
0x15c: {  	v0 =	vld @!p2 [tilespmem:s0+$0x2810];
	_ =	sdelay $0x4  }
0x15d: {  	[tilespmem:$0x5090] =	vst @!p2 v0  }
0x15e: {  	v0 =	vld @!p2 [tilespmem:s0+$0x20];
	_ =	sdelay $0x4  }
0x15f: {  	[tilespmem:$0x5020] =	vst @!p2 v0  }
0x160: {  	v0 =	vld @!p2 [tilespmem:s0+$0x2820];
	_ =	sdelay $0x4  }
0x161: {  	[tilespmem:$0x50A0] =	vst @!p2 v0  }
0x162: {  	v0 =	vld @!p2 [tilespmem:s0+$0x30];
	_ =	sdelay $0x4  }
0x163: {  	[tilespmem:$0x5030] =	vst @!p2 v0  }
0x164: {  	v0 =	vld @!p2 [tilespmem:s0+$0x2830];
	_ =	sdelay $0x4  }
0x165: {  	[tilespmem:$0x50B0] =	vst @!p2 v0  }
0x166: {  	v0 =	vld @!p2 [tilespmem:s0+$0x40];
	_ =	sdelay $0x4  }
0x167: {  	[tilespmem:$0x5040] =	vst @!p2 v0  }
0x168: {  	v0 =	vld @!p2 [tilespmem:s0+$0x2840];
	_ =	sdelay $0x4  }
0x169: {  	[tilespmem:$0x50C0] =	vst @!p2 v0  }
0x16a: {  	v0 =	vld @!p2 [tilespmem:s0+$0x50];
	_ =	sdelay $0x4  }
0x16b: {  	[tilespmem:$0x5050] =	vst @!p2 v0  }
0x16c: {  	v0 =	vld @!p2 [tilespmem:s0+$0x2850];
	_ =	sdelay $0x4  }
0x16d: {  	[tilespmem:$0x50D0] =	vst @!p2 v0  }
0x16e: {  	v0 =	vld @!p2 [tilespmem:s0+$0x60];
	_ =	sdelay $0x4  }
0x16f: {  	[tilespmem:$0x5060] =	vst @!p2 v0  }
0x170: {  	v0 =	vld @!p2 [tilespmem:s0+$0x2860];
	_ =	sdelay $0x4  }
0x171: {  	[tilespmem:$0x50E0] =	vst @!p2 v0  }
0x172: {  	v0 =	vld @!p2 [tilespmem:s0+$0x70];
	_ =	sdelay $0x4  }
0x173: {  	[tilespmem:$0x5070] =	vst @!p2 v0  }
0x174: {  	v0 =	vld @!p2 [tilespmem:s0+$0x2870];
	_ =	sdelay $0x4  }
0x175: {  	s1 =	simm.s32 @!p2 $0x5000;
	s11 =	simm.s32 @!p2 $0x5200;
	s0 =	simm.s32 @!p2 $0x80;
	[tilespmem:$0x50F0] =	vst @!p2 v0  }
0x176: {  	[tilespmem:s11], [sflag:$0x1] =	stream.indirect.gather @!p2 [hbm4b:s2+s0], $0x80, s1, s0, $0xb8;
	[tilespmem:$0x1D200] =	vst v63  }
0x177: {  	s1 =	simm.s32 @!p2 $0x5080;
	s11 =	simm.s32 @!p2 $0x9200  }
0x178: {  	[tilespmem:s11], [sflag:$0x2] =	stream.indirect.gather @!p2 [hbm4b:s3+s0], $0x80, s1, s0, $0xb8;
	[tilespmem:$0x1D200] =	vst v63  }
0x179: {  	s0 =	sshll.u32 @!p1 s31, $0xB  }
0x17a: {  	s1 =	simm.s32 @!p1 $0x0;
	s11 =	simm.s32 @!p1 $0xD200;
	s0 =	sadd.s32 @!p1 s5, s0  }
0x17b: {  	[hbm4b:s0+s1] =	stream.linear.scatter @!p1 [tilespmem:s11], [sflag:$0x5], $0x4000, $0x38;
	[tilespmem:$0x1D200] =	vst v63  }
0x17c: {  	s11 =	sadd.s32 s30, s6  }
0x17d: {  	s31 =	sadd.s32 $0x1, s11  }
0x17e: {  	p1 =	sgt.u32 s31, $0x9C3  }
.Ltmp6:
0x17f: {  	_ = 	snop;
	(pc) =	sbr.rel @p1 .LBB2_10-.Ltmp6, $1  }
0x180: {  	_ =	sdelay $0x3  }
0x181: {  	_ =	swait.ge [sflag:s23], $0x4000  }
0x182: {  	[sflag:s23] =	ssyncset.done $0x0  }
0x183: {  	[sflag:s23] =	ssyncadd.s32 $0xFFFFC000  }
0x184: {  	_ =	swait.ge [sflag:s24], $0x4000  }
0x185: {  	p2 =	seq.s32 s29, $0x0;
	[sflag:s24] =	ssyncset.done $0x0  }
0x186: {  	s0 =	simm.s32 @!p2 $0x6;
	[sflag:s24] =	ssyncadd.s32 $0xFFFFC000  }
0x187: {  	_ =	swait.ge @!p2 [sflag:s0], $0x4000  }
0x188: {  	[sflag:s0] =	ssyncset.done @!p2 $0x0  }
0x189: {  	s1 =	simm.s32 $0x0;
	[sflag:s0] =	ssyncadd.s32 @!p2 $0xFFFFC000  }
0x18a: {  	v0 =	vld [tilespmem:s1+$0x113F0]  }
0x18b: {  	v1 =	vld [tilespmem:s1+$0x153F0]  }
0x18c: {  	v2 =	vld [tilespmem:s1+$0x11200]  }
0x18d: {  	v3 =	vld [tilespmem:s1+$0x15200]  }
0x18e: {  	v4 =	vld [tilespmem:s1+$0x11210]  }
0x18f: {  	v5 =	vld [tilespmem:s1+$0x15210]  }
0x190: {  	v6 =	vld [tilespmem:s1+$0x11220]  }
0x191: {  	v7 =	vld [tilespmem:s1+$0x11230];
	v0 =	vadd.f32 v1, v0  }
0x192: {  	v1 =	vld [tilespmem:s1+$0x15220]  }
0x193: {  	v2 =	vadd.f32 v3, v2;
	[tilespmem:s1+$0x193F0] =	vst v0;
	v0 =	vld [tilespmem:s1+$0x15230]  }
0x194: {  	v3 =	vld [tilespmem:s1+$0x11240]  }
0x195: {  	[tilespmem:s1+$0x19200] =	vst v2;
	v2 =	vadd.f32 v5, v4;
	v4 =	vld [tilespmem:s1+$0x15240]  }
0x196: {  	v5 =	vld [tilespmem:s1+$0x15250]  }
0x197: {  	[tilespmem:s1+$0x19210] =	vst v2;
	v2 =	vld [tilespmem:s1+$0x11250];
	v1 =	vadd.f32 v1, v6  }
0x198: {  	v6 =	vld [tilespmem:s1+$0x15260];
	v0 =	vadd.f32 v0, v7  }
0x199: {  	[tilespmem:s1+$0x19220] =	vst v1;
	v1 =	vld [tilespmem:s1+$0x11260]  }
0x19a: {  	[tilespmem:s1+$0x19230] =	vst v0;
	v0 =	vadd.f32 v4, v3;
	v3 =	vld [tilespmem:s1+$0x11270]  }
0x19b: {  	v4 =	vld [tilespmem:s1+$0x15270]  }
0x19c: {  	[tilespmem:s1+$0x19240] =	vst v0;
	v0 =	vadd.f32 v5, v2;
	v2 =	vld [tilespmem:s1+$0x11280]  }
0x19d: {  	v5 =	vld [tilespmem:s1+$0x15280]  }
0x19e: {  	[tilespmem:s1+$0x19250] =	vst v0;
	v0 =	vadd.f32 v6, v1;
	v1 =	vld [tilespmem:s1+$0x11290]  }
0x19f: {  	v6 =	vld [tilespmem:s1+$0x15290]  }
0x1a0: {  	[tilespmem:s1+$0x19260] =	vst v0;
	v0 =	vadd.f32 v4, v3;
	v3 =	vld [tilespmem:s1+$0x112A0]  }
0x1a1: {  	v4 =	vld [tilespmem:s1+$0x152A0]  }
0x1a2: {  	[tilespmem:s1+$0x19270] =	vst v0;
	v0 =	vadd.f32 v5, v2;
	v2 =	vld [tilespmem:s1+$0x112B0]  }
0x1a3: {  	v5 =	vld [tilespmem:s1+$0x152B0]  }
0x1a4: {  	[tilespmem:s1+$0x19280] =	vst v0;
	v0 =	vadd.f32 v6, v1;
	v1 =	vld [tilespmem:s1+$0x112C0]  }
0x1a5: {  	v6 =	vld [tilespmem:s1+$0x152C0]  }
0x1a6: {  	[tilespmem:s1+$0x19290] =	vst v0;
	v0 =	vadd.f32 v4, v3;
	v3 =	vld [tilespmem:s1+$0x112D0]  }
0x1a7: {  	v4 =	vld [tilespmem:s1+$0x152D0]  }
0x1a8: {  	[tilespmem:s1+$0x192A0] =	vst v0;
	v0 =	vadd.f32 v5, v2;
	v2 =	vld [tilespmem:s1+$0x112E0]  }
0x1a9: {  	v5 =	vld [tilespmem:s1+$0x152E0]  }
0x1aa: {  	[tilespmem:s1+$0x192B0] =	vst v0;
	v0 =	vadd.f32 v6, v1;
	v1 =	vld [tilespmem:s1+$0x112F0]  }
0x1ab: {  	v6 =	vld [tilespmem:s1+$0x152F0]  }
0x1ac: {  	[tilespmem:s1+$0x192C0] =	vst v0;
	v0 =	vadd.f32 v4, v3;
	v3 =	vld [tilespmem:s1+$0x11300]  }
0x1ad: {  	v4 =	vld [tilespmem:s1+$0x15300]  }
0x1ae: {  	[tilespmem:s1+$0x192D0] =	vst v0;
	v0 =	vadd.f32 v5, v2;
	v2 =	vld [tilespmem:s1+$0x11310]  }
0x1af: {  	v5 =	vld [tilespmem:s1+$0x15310]  }
0x1b0: {  	[tilespmem:s1+$0x192E0] =	vst v0;
	v0 =	vadd.f32 v6, v1;
	v1 =	vld [tilespmem:s1+$0x11320]  }
0x1b1: {  	v6 =	vld [tilespmem:s1+$0x15320]  }
0x1b2: {  	[tilespmem:s1+$0x192F0] =	vst v0;
	v0 =	vadd.f32 v4, v3;
	v3 =	vld [tilespmem:s1+$0x11330]  }
0x1b3: {  	v4 =	vld [tilespmem:s1+$0x15330]  }
0x1b4: {  	[tilespmem:s1+$0x19300] =	vst v0;
	v0 =	vadd.f32 v5, v2;
	v2 =	vld [tilespmem:s1+$0x11340]  }
0x1b5: {  	v5 =	vld [tilespmem:s1+$0x15340]  }
0x1b6: {  	[tilespmem:s1+$0x19310] =	vst v0;
	v0 =	vadd.f32 v6, v1;
	v1 =	vld [tilespmem:s1+$0x11350]  }
0x1b7: {  	v6 =	vld [tilespmem:s1+$0x15350]  }
0x1b8: {  	[tilespmem:s1+$0x19320] =	vst v0;
	v0 =	vadd.f32 v4, v3;
	v3 =	vld [tilespmem:s1+$0x11360]  }
0x1b9: {  	v4 =	vld [tilespmem:s1+$0x15360]  }
0x1ba: {  	[tilespmem:s1+$0x19330] =	vst v0;
	v0 =	vadd.f32 v5, v2;
	v2 =	vld [tilespmem:s1+$0x11370]  }
0x1bb: {  	v5 =	vld [tilespmem:s1+$0x15370]  }
0x1bc: {  	[tilespmem:s1+$0x19340] =	vst v0;
	v0 =	vadd.f32 v6, v1;
	v1 =	vld [tilespmem:s1+$0x11380]  }
0x1bd: {  	v6 =	vld [tilespmem:s1+$0x15380]  }
0x1be: {  	[tilespmem:s1+$0x19350] =	vst v0;
	v0 =	vadd.f32 v4, v3;
	v3 =	vld [tilespmem:s1+$0x11390]  }
0x1bf: {  	v4 =	vld [tilespmem:s1+$0x15390]  }
0x1c0: {  	[tilespmem:s1+$0x19360] =	vst v0;
	v0 =	vadd.f32 v5, v2;
	v2 =	vld [tilespmem:s1+$0x113A0]  }
0x1c1: {  	v5 =	vld [tilespmem:s1+$0x153A0]  }
0x1c2: {  	[tilespmem:s1+$0x19370] =	vst v0;
	v0 =	vadd.f32 v6, v1;
	v1 =	vld [tilespmem:s1+$0x113B0]  }
0x1c3: {  	v6 =	vld [tilespmem:s1+$0x153B0]  }
0x1c4: {  	v8 =	vld [tilespmem:s1+$0x153C0]  }
0x1c5: {  	v7 =	vld [tilespmem:s1+$0x113C0];
	[tilespmem:s1+$0x19380] =	vst v0;
	v0 =	vadd.f32 v4, v3  }
0x1c6: {  	v3 =	vld [tilespmem:s1+$0x153D0]  }
0x1c7: {  	[tilespmem:s1+$0x19390] =	vst v0;
	v0 =	vadd.f32 v5, v2;
	v2 =	vld [tilespmem:s1+$0x113D0]  }
0x1c8: {  	v4 =	vld [tilespmem:s1+$0x153E0];
	v5 =	vadd.f32 v6, v1  }
0x1c9: {  	s11 =	simm.s32 $0x200;
	[tilespmem:s1+$0x193A0] =	vst v0;
	v0 =	vld [tilespmem:s1+$0x113E0]  }
0x1ca: {  	s0 =	simm.s32 $0x1000;
	v1 =	vld [tilespmem:s11+$0x113F0];
	[tilespmem:s1+$0x193B0] =	vst v5;
	v5 =	vadd.f32 v8, v7  }
.LBB2_8:
0x1cb: {  	p2 =	sne.s32 s0, $0xF800;
	v6 =	vld [tilespmem:s11+$0x153F0]  }
0x1cc: {  	v7 =	vld [tilespmem:s11+$0x11200];
	[tilespmem:s1+$0x193C0] =	vst v5;
	v2 =	vadd.f32 v3, v2  }
0x1cd: {  	v3 =	vld [tilespmem:s11+$0x15200]  }
0x1ce: {  	v5 =	vld [tilespmem:s11+$0x11210];
	[tilespmem:s1+$0x193D0] =	vst v2;
	v0 =	vadd.f32 v4, v0  }
0x1cf: {  	v2 =	vld [tilespmem:s11+$0x15210]  }
0x1d0: {  	v4 =	vld [tilespmem:s11+$0x11220];
	v1 =	vadd.f32 v6, v1;
	[tilespmem:s1+$0x193E0] =	vst v0;
	s1 =	smov.u32 s11  }
0x1d1: {  	v0 =	vld [tilespmem:s1+$0x15220]  }
0x1d2: {  	v3 =	vadd.f32 v3, v7;
	v6 =	vld [tilespmem:s1+$0x11230];
	[tilespmem:s1+$0x193F0] =	vst v1  }
0x1d3: {  	v1 =	vld [tilespmem:s1+$0x15230]  }
0x1d4: {  	[tilespmem:s1+$0x19200] =	vst v3;
	v2 =	vadd.f32 v2, v5;
	v3 =	vld [tilespmem:s1+$0x11240]  }
0x1d5: {  	v5 =	vld [tilespmem:s1+$0x15240]  }
0x1d6: {  	[tilespmem:s1+$0x19210] =	vst v2;
	v0 =	vadd.f32 v0, v4;
	v2 =	vld [tilespmem:s1+$0x11250]  }
0x1d7: {  	v4 =	vld [tilespmem:s1+$0x15250]  }
0x1d8: {  	[tilespmem:s1+$0x19220] =	vst v0;
	v0 =	vadd.f32 v1, v6;
	v1 =	vld [tilespmem:s1+$0x11260]  }
0x1d9: {  	v6 =	vld [tilespmem:s1+$0x15260]  }
0x1da: {  	[tilespmem:s1+$0x19230] =	vst v0;
	v0 =	vadd.f32 v5, v3;
	v3 =	vld [tilespmem:s1+$0x11270]  }
0x1db: {  	v5 =	vld [tilespmem:s1+$0x15270]  }
0x1dc: {  	[tilespmem:s1+$0x19240] =	vst v0;
	v0 =	vadd.f32 v4, v2;
	v2 =	vld [tilespmem:s1+$0x11280]  }
0x1dd: {  	v4 =	vld [tilespmem:s1+$0x15280]  }
0x1de: {  	[tilespmem:s1+$0x19250] =	vst v0;
	v0 =	vadd.f32 v6, v1;
	v1 =	vld [tilespmem:s1+$0x11290]  }
0x1df: {  	v6 =	vld [tilespmem:s1+$0x15290]  }
0x1e0: {  	[tilespmem:s1+$0x19260] =	vst v0;
	v0 =	vadd.f32 v5, v3;
	v3 =	vld [tilespmem:s1+$0x112A0]  }
0x1e1: {  	v5 =	vld [tilespmem:s1+$0x152A0]  }
0x1e2: {  	[tilespmem:s1+$0x19270] =	vst v0;
	v0 =	vadd.f32 v4, v2;
	v2 =	vld [tilespmem:s1+$0x112B0]  }
0x1e3: {  	v4 =	vld [tilespmem:s1+$0x152B0]  }
0x1e4: {  	[tilespmem:s1+$0x19280] =	vst v0;
	v0 =	vadd.f32 v6, v1;
	v1 =	vld [tilespmem:s1+$0x112C0]  }
0x1e5: {  	v6 =	vld [tilespmem:s1+$0x152C0]  }
0x1e6: {  	[tilespmem:s1+$0x19290] =	vst v0;
	v0 =	vadd.f32 v5, v3;
	v3 =	vld [tilespmem:s1+$0x112D0]  }
0x1e7: {  	v5 =	vld [tilespmem:s1+$0x152D0]  }
0x1e8: {  	[tilespmem:s1+$0x192A0] =	vst v0;
	v0 =	vadd.f32 v4, v2;
	v2 =	vld [tilespmem:s1+$0x112E0]  }
0x1e9: {  	v4 =	vld [tilespmem:s1+$0x152E0]  }
0x1ea: {  	[tilespmem:s1+$0x192B0] =	vst v0;
	v0 =	vadd.f32 v6, v1;
	v1 =	vld [tilespmem:s1+$0x112F0]  }
0x1eb: {  	v6 =	vld [tilespmem:s1+$0x152F0]  }
0x1ec: {  	[tilespmem:s1+$0x192C0] =	vst v0;
	v0 =	vadd.f32 v5, v3;
	v3 =	vld [tilespmem:s1+$0x11300]  }
0x1ed: {  	v5 =	vld [tilespmem:s1+$0x15300]  }
0x1ee: {  	[tilespmem:s1+$0x192D0] =	vst v0;
	v0 =	vadd.f32 v4, v2;
	v2 =	vld [tilespmem:s1+$0x11310]  }
0x1ef: {  	v4 =	vld [tilespmem:s1+$0x15310]  }
0x1f0: {  	[tilespmem:s1+$0x192E0] =	vst v0;
	v0 =	vadd.f32 v6, v1;
	v1 =	vld [tilespmem:s1+$0x11320]  }
0x1f1: {  	v6 =	vld [tilespmem:s1+$0x15320]  }
0x1f2: {  	[tilespmem:s1+$0x192F0] =	vst v0;
	v0 =	vadd.f32 v5, v3;
	v3 =	vld [tilespmem:s1+$0x11330]  }
0x1f3: {  	v5 =	vld [tilespmem:s1+$0x15330]  }
0x1f4: {  	[tilespmem:s1+$0x19300] =	vst v0;
	v0 =	vadd.f32 v4, v2;
	v2 =	vld [tilespmem:s1+$0x11340]  }
0x1f5: {  	v4 =	vld [tilespmem:s1+$0x15340]  }
0x1f6: {  	[tilespmem:s1+$0x19310] =	vst v0;
	v0 =	vadd.f32 v6, v1;
	v1 =	vld [tilespmem:s1+$0x11350]  }
0x1f7: {  	v6 =	vld [tilespmem:s1+$0x15350]  }
0x1f8: {  	[tilespmem:s1+$0x19320] =	vst v0;
	v0 =	vadd.f32 v5, v3;
	v3 =	vld [tilespmem:s1+$0x11360]  }
0x1f9: {  	v5 =	vld [tilespmem:s1+$0x15360]  }
0x1fa: {  	[tilespmem:s1+$0x19330] =	vst v0;
	v0 =	vadd.f32 v4, v2;
	v2 =	vld [tilespmem:s1+$0x11370]  }
0x1fb: {  	v4 =	vld [tilespmem:s1+$0x15370]  }
0x1fc: {  	[tilespmem:s1+$0x19340] =	vst v0;
	v0 =	vadd.f32 v6, v1;
	v1 =	vld [tilespmem:s1+$0x11380]  }
0x1fd: {  	v6 =	vld [tilespmem:s1+$0x15380]  }
0x1fe: {  	[tilespmem:s1+$0x19350] =	vst v0;
	v0 =	vadd.f32 v5, v3;
	v3 =	vld [tilespmem:s1+$0x11390]  }
0x1ff: {  	v5 =	vld [tilespmem:s1+$0x15390]  }
0x200: {  	[tilespmem:s1+$0x19360] =	vst v0;
	v0 =	vadd.f32 v4, v2;
	v2 =	vld [tilespmem:s1+$0x113A0]  }
0x201: {  	v4 =	vld [tilespmem:s1+$0x153A0]  }
0x202: {  	[tilespmem:s1+$0x19370] =	vst v0;
	v0 =	vadd.f32 v6, v1;
	v1 =	vld [tilespmem:s1+$0x113B0]  }
0x203: {  	v6 =	vld [tilespmem:s1+$0x153B0]  }
0x204: {  	[tilespmem:s1+$0x19380] =	vst v0;
	v0 =	vadd.f32 v5, v3;
	v5 =	vld [tilespmem:s1+$0x113C0]  }
0x205: {  	v7 =	vld [tilespmem:s1+$0x153C0]  }
.Ltmp7:
0x206: {  	[tilespmem:s1+$0x19390] =	vst v0;
	v0 =	vadd.f32 v4, v2;
	v2 =	vld [tilespmem:s1+$0x113D0];
	(pc) =	sbr.rel @p2 .LBB2_8-.Ltmp7, $4  }
0x207: {  	v3 =	vld [tilespmem:s1+$0x153D0]  }
0x208: {  	[tilespmem:s1+$0x193A0] =	vst v0;
	v6 =	vadd.f32 v6, v1;
	v0 =	vld [tilespmem:s1+$0x113E0]  }
0x209: {  	s11 =	sshra.s32 s0, $0x2;
	v4 =	vld [tilespmem:s1+$0x153E0]  }
0x20a: {  	s0 =	sadd.s32 $0x800, s0;
	v1 =	vld [tilespmem:s11+$0x113F0];
	[tilespmem:s1+$0x193B0] =	vst v6;
	v5 =	vadd.f32 v7, v5  }
0x20b: {  	v6 =	vld [tilespmem:s11+$0x153F0]  }
0x20c: {  	v7 =	vld [tilespmem:s11+$0x11200];
	[tilespmem:s1+$0x193C0] =	vst v5;
	v2 =	vadd.f32 v3, v2  }
0x20d: {  	v35 =	vld [tilespmem:s11+$0x15200]  }
0x20e: {  	v5 =	vld [tilespmem:s11+$0x11210];
	[tilespmem:s1+$0x193D0] =	vst v2;
	v0 =	vadd.f32 v4, v0  }
0x20f: {  	v2 =	vld [tilespmem:s11+$0x15210]  }
0x210: {  	v36 =	vld [tilespmem:s11+$0x11220];
	[tilespmem:s1+$0x193E0] =	vst v0  }
0x211: {  	v38 =	vld [tilespmem:s11+$0x15220]  }
0x212: {  	v39 =	vld [tilespmem:s11+$0x11230]  }
0x213: {  	v40 =	vld [tilespmem:s11+$0x15230]  }
0x214: {  	v41 =	vld [tilespmem:s11+$0x11240]  }
0x215: {  	v42 =	vld [tilespmem:s11+$0x15240]  }
0x216: {  	v43 =	vld [tilespmem:s11+$0x11250]  }
0x217: {  	v44 =	vld [tilespmem:s11+$0x15250]  }
0x218: {  	v45 =	vld [tilespmem:s11+$0x11260]  }
0x219: {  	v46 =	vld [tilespmem:s11+$0x15260]  }
0x21a: {  	v48 =	vld [tilespmem:s11+$0x11270]  }
0x21b: {  	v49 =	vld [tilespmem:s11+$0x15270]  }
0x21c: {  	v51 =	vld [tilespmem:s11+$0x11280]  }
0x21d: {  	v52 =	vld [tilespmem:s11+$0x15280]  }
0x21e: {  	v54 =	vld [tilespmem:s11+$0x11290]  }
0x21f: {  	v55 =	vld [tilespmem:s11+$0x15290]  }
0x220: {  	v57 =	vld [tilespmem:s11+$0x112A0]  }
0x221: {  	v58 =	vld [tilespmem:s11+$0x152A0]  }
0x222: {  	v60 =	vld [tilespmem:s11+$0x112B0]  }
0x223: {  	v61 =	vld [tilespmem:s11+$0x152B0]  }
0x224: {  	v63 =	vld [tilespmem:s11+$0x112C0]  }
0x225: {  	v9 =	vld [tilespmem:s11+$0x152C0]  }
0x226: {  	v11 =	vld [tilespmem:s11+$0x112D0]  }
0x227: {  	v12 =	vld [tilespmem:s11+$0x152D0]  }
0x228: {  	v14 =	vld [tilespmem:s11+$0x112E0]  }
0x229: {  	v15 =	vld [tilespmem:s11+$0x152E0]  }
0x22a: {  	v17 =	vld [tilespmem:s11+$0x112F0]  }
0x22b: {  	v18 =	vld [tilespmem:s11+$0x152F0]  }
0x22c: {  	v20 =	vld [tilespmem:s11+$0x11300]  }
0x22d: {  	v21 =	vld [tilespmem:s11+$0x15300]  }
0x22e: {  	v23 =	vld [tilespmem:s11+$0x11310]  }
0x22f: {  	v37 =	vadd.f32 v6, v1;
	v24 =	vld [tilespmem:s11+$0x15310]  }
0x230: {  	v26 =	vld [tilespmem:s11+$0x11320];
	v3 =	vadd.f32 v35, v7  }
0x231: {  	v27 =	vld [tilespmem:s11+$0x15320];
	[tilespmem:s11+$0x193F0] =	vst v37;
	v2 =	vadd.f32 v2, v5  }
0x232: {  	v29 =	vld [tilespmem:s11+$0x11330];
	[tilespmem:s11+$0x19200] =	vst v3;
	v1 =	vadd.f32 v38, v36  }
0x233: {  	v30 =	vld [tilespmem:s11+$0x15330];
	[tilespmem:s11+$0x19210] =	vst v2;
	v0 =	vadd.f32 v40, v39  }
0x234: {  	v32 =	vld [tilespmem:s11+$0x11340];
	v47 =	vadd.f32 v42, v41;
	[tilespmem:s11+$0x19220] =	vst v1  }
0x235: {  	v33 =	vld [tilespmem:s11+$0x15340];
	v50 =	vadd.f32 v44, v43;
	[tilespmem:s11+$0x19230] =	vst v0  }
0x236: {  	v35 =	vld [tilespmem:s11+$0x11350];
	v53 =	vadd.f32 v46, v45;
	[tilespmem:s11+$0x19240] =	vst v47  }
0x237: {  	v56 =	vadd.f32 v49, v48;
	v36 =	vld [tilespmem:s11+$0x15350];
	[tilespmem:s11+$0x19250] =	vst v50  }
0x238: {  	v59 =	vadd.f32 v52, v51;
	v38 =	vld [tilespmem:s11+$0x11360];
	[tilespmem:s11+$0x19260] =	vst v53  }
0x239: {  	v62 =	vadd.f32 v55, v54;
	v39 =	vld [tilespmem:s11+$0x15360];
	[tilespmem:s11+$0x19270] =	vst v56  }
0x23a: {  	v10 =	vadd.f32 v58, v57;
	v41 =	vld [tilespmem:s11+$0x11370];
	[tilespmem:s11+$0x19280] =	vst v59  }
0x23b: {  	v13 =	vadd.f32 v61, v60;
	v42 =	vld [tilespmem:s11+$0x15370];
	[tilespmem:s11+$0x19290] =	vst v62  }
0x23c: {  	v16 =	vadd.f32 v9, v63;
	v44 =	vld [tilespmem:s11+$0x11380];
	[tilespmem:s11+$0x192A0] =	vst v10  }
0x23d: {  	v19 =	vadd.f32 v12, v11;
	v45 =	vld [tilespmem:s11+$0x15380];
	[tilespmem:s11+$0x192B0] =	vst v13  }
0x23e: {  	v22 =	vadd.f32 v15, v14;
	v48 =	vld [tilespmem:s11+$0x15390];
	[tilespmem:s11+$0x192C0] =	vst v16  }
0x23f: {  	v25 =	vadd.f32 v18, v17;
	v51 =	vld [tilespmem:s11+$0x153A0];
	[tilespmem:s11+$0x192D0] =	vst v19  }
0x240: {  	v28 =	vadd.f32 v21, v20;
	v54 =	vld [tilespmem:s11+$0x153B0];
	[tilespmem:s11+$0x192E0] =	vst v22  }
0x241: {  	v31 =	vadd.f32 v24, v23;
	v57 =	vld [tilespmem:s11+$0x153C0];
	[tilespmem:s11+$0x192F0] =	vst v25  }
0x242: {  	v34 =	vadd.f32 v27, v26;
	v60 =	vld [tilespmem:s11+$0x153D0];
	[tilespmem:s11+$0x19300] =	vst v28  }
0x243: {  	v37 =	vadd.f32 v30, v29;
	v61 =	vld [tilespmem:s11+$0x113E0];
	[tilespmem:s11+$0x19310] =	vst v31  }
0x244: {  	v40 =	vadd.f32 v33, v32;
	[tilespmem:s11+$0x19320] =	vst v34;
	v47 =	vld [tilespmem:s11+$0x11390]  }
0x245: {  	[tilespmem:s11+$0x19330] =	vst v37;
	v50 =	vld [tilespmem:s11+$0x113A0];
	v43 =	vadd.f32 v36, v35  }
0x246: {  	[tilespmem:s11+$0x19340] =	vst v40;
	v53 =	vld [tilespmem:s11+$0x113B0];
	v46 =	vadd.f32 v39, v38  }
0x247: {  	v56 =	vld [tilespmem:s11+$0x113C0];
	v49 =	vadd.f32 v42, v41;
	[tilespmem:s11+$0x19350] =	vst v43  }
0x248: {  	v59 =	vld [tilespmem:s11+$0x113D0];
	v52 =	vadd.f32 v45, v44;
	[tilespmem:s11+$0x19360] =	vst v46  }
0x249: {  	v62 =	vld [tilespmem:s11+$0x153E0];
	[tilespmem:s11+$0x19370] =	vst v49;
	v55 =	vadd.f32 v48, v47  }
0x24a: {  	[tilespmem:s11+$0x19380] =	vst v52;
	v58 =	vadd.f32 v51, v50  }
0x24b: {  	v1 =	vadd.f32 v54, v53;
	[tilespmem:s11+$0x19390] =	vst v55  }
.Ltmp8:
0x24c: {  	v3 =	vadd.f32 v57, v56;
	[tilespmem:s11+$0x193A0] =	vst v58;
	(pc) =	sbr.rel .LBB2_10-.Ltmp8, $4  }
0x24d: {  	v63 =	vadd.f32 v60, v59;
	[tilespmem:s11+$0x193B0] =	vst v1  }
0x24e: {  	v0 =	vadd.f32 v62, v61;
	[tilespmem:s11+$0x193C0] =	vst v3  }
0x24f: {  	[tilespmem:s11+$0x193D0] =	vst v63  }
0x250: {  	[tilespmem:s11+$0x193E0] =	vst v0  }
.LBB2_12:
0x251: {  	_ =	sfence.sel $0x180000  }
0x252: {  	[bflag:$0x0] =	sbarrier.arrive $0xFFFF  }
0x253: {  	_ =	strace $0x90000047  }
0x254: {  	s0 =	stileid.u32;
	[bflag:$0x2] =	sbarrier.arrive $0xFFFF  }
0x255: {  	p0 =	sne.s32 s0, $0x0;
	s0 =	rddreg [dreg:$0x3]  }
0x256: {  	s0 =	sadd.s32 @!p0 $0x100000, s0  }
0x257: {  	[sflag:s0] =	ssyncadd.tile.s32 @!p0 $0x1;
	_ =	shalt  }
.Lfunc_end2:
_tile_overlayer_lowered:
.L_overlay_start_2:
0x258: {  	(tag) =	ssettag $0x2  }
0x259: {  	s0 =	rddreg [dreg:$0x0];
	s2 =	stileid.u32  }
0x25a: {  	s1 =	rddreg [dreg:$0x1];
	p0 =	sne.s32 s2, $0x0  }
0x25b: {  	s3 =	rddreg [dreg:$0x2];
	[bflag:$0x3] =	sbarrier.arrive $0xFFFF;
	s2 =	simm.s32 @!p0 $0x1C07  }
0x25c: {  	[timem:s3], [sflag:s2] =	dma.local @!p0 [hbm:s0], s1  }
0x25d: {  	s0 =	simm.s32 @!p0 $0x7  }
0x25e: {  	_ =	swait.ge @!p0 [sflag:s0], s1  }
0x25f: {  	s1 =	ssub.s32 @!p0 $0x0, s1;
	[sflag:s0] =	ssyncset.done @!p0 $0x0  }
0x260: {  	[sflag:s0] =	ssyncadd.s32 @!p0 s1  }
0x261: {  	[bflag:$0x3] =	sbarrier.arrive $0xFFFF  }
0x262: {  	_ =	shalt  }

</sc_bundles>
